<compile_context>
chip_gen: v7x
topology: tpu7x:2x2x1
jax: 0.10.2.dev20260603
libtpu: 0.0.44.dev20260713+nightly
codegen_flags: <defaults>
</compile_context>

<pallas_src>
import functools

import numpy as np
import jax
import jax.numpy as jnp
from jax import lax
from jax.experimental import pallas as pl
from jax.experimental.pallas import tpu as pltpu
from jax.experimental.pallas import tpu_sc as plsc

D1 = 768
D2 = 256
K = 1024
H = 8
NB = 3
DFF = 4 * D2
DK = D2 // H
B = 8
S = 576
N = B * S

def _mm(a, b):
    return jax.lax.dot_general(a, b, (((1,), (0,)), ((), ())),
                               preferred_element_type=jnp.float32)


def _mm_k256(a, b):
    kd = a.shape[1]
    acc = _mm(a[:, 0:256], b[0:256])
    for o in range(256, kd, 256):
        acc = acc + _mm(a[:, o:o + 256], b[o:o + 256])
    return acc


def _erfc(x):
    ax = jnp.abs(x)
    x2 = x * x
    p = jnp.float32(7.85386146e-05)
    for c in (-0.000801019371, 0.00518832775, -0.0268538129, 0.112835854,
              -0.37612626, 1.12837911):
        p = p * x2 + jnp.float32(c)
    one_minus_erf = 1.0 - x * p
    nx2 = -x2
    e_over_ax = jnp.exp(nx2) * (1.0 / ax)
    z = 1.0 / x2
    q1 = jnp.float32(0.0232682)
    for c in (-0.138703942, 0.368742466, -0.582473278, 0.621000469,
              -0.494451523, 0.340488, -0.274112701, 0.563825965):
        q1 = q1 * z + jnp.float32(c)
    q2 = jnp.float32(-10.477664)
    for c in (12.9772, -7.49551868, 2.92101908, -1.01526523, 0.42184633,
              -0.282076746, 0.564189494):
        q2 = q2 * z + jnp.float32(c)
    poly = jnp.where(ax < 2.0, q1, q2)
    r = e_over_ax * poly
    r = jnp.where(nx2 < -88.7228394, 0.0, r)
    r = jnp.where(x < 0.0, 2.0 - r, r)
    return jnp.where(ax < 1.0, one_minus_erf, r)


def _mm_t(a, b):
    return jax.lax.dot_general(a, b, (((1,), (1,)), ((), ())),
                               preferred_element_type=jnp.float32)


def _layernorm(x, g, b, eps=1e-5):
    mu = jnp.mean(x, axis=-1, keepdims=True)
    var = jnp.var(x, axis=-1, keepdims=True)
    return (x - mu) / jnp.sqrt(var + eps) * g + b


def _encoder_body(x_ref, *refs):
    out_ref = refs[-1]
    wrefs = refs[:-1]
    wp = wrefs[0][...]
    bp = wrefs[1][...]
    h = _mm(x_ref[0], wp) + bp
    pos = 2
    for _ in range(NB):
        (wq, bq, wk, bk, wv, bv, wo, bo, g1, be1, w1, bf1, w2, bf2, g2, be2) = [
            wrefs[pos + i][...] for i in range(16)]
        pos += 16
        q = _mm(h, wq) + bq
        k = _mm(h, wk) + bk
        v = _mm(h, wv) + bv
        ctx_parts = []
        for hd in range(H):
            sl = slice(hd * DK, (hd + 1) * DK)
            qh = q[:, sl]
            kh = k[:, sl]
            vh = v[:, sl]
            s = _mm_t(qh, kh) / np.sqrt(DK)
            a = jax.nn.softmax(s, axis=-1)
            ctx_parts.append(_mm(a, vh))
        ctx = jnp.concatenate(ctx_parts, axis=1)
        attn_out = _mm(ctx, wo) + bo
        h = _layernorm(h + attn_out, g1, be1)
        z = _mm(h, w1) + bf1
        ffh = 0.5 * z * _erfc(-z * np.sqrt(0.5).astype(np.float32))
        ff = _mm_k256(ffh, w2) + bf2
        h = _layernorm(h + ff, g2, be2)
    out_ref[0] = _layernorm(h, wrefs[pos][...], wrefs[pos + 1][...])


def _run_encoder(x, flat_w):
    w_specs = [pl.BlockSpec(w.shape, lambda b, nd=w.ndim: (0,) * nd)
               for w in flat_w]
    return pl.pallas_call(
        _encoder_body,
        grid=(B,),
        in_specs=[pl.BlockSpec((1, S, D1), lambda b: (b, 0, 0))] + w_specs,
        out_specs=pl.BlockSpec((1, S, D2), lambda b: (b, 0, 0)),
        out_shape=jax.ShapeDtypeStruct((B, S, D2), jnp.float32),
        compiler_params=pltpu.CompilerParams(
            dimension_semantics=("arbitrary",)),
    )(x, *flat_w)


def _sc_gather(idx_flat, table):
    mesh = plsc.VectorSubcoreMesh(core_axis_name="c", subcore_axis_name="s")

    @functools.partial(
        pl.kernel, mesh=mesh,
        out_type=jax.ShapeDtypeStruct((N, D2), jnp.float32),
        scratch_types=[
            pltpu.VMEM((72,), jnp.int32),
            pltpu.VMEM((72, D2), jnp.float32),
            pltpu.SemaphoreType.DMA,
        ],
    )
    def k(idx_hbm, table_hbm, out_hbm, idx_v, rows_v, sem):
        wid = lax.axis_index("s") * 2 + lax.axis_index("c")
        for c in range(2):
            base = wid * 144 + c * 72
            pltpu.sync_copy(idx_hbm.at[pl.ds(base, 72)], idx_v)
            pltpu.async_copy(table_hbm.at[idx_v], rows_v, sem).wait()
            pltpu.sync_copy(rows_v, out_hbm.at[pl.ds(base, 72)])

    return k(idx_flat, table)


def _vq_body(flat_ref, et_ref, idx_ref, loss_ref, perp_ref,
             counts_acc, dsum_acc):
    step = pl.program_id(0)
    f = flat_ref[...]
    et = et_ref[...]
    a = jnp.sum(f * f, axis=1, keepdims=True)
    b2 = jnp.sum(et * et, axis=0, keepdims=True)
    m = _mm(f, et)
    dist = (a + b2) - 2.0 * m
    dmin = jnp.min(dist, axis=1, keepdims=True)
    iota = lax.broadcasted_iota(jnp.int32, (S, K), 1)
    cand = jnp.where(dist == dmin, iota, K)
    idxc = jnp.min(cand, axis=1, keepdims=True)
    idx_ref[0] = idxc
    oneh = (iota == idxc).astype(jnp.float32)

    @pl.when(step == 0)
    def _init():
        counts_acc[...] = jnp.zeros_like(counts_acc)
        dsum_acc[0] = 0.0

    counts_acc[...] += jnp.sum(oneh, axis=0, keepdims=True)
    dsum_acc[0] += jnp.sum(dmin)

    @pl.when(step == B - 1)
    def _finalize():
        p = counts_acc[...] / float(N)
        ent = jnp.sum(p * jnp.log(p + 1e-10))
        perp_ref[0, 0] = jnp.exp(-ent)
        t = dsum_acc[0] / float(N * D2)
        loss_ref[0, 0] = t + 0.25 * t


def _run_vq(flat, et):
    return pl.pallas_call(
        _vq_body,
        grid=(B,),
        in_specs=[
            pl.BlockSpec((S, D2), lambda b: (b, 0)),
            pl.BlockSpec((D2, K), lambda b: (0, 0)),
        ],
        out_specs=[
            pl.BlockSpec((1, S, 1), lambda b: (b, 0, 0)),
            pl.BlockSpec(memory_space=pltpu.SMEM),
            pl.BlockSpec(memory_space=pltpu.SMEM),
        ],
        out_shape=[
            jax.ShapeDtypeStruct((B, S, 1), jnp.int32),
            jax.ShapeDtypeStruct((1, 1), jnp.float32),
            jax.ShapeDtypeStruct((1, 1), jnp.float32),
        ],
        scratch_shapes=[
            pltpu.VMEM((1, K), jnp.float32),
            pltpu.SMEM((1,), jnp.float32),
        ],
        compiler_params=pltpu.CompilerParams(
            dimension_semantics=("arbitrary",)),
    )(flat, et)


def kernel(x, params):
    wp, bp = params['proj']
    flat_w = [wp, bp.reshape(1, D2)]
    for blk in params['blocks']:
        wq, bq = blk['wq']
        wk, bk = blk['wk']
        wv, bv = blk['wv']
        wo, bo = blk['wo']
        g1, be1 = blk['ln1']
        g2, be2 = blk['ln2']
        w1, bf1 = blk['ff1']
        w2, bf2 = blk['ff2']
        flat_w += [wq, bq.reshape(1, D2), wk, bk.reshape(1, D2),
                   wv, bv.reshape(1, D2), wo, bo.reshape(1, D2),
                   g1.reshape(1, D2), be1.reshape(1, D2),
                   w1, bf1.reshape(1, DFF), w2, bf2.reshape(1, D2),
                   g2.reshape(1, D2), be2.reshape(1, D2)]
    gp, bpre = params['pre_ln']
    flat_w += [gp.reshape(1, D2), bpre.reshape(1, D2)]

    h = _run_encoder(x, flat_w)
    flat = h.reshape(N, D2)
    et = params['codebook'].T
    idx3, loss, perp = _run_vq(flat, et)
    idx = idx3.reshape(B, S)
    table = params['codebook'].astype(jnp.bfloat16).astype(jnp.float32)
    quant = _sc_gather(idx3.reshape(N), table)
    quant_st = quant.reshape(B, S, D2)
    return quant_st, loss.reshape(()), perp.reshape(()), idx

# --- scband reference (transcript-rebuilt; emitter-appended) ---
"""Pipeline reference for scband-vqvaeencoder-39367670235394 (READ-ONLY COPY).

The authoritative reference and input builder live on the scoring server;
editing this copy changes nothing except your own understanding.
"""

import jax, jax.numpy as jnp
import numpy as np

D1 = 768; D2 = 256; K = 1024; H = 8; NB = 3; DFF = 4 * D2; DK = D2 // H


def _lin(k, din, dout):
    k1, k2 = jax.random.split(k)
    lim = 1.0 / np.sqrt(din)
    W = jax.random.uniform(k1, (din, dout), minval=-lim, maxval=lim, dtype=jnp.float32)
    b = jax.random.uniform(k2, (dout,), minval=-lim, maxval=lim, dtype=jnp.float32)
    return W, b


def setup_inputs(seed: int = 0):
    key = jax.random.key(seed)
    ks = jax.random.split(key, 40)
    x = jax.random.normal(ks[0], (8, 576, D1), dtype=jnp.float32)
    params = {}
    params['proj'] = _lin(ks[1], D1, D2)
    blocks = []
    for i in range(NB):
        kk = jax.random.split(ks[2 + i], 6)
        blk = {
            'wq': _lin(kk[0], D2, D2), 'wk': _lin(kk[1], D2, D2),
            'wv': _lin(kk[2], D2, D2), 'wo': _lin(kk[3], D2, D2),
            'ln1': (jnp.ones(D2, jnp.float32), jnp.zeros(D2, jnp.float32)),
            'ln2': (jnp.ones(D2, jnp.float32), jnp.zeros(D2, jnp.float32)),
            'ff1': _lin(kk[4], D2, DFF), 'ff2': _lin(kk[5], DFF, D2),
        }
        blocks.append(blk)
    params['blocks'] = blocks
    params['pre_ln'] = (jnp.ones(D2, jnp.float32), jnp.zeros(D2, jnp.float32))
    params['codebook'] = jax.random.uniform(ks[10], (K, D2), minval=-1.0 / K, maxval=1.0 / K, dtype=jnp.float32)
    return {'x': x, 'params': params}


def _layernorm(x, g, b, eps=1e-5):
    mu = jnp.mean(x, axis=-1, keepdims=True)
    var = jnp.var(x, axis=-1, keepdims=True)
    return (x - mu) / jnp.sqrt(var + eps) * g + b


def _mhsa(x, blk):
    B, S, _ = x.shape
    def proj(p):
        W, b = p
        return (x @ W + b).reshape(B, S, H, DK).transpose(0, 2, 1, 3)
    q = proj(blk['wq']); k = proj(blk['wk']); v = proj(blk['wv'])
    scores = jnp.einsum('bhqd,bhkd->bhqk', q, k) / np.sqrt(DK)
    attn = jax.nn.softmax(scores, axis=-1)
    ctx = jnp.einsum('bhqk,bhkd->bhqd', attn, v)
    ctx = ctx.transpose(0, 2, 1, 3).reshape(B, S, D2)
    Wo, bo = blk['wo']
    return ctx @ Wo + bo


def _block(x, blk):
    a = _mhsa(x, blk)
    x = _layernorm(x + a, *blk['ln1'])
    W1, b1 = blk['ff1']; W2, b2 = blk['ff2']
    h = jax.nn.gelu(x @ W1 + b1, approximate=False)
    ff = h @ W2 + b2
    x = _layernorm(x + ff, *blk['ln2'])
    return x


def reference(x, params):
    Wp, bp = params['proj']
    h = x @ Wp + bp
    for blk in params['blocks']:
        h = _block(h, blk)
    h = _layernorm(h, *params['pre_ln'])
    B, S, _ = h.shape
    flat = h.reshape(-1, D2)
    E = params['codebook']
    dist = jnp.sum(flat ** 2, axis=1, keepdims=True) + jnp.sum(E ** 2, axis=1) - 2.0 * (flat @ E.T)
    idx = jnp.argmin(dist, axis=1)
    onehot = jax.nn.one_hot(idx, K, dtype=flat.dtype)
    quant = (onehot @ E).reshape(B, S, D2)
    sg = jax.lax.stop_gradient
    e_latent_loss = jnp.mean((sg(quant) - h) ** 2)
    q_latent_loss = jnp.mean((quant - sg(h)) ** 2)
    loss = q_latent_loss + 0.25 * e_latent_loss
    quant_st = h + sg(quant - h)
    avg_probs = jnp.mean(onehot, axis=0)
    perplexity = jnp.exp(-jnp.sum(avg_probs * jnp.log(avg_probs + 1e-10)))
    return quant_st, loss, perplexity, idx.reshape(B, S)

if __name__ == "__main__":
    import jax
    _d = setup_inputs()
    print(jax.jit(kernel)(*tuple(_d.values())))

</pallas_src>

<mosaic_0001>
#map = affine_map<(d0, d1) -> (0)>
#map1 = affine_map<(d0, d1) -> (0, 0)>
module attributes {stable_mosaic.version = 14 : i64} {
  func.func @k(%arg0: i32, %arg1: i32, %arg2: memref<4608xi32, #tpu.memory_space<hbm>>, %arg3: memref<1024x256xf32, #tpu.memory_space<hbm>>, %arg4: memref<4608x256xf32, #tpu.memory_space<hbm>>, %arg5: memref<72xi32, #tpu.memory_space<vmem>>, %arg6: memref<72x256xf32, #tpu.memory_space<vmem>>, %arg7: memref<!tpu.dma_semaphore, #tpu.memory_space<semaphore_mem>>) attributes {dimension_semantics = [#tpu.dimension_semantics<core_parallel>, #tpu.dimension_semantics<subcore_parallel>], iteration_bounds = array<i64: 2, 16>, scalar_prefetch = 0 : i64, scratch_operands = 3 : i64, tpu.core_type = #tpu.core_type<sc_vector_subcore>, window_params = [{transform_indices = #map}, {transform_indices = #map1}, {transform_indices = #map1}]} {
    %mul3A = arith.constant 2 : i32
    %mul3A_0 = arith.muli %arg1, %mul3A : i32
    %add3A = arith.addi %mul3A_0, %arg0 : i32
    %mul3A_1 = arith.constant 144 : i32
    %mul3A_2 = arith.muli %add3A, %mul3A_1 : i32
    %add3A_3 = arith.constant 0 : i32
    %add3A_4 = arith.addi %mul3A_2, %add3A_3 : i32
    "tpu.region"() ({
      %run_scoped3A = tpu.sem_alloc : memref<!tpu.dma_semaphore, #tpu.memory_space<semaphore_mem>>
      %dma_start3A_19 = tpu.memref_slice %arg2[%add3A_4] : memref<4608xi32, #tpu.memory_space<hbm>> -> memref<72xi32, #tpu.memory_space<hbm>>
      %dma_start3A_20 = tpu.memref_slice %arg2[%add3A_4] : memref<4608xi32, #tpu.memory_space<hbm>> -> memref<72xi32, #tpu.memory_space<hbm>>
      tpu.enqueue_dma source(%dma_start3A_20 : memref<72xi32, #tpu.memory_space<hbm>>) target(%arg5 : memref<72xi32, #tpu.memory_space<vmem>>) target_semaphore(%run_scoped3A : memref<!tpu.dma_semaphore, #tpu.memory_space<semaphore_mem>>)
      %dma_wait3A_21 = tpu.memref_slice %arg2[%add3A_4] : memref<4608xi32, #tpu.memory_space<hbm>> -> memref<72xi32, #tpu.memory_space<hbm>>
      %dma_wait3A_22 = tpu.memref_slice %arg2[%add3A_4] : memref<4608xi32, #tpu.memory_space<hbm>> -> memref<72xi32, #tpu.memory_space<hbm>>
      tpu.wait_dma2 semaphore(%run_scoped3A : memref<!tpu.dma_semaphore, #tpu.memory_space<semaphore_mem>>) src(%dma_wait3A_22 : memref<72xi32, #tpu.memory_space<hbm>>) dst(%arg5 : memref<72xi32, #tpu.memory_space<vmem>>)
      tpu.yield
    }) : () -> ()
    %dma_start3A = arith.constant 0 : i32
    %dma_start3A_5 = arith.constant 0 : i32
    %dma_start3A_6 = tpu.memref_slice %arg3[%dma_start3A, %dma_start3A_5] : memref<1024x256xf32, #tpu.memory_space<hbm>> -> memref<1024x256xf32, #tpu.memory_space<hbm>>
    tpu.enqueue_indirect_dma source(%dma_start3A_6 : memref<1024x256xf32, #tpu.memory_space<hbm>>) target(%arg6 : memref<72x256xf32, #tpu.memory_space<vmem>>) offsets(%arg5 : memref<72xi32, #tpu.memory_space<vmem>>) semaphore(%arg7 : memref<!tpu.dma_semaphore, #tpu.memory_space<semaphore_mem>>)
    %dma_wait3A = arith.constant 0 : i32
    %dma_wait3A_7 = arith.constant 0 : i32
    %dma_wait3A_8 = tpu.memref_slice %arg3[%dma_wait3A, %dma_wait3A_7] : memref<1024x256xf32, #tpu.memory_space<hbm>> -> memref<1024x256xf32, #tpu.memory_space<hbm>>
    tpu.wait_indirect_dma semaphore(%arg7 : memref<!tpu.dma_semaphore, #tpu.memory_space<semaphore_mem>>) src(%dma_wait3A_8 : memref<1024x256xf32, #tpu.memory_space<hbm>>) dst(%arg6 : memref<72x256xf32, #tpu.memory_space<vmem>>)
    "tpu.region"() ({
      %run_scoped3A = tpu.sem_alloc : memref<!tpu.dma_semaphore, #tpu.memory_space<semaphore_mem>>
      %dma_start3A_19 = arith.constant 0 : i32
      %dma_start3A_20 = tpu.memref_slice %arg4[%add3A_4, %dma_start3A_19] : memref<4608x256xf32, #tpu.memory_space<hbm>> -> memref<72x256xf32, #tpu.memory_space<hbm>>
      %dma_start3A_21 = arith.constant 0 : i32
      %dma_start3A_22 = tpu.memref_slice %arg4[%add3A_4, %dma_start3A_21] : memref<4608x256xf32, #tpu.memory_space<hbm>> -> memref<72x256xf32, #tpu.memory_space<hbm>>
      tpu.enqueue_dma source(%arg6 : memref<72x256xf32, #tpu.memory_space<vmem>>) target(%dma_start3A_22 : memref<72x256xf32, #tpu.memory_space<hbm>>) target_semaphore(%run_scoped3A : memref<!tpu.dma_semaphore, #tpu.memory_space<semaphore_mem>>)
      %dma_wait3A_23 = arith.constant 0 : i32
      %dma_wait3A_24 = tpu.memref_slice %arg4[%add3A_4, %dma_wait3A_23] : memref<4608x256xf32, #tpu.memory_space<hbm>> -> memref<72x256xf32, #tpu.memory_space<hbm>>
      %dma_wait3A_25 = arith.constant 0 : i32
      %dma_wait3A_26 = tpu.memref_slice %arg4[%add3A_4, %dma_wait3A_25] : memref<4608x256xf32, #tpu.memory_space<hbm>> -> memref<72x256xf32, #tpu.memory_space<hbm>>
      tpu.wait_dma2 semaphore(%run_scoped3A : memref<!tpu.dma_semaphore, #tpu.memory_space<semaphore_mem>>) src(%arg6 : memref<72x256xf32, #tpu.memory_space<vmem>>) dst(%dma_wait3A_26 : memref<72x256xf32, #tpu.memory_space<hbm>>)
      tpu.yield
    }) : () -> ()
    %mul3A_9 = arith.constant 144 : i32
    %mul3A_10 = arith.muli %add3A, %mul3A_9 : i32
    %add3A_11 = arith.constant 72 : i32
    %add3A_12 = arith.addi %mul3A_10, %add3A_11 : i32
    "tpu.region"() ({
      %run_scoped3A = tpu.sem_alloc : memref<!tpu.dma_semaphore, #tpu.memory_space<semaphore_mem>>
      %dma_start3A_19 = tpu.memref_slice %arg2[%add3A_12] : memref<4608xi32, #tpu.memory_space<hbm>> -> memref<72xi32, #tpu.memory_space<hbm>>
      %dma_start3A_20 = tpu.memref_slice %arg2[%add3A_12] : memref<4608xi32, #tpu.memory_space<hbm>> -> memref<72xi32, #tpu.memory_space<hbm>>
      tpu.enqueue_dma source(%dma_start3A_20 : memref<72xi32, #tpu.memory_space<hbm>>) target(%arg5 : memref<72xi32, #tpu.memory_space<vmem>>) target_semaphore(%run_scoped3A : memref<!tpu.dma_semaphore, #tpu.memory_space<semaphore_mem>>)
      %dma_wait3A_21 = tpu.memref_slice %arg2[%add3A_12] : memref<4608xi32, #tpu.memory_space<hbm>> -> memref<72xi32, #tpu.memory_space<hbm>>
      %dma_wait3A_22 = tpu.memref_slice %arg2[%add3A_12] : memref<4608xi32, #tpu.memory_space<hbm>> -> memref<72xi32, #tpu.memory_space<hbm>>
      tpu.wait_dma2 semaphore(%run_scoped3A : memref<!tpu.dma_semaphore, #tpu.memory_space<semaphore_mem>>) src(%dma_wait3A_22 : memref<72xi32, #tpu.memory_space<hbm>>) dst(%arg5 : memref<72xi32, #tpu.memory_space<vmem>>)
      tpu.yield
    }) : () -> ()
    %dma_start3A_13 = arith.constant 0 : i32
    %dma_start3A_14 = arith.constant 0 : i32
    %dma_start3A_15 = tpu.memref_slice %arg3[%dma_start3A_13, %dma_start3A_14] : memref<1024x256xf32, #tpu.memory_space<hbm>> -> memref<1024x256xf32, #tpu.memory_space<hbm>>
    tpu.enqueue_indirect_dma source(%dma_start3A_15 : memref<1024x256xf32, #tpu.memory_space<hbm>>) target(%arg6 : memref<72x256xf32, #tpu.memory_space<vmem>>) offsets(%arg5 : memref<72xi32, #tpu.memory_space<vmem>>) semaphore(%arg7 : memref<!tpu.dma_semaphore, #tpu.memory_space<semaphore_mem>>)
    %dma_wait3A_16 = arith.constant 0 : i32
    %dma_wait3A_17 = arith.constant 0 : i32
    %dma_wait3A_18 = tpu.memref_slice %arg3[%dma_wait3A_16, %dma_wait3A_17] : memref<1024x256xf32, #tpu.memory_space<hbm>> -> memref<1024x256xf32, #tpu.memory_space<hbm>>
    tpu.wait_indirect_dma semaphore(%arg7 : memref<!tpu.dma_semaphore, #tpu.memory_space<semaphore_mem>>) src(%dma_wait3A_18 : memref<1024x256xf32, #tpu.memory_space<hbm>>) dst(%arg6 : memref<72x256xf32, #tpu.memory_space<vmem>>)
    "tpu.region"() ({
      %run_scoped3A = tpu.sem_alloc : memref<!tpu.dma_semaphore, #tpu.memory_space<semaphore_mem>>
      %dma_start3A_19 = arith.constant 0 : i32
      %dma_start3A_20 = tpu.memref_slice %arg4[%add3A_12, %dma_start3A_19] : memref<4608x256xf32, #tpu.memory_space<hbm>> -> memref<72x256xf32, #tpu.memory_space<hbm>>
      %dma_start3A_21 = arith.constant 0 : i32
      %dma_start3A_22 = tpu.memref_slice %arg4[%add3A_12, %dma_start3A_21] : memref<4608x256xf32, #tpu.memory_space<hbm>> -> memref<72x256xf32, #tpu.memory_space<hbm>>
      tpu.enqueue_dma source(%arg6 : memref<72x256xf32, #tpu.memory_space<vmem>>) target(%dma_start3A_22 : memref<72x256xf32, #tpu.memory_space<hbm>>) target_semaphore(%run_scoped3A : memref<!tpu.dma_semaphore, #tpu.memory_space<semaphore_mem>>)
      %dma_wait3A_23 = arith.constant 0 : i32
      %dma_wait3A_24 = tpu.memref_slice %arg4[%add3A_12, %dma_wait3A_23] : memref<4608x256xf32, #tpu.memory_space<hbm>> -> memref<72x256xf32, #tpu.memory_space<hbm>>
      %dma_wait3A_25 = arith.constant 0 : i32
      %dma_wait3A_26 = tpu.memref_slice %arg4[%add3A_12, %dma_wait3A_25] : memref<4608x256xf32, #tpu.memory_space<hbm>> -> memref<72x256xf32, #tpu.memory_space<hbm>>
      tpu.wait_dma2 semaphore(%run_scoped3A : memref<!tpu.dma_semaphore, #tpu.memory_space<semaphore_mem>>) src(%arg6 : memref<72x256xf32, #tpu.memory_space<vmem>>) dst(%dma_wait3A_26 : memref<72x256xf32, #tpu.memory_space<hbm>>)
      tpu.yield
    }) : () -> ()
    return
  }
}

module attributes {stable_mosaic.version = 14 : i64} {
  func.func @_vq_body(%arg0: i32, %arg1: memref<576x256xf32, #tpu.memory_space<vmem>>, %arg2: memref<256x1024xf32, #tpu.memory_space<vmem>>, %arg3: memref<1x576x1xi32, #tpu.memory_space<vmem>>, %arg4: memref<1x1xf32, #tpu.memory_space<smem>>, %arg5: memref<1x1xf32, #tpu.memory_space<smem>>, %arg6: memref<1x1024xf32, #tpu.memory_space<vmem>>, %arg7: memref<1xf32, #tpu.memory_space<smem>>) attributes {dimension_semantics = [#tpu.dimension_semantics<arbitrary>], iteration_bounds = array<i64: 8>, scalar_prefetch = 0 : i64, scratch_operands = 2 : i64, tpu.core_type = #tpu.core_type<tc>, window_params = [{transform_indices = @transform_0, window_bounds = array<i64: 576, 256>}, {pipeline_mode = #tpu.pipeline_mode<synchronous>, transform_indices = @transform_1, window_bounds = array<i64: 256, 1024>}, {transform_indices = @transform_2, window_bounds = array<i64: 1, 576, 1>}, {transform_indices = @transform_3, window_bounds = array<i64: 1, 1>}, {transform_indices = @transform_4, window_bounds = array<i64: 1, 1>}]} {
    %get3A = arith.constant 0 : index
    %get3A_0 = arith.constant 0 : index
    %get3A_1 = vector.load %arg1[%get3A, %get3A_0] : memref<576x256xf32, #tpu.memory_space<vmem>>, vector<576x256xf32>
    %get3A_2 = arith.constant 0 : index
    %get3A_3 = arith.constant 0 : index
    %get3A_4 = vector.load %arg2[%get3A_2, %get3A_3] : memref<256x1024xf32, #tpu.memory_space<vmem>>, vector<256x1024xf32>
    %mul3A = arith.mulf %get3A_1, %get3A_1 : vector<576x256xf32>
    %reduce_sum3A = arith.constant dense<0.000000e+00> : vector<576xf32>
    %reduce_sum3A_5 = vector.multi_reduction <add>, %mul3A, %reduce_sum3A [1] : vector<576x256xf32> to vector<576xf32>
    %broadcast_in_dim3A = vector.shape_cast %reduce_sum3A_5 : vector<576xf32> to vector<576x1xf32>
    %mul3A_6 = arith.mulf %get3A_4, %get3A_4 : vector<256x1024xf32>
    %reduce_sum3A_7 = arith.constant dense<0.000000e+00> : vector<1024xf32>
    %reduce_sum3A_8 = vector.multi_reduction <add>, %mul3A_6, %reduce_sum3A_7 [0] : vector<256x1024xf32> to vector<1024xf32>
    %broadcast_in_dim3A_9 = vector.shape_cast %reduce_sum3A_8 : vector<1024xf32> to vector<1x1024xf32>
    %dot_general3A = arith.constant dense<0.000000e+00> : vector<576x1024xf32>
    %dot_general3A_10 = tpu.matmul %get3A_1, %get3A_4, %dot_general3A {dimension_numbers = #tpu.dot_dimension_numbers<[1], [0], [0], [1], [0, 0, 1, 1], [], []>, transpose_lhs_hint = false} : vector<576x256xf32>, vector<256x1024xf32>, vector<576x1024xf32> -> vector<576x1024xf32>
    %add3A = vector.broadcast %broadcast_in_dim3A : vector<576x1xf32> to vector<576x1024xf32>
    %add3A_11 = vector.broadcast %broadcast_in_dim3A_9 : vector<1x1024xf32> to vector<576x1024xf32>
    %add3A_12 = arith.addf %add3A, %add3A_11 : vector<576x1024xf32>
    %mul3A_13 = arith.constant 2.000000e+00 : f32
    %mul3A_14 = vector.broadcast %mul3A_13 : f32 to vector<576x1024xf32>
    %mul3A_15 = arith.mulf %mul3A_14, %dot_general3A_10 : vector<576x1024xf32>
    %sub3A = arith.subf %add3A_12, %mul3A_15 : vector<576x1024xf32>
    %reduce_min3A = arith.constant dense<0x7F800000> : vector<576xf32>
    %reduce_min3A_16 = vector.multi_reduction <minimumf>, %sub3A, %reduce_min3A [1] : vector<576x1024xf32> to vector<576xf32>
    %broadcast_in_dim3A_17 = vector.shape_cast %reduce_min3A_16 : vector<576xf32> to vector<576x1xf32>
    %iota3A = tpu.iota {dimensions = array<i32: 1>} : vector<576x1024xi32>
    %eq3A = vector.broadcast %broadcast_in_dim3A_17 : vector<576x1xf32> to vector<576x1024xf32>
    %eq3A_18 = arith.cmpf oeq, %sub3A, %eq3A : vector<576x1024xf32>
    %jit3A = arith.constant 1024 : i32
    %broadcast_in_dim3A_19 = vector.broadcast %jit3A : i32 to vector<576x1024xi32>
    %select_n3A = arith.select %eq3A_18, %iota3A, %broadcast_in_dim3A_19 : vector<576x1024xi1>, vector<576x1024xi32>
    %reduce_min3A_20 = arith.constant dense<2147483647> : vector<576xi32>
    %reduce_min3A_21 = vector.multi_reduction <minsi>, %select_n3A, %reduce_min3A_20 [1] : vector<576x1024xi32> to vector<576xi32>
    %broadcast_in_dim3A_22 = vector.shape_cast %reduce_min3A_21 : vector<576xi32> to vector<576x1xi32>
    %swap3A = arith.constant 0 : index
    %swap3A_23 = arith.constant 0 : index
    %swap3A_24 = arith.constant 0 : index
    %swap3A_25 = vector.load %arg3[%swap3A, %swap3A_23, %swap3A_24] : memref<1x576x1xi32, #tpu.memory_space<vmem>>, vector<1x576x1xi32>
    %swap3A_26 = vector.shape_cast %swap3A_25 : vector<1x576x1xi32> to vector<576x1xi32>
    %swap3A_27 = vector.shape_cast %broadcast_in_dim3A_22 : vector<576x1xi32> to vector<1x576x1xi32>
    tpu.vector_store %arg3[%swap3A, %swap3A_23, %swap3A_24], %swap3A_27 {strides = array<i32>} : memref<1x576x1xi32, #tpu.memory_space<vmem>>, vector<1x576x1xi32>,
    %eq3A_28 = vector.broadcast %broadcast_in_dim3A_22 : vector<576x1xi32> to vector<576x1024xi32>
    %eq3A_29 = arith.cmpi eq, %iota3A, %eq3A_28 : vector<576x1024xi32>
    %convert_element_type3A = arith.extui %eq3A_29 : vector<576x1024xi1> to vector<576x1024xi32>
    %convert_element_type3A_30 = arith.sitofp %convert_element_type3A : vector<576x1024xi32> to vector<576x1024xf32>
    %eq3A_31 = arith.constant 0 : i32
    %eq3A_32 = arith.cmpi eq, %arg0, %eq3A_31 : i32
    %convert_element_type3A_33 = arith.extui %eq3A_32 : i1 to i32
    %cond3A = arith.constant 0 : i32
    %cond3A_34 = arith.cmpi ne, %convert_element_type3A_33, %cond3A : i32
    scf.if %cond3A_34 {
      %broadcast_in_dim3A_60 = arith.constant 0.000000e+00 : f32
      %broadcast_in_dim3A_61 = vector.broadcast %broadcast_in_dim3A_60 : f32 to vector<1x1024xf32>
      %swap3A_62 = arith.constant 0 : index
      %swap3A_63 = arith.constant 0 : index
      %swap3A_64 = vector.load %arg6[%swap3A_62, %swap3A_63] : memref<1x1024xf32, #tpu.memory_space<vmem>>, vector<1x1024xf32>
      tpu.vector_store %arg6[%swap3A_62, %swap3A_63], %broadcast_in_dim3A_61 {strides = array<i32>} : memref<1x1024xf32, #tpu.memory_space<vmem>>, vector<1x1024xf32>,
      %swap3A_65 = arith.constant 0.000000e+00 : f32
      %swap3A_66 = arith.constant 0 : index
      %swap3A_67 = memref.load %arg7[%swap3A_66] : memref<1xf32, #tpu.memory_space<smem>>
      memref.store %swap3A_65, %arg7[%swap3A_66] : memref<1xf32, #tpu.memory_space<smem>>
    } else {
    }
    %get3A_35 = arith.constant 0 : index
    %get3A_36 = arith.constant 0 : index
    %get3A_37 = vector.load %arg6[%get3A_35, %get3A_36] : memref<1x1024xf32, #tpu.memory_space<vmem>>, vector<1x1024xf32>
    %reduce_sum3A_38 = arith.constant dense<0.000000e+00> : vector<1024xf32>
    %reduce_sum3A_39 = vector.multi_reduction <add>, %convert_element_type3A_30, %reduce_sum3A_38 [0] : vector<576x1024xf32> to vector<1024xf32>
    %broadcast_in_dim3A_40 = vector.shape_cast %reduce_sum3A_39 : vector<1024xf32> to vector<1x1024xf32>
    %add3A_41 = arith.addf %get3A_37, %broadcast_in_dim3A_40 : vector<1x1024xf32>
    %swap3A_42 = arith.constant 0 : index
    %swap3A_43 = arith.constant 0 : index
    %swap3A_44 = vector.load %arg6[%swap3A_42, %swap3A_43] : memref<1x1024xf32, #tpu.memory_space<vmem>>, vector<1x1024xf32>
    tpu.vector_store %arg6[%swap3A_42, %swap3A_43], %add3A_41 {strides = array<i32>} : memref<1x1024xf32, #tpu.memory_space<vmem>>, vector<1x1024xf32>,
    %get3A_45 = arith.constant 0 : index
    %get3A_46 = memref.load %arg7[%get3A_45] : memref<1xf32, #tpu.memory_space<smem>>
    %reduce_sum3A_47 = vector.shape_cast %broadcast_in_dim3A_17 : vector<576x1xf32> to vector<1x576x1xf32>
    %reduce_sum3A_48 = arith.constant dense<0.000000e+00> : vector<1xf32>
    %reduce_sum3A_49 = vector.multi_reduction <add>, %reduce_sum3A_47, %reduce_sum3A_48 [1, 2] : vector<1x576x1xf32> to vector<1xf32>
    %reduce_sum3A_50 = vector.shape_cast %reduce_sum3A_49 : vector<1xf32> to vector<1x1x1xf32>
    %reduce_sum3A_51 = vector.extract %reduce_sum3A_50[0, 0, 0] : f32 from vector<1x1x1xf32>
    %add3A_52 = arith.addf %get3A_46, %reduce_sum3A_51 : f32
    %swap3A_53 = arith.constant 0 : index
    %swap3A_54 = memref.load %arg7[%swap3A_53] : memref<1xf32, #tpu.memory_space<smem>>
    memref.store %add3A_52, %arg7[%swap3A_53] : memref<1xf32, #tpu.memory_space<smem>>
    %eq3A_55 = arith.constant 7 : i32
    %eq3A_56 = arith.cmpi eq, %arg0, %eq3A_55 : i32
    %convert_element_type3A_57 = arith.extui %eq3A_56 : i1 to i32
    %cond3A_58 = arith.constant 0 : i32
    %cond3A_59 = arith.cmpi ne, %convert_element_type3A_57, %cond3A_58 : i32
    scf.if %cond3A_59 {
      %get3A_60 = arith.constant 0 : index
      %get3A_61 = arith.constant 0 : index
      %get3A_62 = vector.load %arg6[%get3A_60, %get3A_61] : memref<1x1024xf32, #tpu.memory_space<vmem>>, vector<1x1024xf32>
      %div3A = arith.constant 4.608000e+03 : f32
      %div3A_63 = vector.broadcast %div3A : f32 to vector<1x1024xf32>
      %div3A_64 = arith.divf %get3A_62, %div3A_63 : vector<1x1024xf32>
      %add3A_65 = arith.constant 1.000000e-10 : f32
      %add3A_66 = vector.broadcast %add3A_65 : f32 to vector<1x1024xf32>
      %add3A_67 = arith.addf %div3A_64, %add3A_66 : vector<1x1024xf32>
      %log3A = math.log %add3A_67 : vector<1x1024xf32>
      %mul3A_68 = arith.mulf %div3A_64, %log3A : vector<1x1024xf32>
      %reduce_sum3A_69 = vector.shape_cast %mul3A_68 : vector<1x1024xf32> to vector<1x1x1024xf32>
      %reduce_sum3A_70 = arith.constant dense<0.000000e+00> : vector<1xf32>
      %reduce_sum3A_71 = vector.multi_reduction <add>, %reduce_sum3A_69, %reduce_sum3A_70 [1, 2] : vector<1x1x1024xf32> to vector<1xf32>
      %reduce_sum3A_72 = vector.shape_cast %reduce_sum3A_71 : vector<1xf32> to vector<1x1x1xf32>
      %reduce_sum3A_73 = vector.extract %reduce_sum3A_72[0, 0, 0] : f32 from vector<1x1x1xf32>
      %neg3A = arith.constant 0.000000e+00 : f32
      %neg3A_74 = arith.subf %neg3A, %reduce_sum3A_73 : f32
      %exp3A = math.exp %neg3A_74 : f32
      %swap3A_75 = arith.constant 0 : index
      %swap3A_76 = arith.constant 0 : index
      %swap3A_77 = memref.load %arg5[%swap3A_75, %swap3A_76] : memref<1x1xf32, #tpu.memory_space<smem>>
      memref.store %exp3A, %arg5[%swap3A_75, %swap3A_76] : memref<1x1xf32, #tpu.memory_space<smem>>
      %get3A_78 = arith.constant 0 : index
      %get3A_79 = memref.load %arg7[%get3A_78] : memref<1xf32, #tpu.memory_space<smem>>
      %div3A_80 = arith.constant 0x49900000 : f32
      %div3A_81 = arith.divf %get3A_79, %div3A_80 : f32
      %mul3A_82 = arith.constant 2.500000e-01 : f32
      %mul3A_83 = arith.mulf %mul3A_82, %div3A_81 : f32
      %add3A_84 = arith.addf %div3A_81, %mul3A_83 : f32
      %swap3A_85 = arith.constant 0 : index
      %swap3A_86 = arith.constant 0 : index
      %swap3A_87 = memref.load %arg4[%swap3A_85, %swap3A_86] : memref<1x1xf32, #tpu.memory_space<smem>>
      memref.store %add3A_84, %arg4[%swap3A_85, %swap3A_86] : memref<1x1xf32, #tpu.memory_space<smem>>
    } else {
    }
    return
  }
  func.func @transform_0(%arg0: i32) -> (i32, i32) {
    %c0_i32 = arith.constant 0 : i32
    %c0_i32_0 = arith.constant 0 : i32
    return %arg0, %c0_i32 : i32, i32
  }
  func.func @transform_1(%arg0: i32) -> (i32, i32) {
    %c0_i32 = arith.constant 0 : i32
    %c0_i32_0 = arith.constant 0 : i32
    %c0_i32_1 = arith.constant 0 : i32
    return %c0_i32, %c0_i32_0 : i32, i32
  }
  func.func @transform_2(%arg0: i32) -> (i32, i32, i32) {
    %c0_i32 = arith.constant 0 : i32
    %c0_i32_0 = arith.constant 0 : i32
    %c0_i32_1 = arith.constant 0 : i32
    return %arg0, %c0_i32, %c0_i32_0 : i32, i32, i32
  }
  func.func @transform_3(%arg0: i32) -> (i32, i32) {
    %c0_i32 = arith.constant 0 : i32
    %c0_i32_0 = arith.constant 0 : i32
    %c0_i32_1 = arith.constant 0 : i32
    return %c0_i32, %c0_i32_0 : i32, i32
  }
  func.func @transform_4(%arg0: i32) -> (i32, i32) {
    %c0_i32 = arith.constant 0 : i32
    %c0_i32_0 = arith.constant 0 : i32
    %c0_i32_1 = arith.constant 0 : i32
    return %c0_i32, %c0_i32_0 : i32, i32
  }
}

module attributes {stable_mosaic.version = 14 : i64} {
  func.func @_encoder_body(%arg0: i32, %arg1: memref<1x576x768xf32, #tpu.memory_space<vmem>>, %arg2: memref<768x256xf32, #tpu.memory_space<vmem>>, %arg3: memref<1x256xf32, #tpu.memory_space<vmem>>, %arg4: memref<256x256xf32, #tpu.memory_space<vmem>>, %arg5: memref<1x256xf32, #tpu.memory_space<vmem>>, %arg6: memref<256x256xf32, #tpu.memory_space<vmem>>, %arg7: memref<1x256xf32, #tpu.memory_space<vmem>>, %arg8: memref<256x256xf32, #tpu.memory_space<vmem>>, %arg9: memref<1x256xf32, #tpu.memory_space<vmem>>, %arg10: memref<256x256xf32, #tpu.memory_space<vmem>>, %arg11: memref<1x256xf32, #tpu.memory_space<vmem>>, %arg12: memref<1x256xf32, #tpu.memory_space<vmem>>, %arg13: memref<1x256xf32, #tpu.memory_space<vmem>>, %arg14: memref<256x1024xf32, #tpu.memory_space<vmem>>, %arg15: memref<1x1024xf32, #tpu.memory_space<vmem>>, %arg16: memref<1024x256xf32, #tpu.memory_space<vmem>>, %arg17: memref<1x256xf32, #tpu.memory_space<vmem>>, %arg18: memref<1x256xf32, #tpu.memory_space<vmem>>, %arg19: memref<1x256xf32, #tpu.memory_space<vmem>>, %arg20: memref<256x256xf32, #tpu.memory_space<vmem>>, %arg21: memref<1x256xf32, #tpu.memory_space<vmem>>, %arg22: memref<256x256xf32, #tpu.memory_space<vmem>>, %arg23: memref<1x256xf32, #tpu.memory_space<vmem>>, %arg24: memref<256x256xf32, #tpu.memory_space<vmem>>, %arg25: memref<1x256xf32, #tpu.memory_space<vmem>>, %arg26: memref<256x256xf32, #tpu.memory_space<vmem>>, %arg27: memref<1x256xf32, #tpu.memory_space<vmem>>, %arg28: memref<1x256xf32, #tpu.memory_space<vmem>>, %arg29: memref<1x256xf32, #tpu.memory_space<vmem>>, %arg30: memref<256x1024xf32, #tpu.memory_space<vmem>>, %arg31: memref<1x1024xf32, #tpu.memory_space<vmem>>, %arg32: memref<1024x256xf32, #tpu.memory_space<vmem>>, %arg33: memref<1x256xf32, #tpu.memory_space<vmem>>, %arg34: memref<1x256xf32, #tpu.memory_space<vmem>>, %arg35: memref<1x256xf32, #tpu.memory_space<vmem>>, %arg36: memref<256x256xf32, #tpu.memory_space<vmem>>, %arg37: memref<1x256xf32, #tpu.memory_space<vmem>>, %arg38: memref<256x256xf32, #tpu.memory_space<vmem>>, %arg39: memref<1x256xf32, #tpu.memory_space<vmem>>, %arg40: memref<256x256xf32, #tpu.memory_space<vmem>>, %arg41: memref<1x256xf32, #tpu.memory_space<vmem>>, %arg42: memref<256x256xf32, #tpu.memory_space<vmem>>, %arg43: memref<1x256xf32, #tpu.memory_space<vmem>>, %arg44: memref<1x256xf32, #tpu.memory_space<vmem>>, %arg45: memref<1x256xf32, #tpu.memory_space<vmem>>, %arg46: memref<256x1024xf32, #tpu.memory_space<vmem>>, %arg47: memref<1x1024xf32, #tpu.memory_space<vmem>>, %arg48: memref<1024x256xf32, #tpu.memory_space<vmem>>, %arg49: memref<1x256xf32, #tpu.memory_space<vmem>>, %arg50: memref<1x256xf32, #tpu.memory_space<vmem>>, %arg51: memref<1x256xf32, #tpu.memory_space<vmem>>, %arg52: memref<1x256xf32, #tpu.memory_space<vmem>>, %arg53: memref<1x256xf32, #tpu.memory_space<vmem>>, %arg54: memref<1x576x256xf32, #tpu.memory_space<vmem>>) attributes {dimension_semantics = [#tpu.dimension_semantics<arbitrary>], iteration_bounds = array<i64: 8>, scalar_prefetch = 0 : i64, scratch_operands = 0 : i64, tpu.core_type = #tpu.core_type<tc>, window_params = [{transform_indices = @transform_0, window_bounds = array<i64: 1, 576, 768>}, {pipeline_mode = #tpu.pipeline_mode<synchronous>, transform_indices = @transform_1, window_bounds = array<i64: 768, 256>}, {pipeline_mode = #tpu.pipeline_mode<synchronous>, transform_indices = @transform_2, window_bounds = array<i64: 1, 256>}, {pipeline_mode = #tpu.pipeline_mode<synchronous>, transform_indices = @transform_3, window_bounds = array<i64: 256, 256>}, {pipeline_mode = #tpu.pipeline_mode<synchronous>, transform_indices = @transform_4, window_bounds = array<i64: 1, 256>}, {pipeline_mode = #tpu.pipeline_mode<synchronous>, transform_indices = @transform_5, window_bounds = array<i64: 256, 256>}, {pipeline_mode = #tpu.pipeline_mode<synchronous>, transform_indices = @transform_6, window_bounds = array<i64: 1, 256>}, {pipeline_mode = #tpu.pipeline_mode<synchronous>, transform_indices = @transform_7, window_bounds = array<i64: 256, 256>}, {pipeline_mode = #tpu.pipeline_mode<synchronous>, transform_indices = @transform_8, window_bounds = array<i64: 1, 256>}, {pipeline_mode = #tpu.pipeline_mode<synchronous>, transform_indices = @transform_9, window_bounds = array<i64: 256, 256>}, {pipeline_mode = #tpu.pipeline_mode<synchronous>, transform_indices = @transform_10, window_bounds = array<i64: 1, 256>}, {pipeline_mode = #tpu.pipeline_mode<synchronous>, transform_indices = @transform_11, window_bounds = array<i64: 1, 256>}, {pipeline_mode = #tpu.pipeline_mode<synchronous>, transform_indices = @transform_12, window_bounds = array<i64: 1, 256>}, {pipeline_mode = #tpu.pipeline_mode<synchronous>, transform_indices = @transform_13, window_bounds = array<i64: 256, 1024>}, {pipeline_mode = #tpu.pipeline_mode<synchronous>, transform_indices = @transform_14, window_bounds = array<i64: 1, 1024>}, {pipeline_mode = #tpu.pipeline_mode<synchronous>, transform_indices = @transform_15, window_bounds = array<i64: 1024, 256>}, {pipeline_mode = #tpu.pipeline_mode<synchronous>, transform_indices = @transform_16, window_bounds = array<i64: 1, 256>}, {pipeline_mode = #tpu.pipeline_mode<synchronous>, transform_indices = @transform_17, window_bounds = array<i64: 1, 256>}, {pipeline_mode = #tpu.pipeline_mode<synchronous>, transform_indices = @transform_18, window_bounds = array<i64: 1, 256>}, {pipeline_mode = #tpu.pipeline_mode<synchronous>, transform_indices = @transform_19, window_bounds = array<i64: 256, 256>}, {pipeline_mode = #tpu.pipeline_mode<synchronous>, transform_indices = @transform_20, window_bounds = array<i64: 1, 256>}, {pipeline_mode = #tpu.pipeline_mode<synchronous>, transform_indices = @transform_21, window_bounds = array<i64: 256, 256>}, {pipeline_mode = #tpu.pipeline_mode<synchronous>, transform_indices = @transform_22, window_bounds = array<i64: 1, 256>}, {pipeline_mode = #tpu.pipeline_mode<synchronous>, transform_indices = @transform_23, window_bounds = array<i64: 256, 256>}, {pipeline_mode = #tpu.pipeline_mode<synchronous>, transform_indices = @transform_24, window_bounds = array<i64: 1, 256>}, {pipeline_mode = #tpu.pipeline_mode<synchronous>, transform_indices = @transform_25, window_bounds = array<i64: 256, 256>}, {pipeline_mode = #tpu.pipeline_mode<synchronous>, transform_indices = @transform_26, window_bounds = array<i64: 1, 256>}, {pipeline_mode = #tpu.pipeline_mode<synchronous>, transform_indices = @transform_27, window_bounds = array<i64: 1, 256>}, {pipeline_mode = #tpu.pipeline_mode<synchronous>, transform_indices = @transform_28, window_bounds = array<i64: 1, 256>}, {pipeline_mode = #tpu.pipeline_mode<synchronous>, transform_indices = @transform_29, window_bounds = array<i64: 256, 1024>}, {pipeline_mode = #tpu.pipeline_mode<synchronous>, transform_indices = @transform_30, window_bounds = array<i64: 1, 1024>}, {pipeline_mode = #tpu.pipeline_mode<synchronous>, transform_indices = @transform_31, window_bounds = array<i64: 1024, 256>}, {pipeline_mode = #tpu.pipeline_mode<synchronous>, transform_indices = @transform_32, window_bounds = array<i64: 1, 256>}, {pipeline_mode = #tpu.pipeline_mode<synchronous>, transform_indices = @transform_33, window_bounds = array<i64: 1, 256>}, {pipeline_mode = #tpu.pipeline_mode<synchronous>, transform_indices = @transform_34, window_bounds = array<i64: 1, 256>}, {pipeline_mode = #tpu.pipeline_mode<synchronous>, transform_indices = @transform_35, window_bounds = array<i64: 256, 256>}, {pipeline_mode = #tpu.pipeline_mode<synchronous>, transform_indices = @transform_36, window_bounds = array<i64: 1, 256>}, {pipeline_mode = #tpu.pipeline_mode<synchronous>, transform_indices = @transform_37, window_bounds = array<i64: 256, 256>}, {pipeline_mode = #tpu.pipeline_mode<synchronous>, transform_indices = @transform_38, window_bounds = array<i64: 1, 256>}, {pipeline_mode = #tpu.pipeline_mode<synchronous>, transform_indices = @transform_39, window_bounds = array<i64: 256, 256>}, {pipeline_mode = #tpu.pipeline_mode<synchronous>, transform_indices = @transform_40, window_bounds = array<i64: 1, 256>}, {pipeline_mode = #tpu.pipeline_mode<synchronous>, transform_indices = @transform_41, window_bounds = array<i64: 256, 256>}, {pipeline_mode = #tpu.pipeline_mode<synchronous>, transform_indices = @transform_42, window_bounds = array<i64: 1, 256>}, {pipeline_mode = #tpu.pipeline_mode<synchronous>, transform_indices = @transform_43, window_bounds = array<i64: 1, 256>}, {pipeline_mode = #tpu.pipeline_mode<synchronous>, transform_indices = @transform_44, window_bounds = array<i64: 1, 256>}, {pipeline_mode = #tpu.pipeline_mode<synchronous>, transform_indices = @transform_45, window_bounds = array<i64: 256, 1024>}, {pipeline_mode = #tpu.pipeline_mode<synchronous>, transform_indices = @transform_46, window_bounds = array<i64: 1, 1024>}, {pipeline_mode = #tpu.pipeline_mode<synchronous>, transform_indices = @transform_47, window_bounds = array<i64: 1024, 256>}, {pipeline_mode = #tpu.pipeline_mode<synchronous>, transform_indices = @transform_48, window_bounds = array<i64: 1, 256>}, {pipeline_mode = #tpu.pipeline_mode<synchronous>, transform_indices = @transform_49, window_bounds = array<i64: 1, 256>}, {pipeline_mode = #tpu.pipeline_mode<synchronous>, transform_indices = @transform_50, window_bounds = array<i64: 1, 256>}, {pipeline_mode = #tpu.pipeline_mode<synchronous>, transform_indices = @transform_51, window_bounds = array<i64: 1, 256>}, {pipeline_mode = #tpu.pipeline_mode<synchronous>, transform_indices = @transform_52, window_bounds = array<i64: 1, 256>}, {transform_indices = @transform_53, window_bounds = array<i64: 1, 576, 256>}]} {
    %get3A = arith.constant 0 : index
    %get3A_0 = arith.constant 0 : index
    %get3A_1 = vector.load %arg2[%get3A, %get3A_0] : memref<768x256xf32, #tpu.memory_space<vmem>>, vector<768x256xf32>
    %get3A_2 = arith.constant 0 : index
    %get3A_3 = arith.constant 0 : index
    %get3A_4 = vector.load %arg3[%get3A_2, %get3A_3] : memref<1x256xf32, #tpu.memory_space<vmem>>, vector<1x256xf32>
    %get3A_5 = arith.constant 0 : index
    %get3A_6 = arith.constant 0 : index
    %get3A_7 = arith.constant 0 : index
    %get3A_8 = vector.load %arg1[%get3A_5, %get3A_6, %get3A_7] : memref<1x576x768xf32, #tpu.memory_space<vmem>>, vector<1x576x768xf32>
    %get3A_9 = vector.shape_cast %get3A_8 : vector<1x576x768xf32> to vector<576x768xf32>
    %dot_general3A = arith.constant dense<0.000000e+00> : vector<576x256xf32>
    %dot_general3A_10 = tpu.matmul %get3A_9, %get3A_1, %dot_general3A {dimension_numbers = #tpu.dot_dimension_numbers<[1], [0], [0], [1], [0, 0, 1, 1], [], []>, transpose_lhs_hint = false} : vector<576x768xf32>, vector<768x256xf32>, vector<576x256xf32> -> vector<576x256xf32>
    %add3A = vector.broadcast %get3A_4 : vector<1x256xf32> to vector<576x256xf32>
    %add3A_11 = arith.addf %dot_general3A_10, %add3A : vector<576x256xf32>
    %get3A_12 = arith.constant 0 : index
    %get3A_13 = arith.constant 0 : index
    %get3A_14 = vector.load %arg4[%get3A_12, %get3A_13] : memref<256x256xf32, #tpu.memory_space<vmem>>, vector<256x256xf32>
    %get3A_15 = arith.constant 0 : index
    %get3A_16 = arith.constant 0 : index
    %get3A_17 = vector.load %arg5[%get3A_15, %get3A_16] : memref<1x256xf32, #tpu.memory_space<vmem>>, vector<1x256xf32>
    %get3A_18 = arith.constant 0 : index
    %get3A_19 = arith.constant 0 : index
    %get3A_20 = vector.load %arg6[%get3A_18, %get3A_19] : memref<256x256xf32, #tpu.memory_space<vmem>>, vector<256x256xf32>
    %get3A_21 = arith.constant 0 : index
    %get3A_22 = arith.constant 0 : index
    %get3A_23 = vector.load %arg7[%get3A_21, %get3A_22] : memref<1x256xf32, #tpu.memory_space<vmem>>, vector<1x256xf32>
    %get3A_24 = arith.constant 0 : index
    %get3A_25 = arith.constant 0 : index
    %get3A_26 = vector.load %arg8[%get3A_24, %get3A_25] : memref<256x256xf32, #tpu.memory_space<vmem>>, vector<256x256xf32>
    %get3A_27 = arith.constant 0 : index
    %get3A_28 = arith.constant 0 : index
    %get3A_29 = vector.load %arg9[%get3A_27, %get3A_28] : memref<1x256xf32, #tpu.memory_space<vmem>>, vector<1x256xf32>
    %get3A_30 = arith.constant 0 : index
    %get3A_31 = arith.constant 0 : index
    %get3A_32 = vector.load %arg10[%get3A_30, %get3A_31] : memref<256x256xf32, #tpu.memory_space<vmem>>, vector<256x256xf32>
    %get3A_33 = arith.constant 0 : index
    %get3A_34 = arith.constant 0 : index
    %get3A_35 = vector.load %arg11[%get3A_33, %get3A_34] : memref<1x256xf32, #tpu.memory_space<vmem>>, vector<1x256xf32>
    %get3A_36 = arith.constant 0 : index
    %get3A_37 = arith.constant 0 : index
    %get3A_38 = vector.load %arg12[%get3A_36, %get3A_37] : memref<1x256xf32, #tpu.memory_space<vmem>>, vector<1x256xf32>
    %get3A_39 = arith.constant 0 : index
    %get3A_40 = arith.constant 0 : index
    %get3A_41 = vector.load %arg13[%get3A_39, %get3A_40] : memref<1x256xf32, #tpu.memory_space<vmem>>, vector<1x256xf32>
    %get3A_42 = arith.constant 0 : index
    %get3A_43 = arith.constant 0 : index
    %get3A_44 = vector.load %arg14[%get3A_42, %get3A_43] : memref<256x1024xf32, #tpu.memory_space<vmem>>, vector<256x1024xf32>
    %get3A_45 = arith.constant 0 : index
    %get3A_46 = arith.constant 0 : index
    %get3A_47 = vector.load %arg15[%get3A_45, %get3A_46] : memref<1x1024xf32, #tpu.memory_space<vmem>>, vector<1x1024xf32>
    %get3A_48 = arith.constant 0 : index
    %get3A_49 = arith.constant 0 : index
    %get3A_50 = vector.load %arg16[%get3A_48, %get3A_49] : memref<1024x256xf32, #tpu.memory_space<vmem>>, vector<1024x256xf32>
    %get3A_51 = arith.constant 0 : index
    %get3A_52 = arith.constant 0 : index
    %get3A_53 = vector.load %arg17[%get3A_51, %get3A_52] : memref<1x256xf32, #tpu.memory_space<vmem>>, vector<1x256xf32>
    %get3A_54 = arith.constant 0 : index
    %get3A_55 = arith.constant 0 : index
    %get3A_56 = vector.load %arg18[%get3A_54, %get3A_55] : memref<1x256xf32, #tpu.memory_space<vmem>>, vector<1x256xf32>
    %get3A_57 = arith.constant 0 : index
    %get3A_58 = arith.constant 0 : index
    %get3A_59 = vector.load %arg19[%get3A_57, %get3A_58] : memref<1x256xf32, #tpu.memory_space<vmem>>, vector<1x256xf32>
    %dot_general3A_60 = arith.constant dense<0.000000e+00> : vector<576x256xf32>
    %dot_general3A_61 = tpu.matmul %add3A_11, %get3A_14, %dot_general3A_60 {dimension_numbers = #tpu.dot_dimension_numbers<[1], [0], [0], [1], [0, 0, 1, 1], [], []>, transpose_lhs_hint = false} : vector<576x256xf32>, vector<256x256xf32>, vector<576x256xf32> -> vector<576x256xf32>
    %add3A_62 = vector.broadcast %get3A_17 : vector<1x256xf32> to vector<576x256xf32>
    %add3A_63 = arith.addf %dot_general3A_61, %add3A_62 : vector<576x256xf32>
    %dot_general3A_64 = arith.constant dense<0.000000e+00> : vector<576x256xf32>
    %dot_general3A_65 = tpu.matmul %add3A_11, %get3A_20, %dot_general3A_64 {dimension_numbers = #tpu.dot_dimension_numbers<[1], [0], [0], [1], [0, 0, 1, 1], [], []>, transpose_lhs_hint = false} : vector<576x256xf32>, vector<256x256xf32>, vector<576x256xf32> -> vector<576x256xf32>
    %add3A_66 = vector.broadcast %get3A_23 : vector<1x256xf32> to vector<576x256xf32>
    %add3A_67 = arith.addf %dot_general3A_65, %add3A_66 : vector<576x256xf32>
    %dot_general3A_68 = arith.constant dense<0.000000e+00> : vector<576x256xf32>
    %dot_general3A_69 = tpu.matmul %add3A_11, %get3A_26, %dot_general3A_68 {dimension_numbers = #tpu.dot_dimension_numbers<[1], [0], [0], [1], [0, 0, 1, 1], [], []>, transpose_lhs_hint = false} : vector<576x256xf32>, vector<256x256xf32>, vector<576x256xf32> -> vector<576x256xf32>
    %add3A_70 = vector.broadcast %get3A_29 : vector<1x256xf32> to vector<576x256xf32>
    %add3A_71 = arith.addf %dot_general3A_69, %add3A_70 : vector<576x256xf32>
    %slice3A = vector.extract_strided_slice %add3A_63 {offsets = [0, 0], sizes = [576, 32], strides = [1, 1]} : vector<576x256xf32> to vector<576x32xf32>
    %slice3A_72 = vector.extract_strided_slice %add3A_67 {offsets = [0, 0], sizes = [576, 32], strides = [1, 1]} : vector<576x256xf32> to vector<576x32xf32>
    %slice3A_73 = vector.extract_strided_slice %add3A_71 {offsets = [0, 0], sizes = [576, 32], strides = [1, 1]} : vector<576x256xf32> to vector<576x32xf32>
    %dot_general3A_74 = arith.constant dense<0.000000e+00> : vector<576x576xf32>
    %dot_general3A_75 = tpu.matmul %slice3A, %slice3A_72, %dot_general3A_74 {dimension_numbers = #tpu.dot_dimension_numbers<[1], [1], [0], [0], [0, 0, 1, 0], [], []>, transpose_lhs_hint = false} : vector<576x32xf32>, vector<576x32xf32>, vector<576x576xf32> -> vector<576x576xf32>
    %div3A = arith.constant 5.65685415 : f32
    %div3A_76 = vector.broadcast %div3A : f32 to vector<576x576xf32>
    %div3A_77 = arith.divf %dot_general3A_75, %div3A_76 : vector<576x576xf32>
    %reduce_max3A = arith.constant dense<0xFF800000> : vector<576xf32>
    %reduce_max3A_78 = vector.multi_reduction <maximumf>, %div3A_77, %reduce_max3A [1] : vector<576x576xf32> to vector<576xf32>
    %max3A = arith.constant 0xFF800000 : f32
    %max3A_79 = vector.broadcast %max3A : f32 to vector<576xf32>
    %max3A_80 = arith.maximumf %max3A_79, %reduce_max3A_78 : vector<576xf32>
    %broadcast_in_dim3A = vector.shape_cast %max3A_80 : vector<576xf32> to vector<576x1xf32>
    %sub3A = vector.broadcast %broadcast_in_dim3A : vector<576x1xf32> to vector<576x576xf32>
    %sub3A_81 = arith.subf %div3A_77, %sub3A : vector<576x576xf32>
    %exp3A = math.exp %sub3A_81 : vector<576x576xf32>
    %reduce_sum3A = arith.constant dense<0.000000e+00> : vector<576xf32>
    %reduce_sum3A_82 = vector.multi_reduction <add>, %exp3A, %reduce_sum3A [1] : vector<576x576xf32> to vector<576xf32>
    %broadcast_in_dim3A_83 = vector.shape_cast %reduce_sum3A_82 : vector<576xf32> to vector<576x1xf32>
    %div3A_84 = vector.broadcast %broadcast_in_dim3A_83 : vector<576x1xf32> to vector<576x576xf32>
    %div3A_85 = arith.divf %exp3A, %div3A_84 : vector<576x576xf32>
    %dot_general3A_86 = arith.constant dense<0.000000e+00> : vector<576x32xf32>
    %dot_general3A_87 = tpu.matmul %div3A_85, %slice3A_73, %dot_general3A_86 {dimension_numbers = #tpu.dot_dimension_numbers<[1], [0], [0], [1], [0, 0, 1, 1], [], []>, transpose_lhs_hint = false} : vector<576x576xf32>, vector<576x32xf32>, vector<576x32xf32> -> vector<576x32xf32>
    %slice3A_88 = vector.extract_strided_slice %add3A_63 {offsets = [0, 32], sizes = [576, 32], strides = [1, 1]} : vector<576x256xf32> to vector<576x32xf32>
    %slice3A_89 = vector.extract_strided_slice %add3A_67 {offsets = [0, 32], sizes = [576, 32], strides = [1, 1]} : vector<576x256xf32> to vector<576x32xf32>
    %slice3A_90 = vector.extract_strided_slice %add3A_71 {offsets = [0, 32], sizes = [576, 32], strides = [1, 1]} : vector<576x256xf32> to vector<576x32xf32>
    %dot_general3A_91 = arith.constant dense<0.000000e+00> : vector<576x576xf32>
    %dot_general3A_92 = tpu.matmul %slice3A_88, %slice3A_89, %dot_general3A_91 {dimension_numbers = #tpu.dot_dimension_numbers<[1], [1], [0], [0], [0, 0, 1, 0], [], []>, transpose_lhs_hint = false} : vector<576x32xf32>, vector<576x32xf32>, vector<576x576xf32> -> vector<576x576xf32>
    %div3A_93 = arith.constant 5.65685415 : f32
    %div3A_94 = vector.broadcast %div3A_93 : f32 to vector<576x576xf32>
    %div3A_95 = arith.divf %dot_general3A_92, %div3A_94 : vector<576x576xf32>
    %reduce_max3A_96 = arith.constant dense<0xFF800000> : vector<576xf32>
    %reduce_max3A_97 = vector.multi_reduction <maximumf>, %div3A_95, %reduce_max3A_96 [1] : vector<576x576xf32> to vector<576xf32>
    %max3A_98 = arith.constant 0xFF800000 : f32
    %max3A_99 = vector.broadcast %max3A_98 : f32 to vector<576xf32>
    %max3A_100 = arith.maximumf %max3A_99, %reduce_max3A_97 : vector<576xf32>
    %broadcast_in_dim3A_101 = vector.shape_cast %max3A_100 : vector<576xf32> to vector<576x1xf32>
    %sub3A_102 = vector.broadcast %broadcast_in_dim3A_101 : vector<576x1xf32> to vector<576x576xf32>
    %sub3A_103 = arith.subf %div3A_95, %sub3A_102 : vector<576x576xf32>
    %exp3A_104 = math.exp %sub3A_103 : vector<576x576xf32>
    %reduce_sum3A_105 = arith.constant dense<0.000000e+00> : vector<576xf32>
    %reduce_sum3A_106 = vector.multi_reduction <add>, %exp3A_104, %reduce_sum3A_105 [1] : vector<576x576xf32> to vector<576xf32>
    %broadcast_in_dim3A_107 = vector.shape_cast %reduce_sum3A_106 : vector<576xf32> to vector<576x1xf32>
    %div3A_108 = vector.broadcast %broadcast_in_dim3A_107 : vector<576x1xf32> to vector<576x576xf32>
    %div3A_109 = arith.divf %exp3A_104, %div3A_108 : vector<576x576xf32>
    %dot_general3A_110 = arith.constant dense<0.000000e+00> : vector<576x32xf32>
    %dot_general3A_111 = tpu.matmul %div3A_109, %slice3A_90, %dot_general3A_110 {dimension_numbers = #tpu.dot_dimension_numbers<[1], [0], [0], [1], [0, 0, 1, 1], [], []>, transpose_lhs_hint = false} : vector<576x576xf32>, vector<576x32xf32>, vector<576x32xf32> -> vector<576x32xf32>
    %slice3A_112 = vector.extract_strided_slice %add3A_63 {offsets = [0, 64], sizes = [576, 32], strides = [1, 1]} : vector<576x256xf32> to vector<576x32xf32>
    %slice3A_113 = vector.extract_strided_slice %add3A_67 {offsets = [0, 64], sizes = [576, 32], strides = [1, 1]} : vector<576x256xf32> to vector<576x32xf32>
    %slice3A_114 = vector.extract_strided_slice %add3A_71 {offsets = [0, 64], sizes = [576, 32], strides = [1, 1]} : vector<576x256xf32> to vector<576x32xf32>
    %dot_general3A_115 = arith.constant dense<0.000000e+00> : vector<576x576xf32>
    %dot_general3A_116 = tpu.matmul %slice3A_112, %slice3A_113, %dot_general3A_115 {dimension_numbers = #tpu.dot_dimension_numbers<[1], [1], [0], [0], [0, 0, 1, 0], [], []>, transpose_lhs_hint = false} : vector<576x32xf32>, vector<576x32xf32>, vector<576x576xf32> -> vector<576x576xf32>
    %div3A_117 = arith.constant 5.65685415 : f32
    %div3A_118 = vector.broadcast %div3A_117 : f32 to vector<576x576xf32>
    %div3A_119 = arith.divf %dot_general3A_116, %div3A_118 : vector<576x576xf32>
    %reduce_max3A_120 = arith.constant dense<0xFF800000> : vector<576xf32>
    %reduce_max3A_121 = vector.multi_reduction <maximumf>, %div3A_119, %reduce_max3A_120 [1] : vector<576x576xf32> to vector<576xf32>
    %max3A_122 = arith.constant 0xFF800000 : f32
    %max3A_123 = vector.broadcast %max3A_122 : f32 to vector<576xf32>
    %max3A_124 = arith.maximumf %max3A_123, %reduce_max3A_121 : vector<576xf32>
    %broadcast_in_dim3A_125 = vector.shape_cast %max3A_124 : vector<576xf32> to vector<576x1xf32>
    %sub3A_126 = vector.broadcast %broadcast_in_dim3A_125 : vector<576x1xf32> to vector<576x576xf32>
    %sub3A_127 = arith.subf %div3A_119, %sub3A_126 : vector<576x576xf32>
    %exp3A_128 = math.exp %sub3A_127 : vector<576x576xf32>
    %reduce_sum3A_129 = arith.constant dense<0.000000e+00> : vector<576xf32>
    %reduce_sum3A_130 = vector.multi_reduction <add>, %exp3A_128, %reduce_sum3A_129 [1] : vector<576x576xf32> to vector<576xf32>
    %broadcast_in_dim3A_131 = vector.shape_cast %reduce_sum3A_130 : vector<576xf32> to vector<576x1xf32>
    %div3A_132 = vector.broadcast %broadcast_in_dim3A_131 : vector<576x1xf32> to vector<576x576xf32>
    %div3A_133 = arith.divf %exp3A_128, %div3A_132 : vector<576x576xf32>
    %dot_general3A_134 = arith.constant dense<0.000000e+00> : vector<576x32xf32>
    %dot_general3A_135 = tpu.matmul %div3A_133, %slice3A_114, %dot_general3A_134 {dimension_numbers = #tpu.dot_dimension_numbers<[1], [0], [0], [1], [0, 0, 1, 1], [], []>, transpose_lhs_hint = false} : vector<576x576xf32>, vector<576x32xf32>, vector<576x32xf32> -> vector<576x32xf32>
    %slice3A_136 = vector.extract_strided_slice %add3A_63 {offsets = [0, 96], sizes = [576, 32], strides = [1, 1]} : vector<576x256xf32> to vector<576x32xf32>
    %slice3A_137 = vector.extract_strided_slice %add3A_67 {offsets = [0, 96], sizes = [576, 32], strides = [1, 1]} : vector<576x256xf32> to vector<576x32xf32>
    %slice3A_138 = vector.extract_strided_slice %add3A_71 {offsets = [0, 96], sizes = [576, 32], strides = [1, 1]} : vector<576x256xf32> to vector<576x32xf32>
    %dot_general3A_139 = arith.constant dense<0.000000e+00> : vector<576x576xf32>
    %dot_general3A_140 = tpu.matmul %slice3A_136, %slice3A_137, %dot_general3A_139 {dimension_numbers = #tpu.dot_dimension_numbers<[1], [1], [0], [0], [0, 0, 1, 0], [], []>, transpose_lhs_hint = false} : vector<576x32xf32>, vector<576x32xf32>, vector<576x576xf32> -> vector<576x576xf32>
    %div3A_141 = arith.constant 5.65685415 : f32
    %div3A_142 = vector.broadcast %div3A_141 : f32 to vector<576x576xf32>
    %div3A_143 = arith.divf %dot_general3A_140, %div3A_142 : vector<576x576xf32>
    %reduce_max3A_144 = arith.constant dense<0xFF800000> : vector<576xf32>
    %reduce_max3A_145 = vector.multi_reduction <maximumf>, %div3A_143, %reduce_max3A_144 [1] : vector<576x576xf32> to vector<576xf32>
    %max3A_146 = arith.constant 0xFF800000 : f32
    %max3A_147 = vector.broadcast %max3A_146 : f32 to vector<576xf32>
    %max3A_148 = arith.maximumf %max3A_147, %reduce_max3A_145 : vector<576xf32>
    %broadcast_in_dim3A_149 = vector.shape_cast %max3A_148 : vector<576xf32> to vector<576x1xf32>
    %sub3A_150 = vector.broadcast %broadcast_in_dim3A_149 : vector<576x1xf32> to vector<576x576xf32>
    %sub3A_151 = arith.subf %div3A_143, %sub3A_150 : vector<576x576xf32>
    %exp3A_152 = math.exp %sub3A_151 : vector<576x576xf32>
    %reduce_sum3A_153 = arith.constant dense<0.000000e+00> : vector<576xf32>
    %reduce_sum3A_154 = vector.multi_reduction <add>, %exp3A_152, %reduce_sum3A_153 [1] : vector<576x576xf32> to vector<576xf32>
    %broadcast_in_dim3A_155 = vector.shape_cast %reduce_sum3A_154 : vector<576xf32> to vector<576x1xf32>
    %div3A_156 = vector.broadcast %broadcast_in_dim3A_155 : vector<576x1xf32> to vector<576x576xf32>
    %div3A_157 = arith.divf %exp3A_152, %div3A_156 : vector<576x576xf32>
    %dot_general3A_158 = arith.constant dense<0.000000e+00> : vector<576x32xf32>
    %dot_general3A_159 = tpu.matmul %div3A_157, %slice3A_138, %dot_general3A_158 {dimension_numbers = #tpu.dot_dimension_numbers<[1], [0], [0], [1], [0, 0, 1, 1], [], []>, transpose_lhs_hint = false} : vector<576x576xf32>, vector<576x32xf32>, vector<576x32xf32> -> vector<576x32xf32>
    %slice3A_160 = vector.extract_strided_slice %add3A_63 {offsets = [0, 128], sizes = [576, 32], strides = [1, 1]} : vector<576x256xf32> to vector<576x32xf32>
    %slice3A_161 = vector.extract_strided_slice %add3A_67 {offsets = [0, 128], sizes = [576, 32], strides = [1, 1]} : vector<576x256xf32> to vector<576x32xf32>
    %slice3A_162 = vector.extract_strided_slice %add3A_71 {offsets = [0, 128], sizes = [576, 32], strides = [1, 1]} : vector<576x256xf32> to vector<576x32xf32>
    %dot_general3A_163 = arith.constant dense<0.000000e+00> : vector<576x576xf32>
    %dot_general3A_164 = tpu.matmul %slice3A_160, %slice3A_161, %dot_general3A_163 {dimension_numbers = #tpu.dot_dimension_numbers<[1], [1], [0], [0], [0, 0, 1, 0], [], []>, transpose_lhs_hint = false} : vector<576x32xf32>, vector<576x32xf32>, vector<576x576xf32> -> vector<576x576xf32>
    %div3A_165 = arith.constant 5.65685415 : f32
    %div3A_166 = vector.broadcast %div3A_165 : f32 to vector<576x576xf32>
    %div3A_167 = arith.divf %dot_general3A_164, %div3A_166 : vector<576x576xf32>
    %reduce_max3A_168 = arith.constant dense<0xFF800000> : vector<576xf32>
    %reduce_max3A_169 = vector.multi_reduction <maximumf>, %div3A_167, %reduce_max3A_168 [1] : vector<576x576xf32> to vector<576xf32>
    %max3A_170 = arith.constant 0xFF800000 : f32
    %max3A_171 = vector.broadcast %max3A_170 : f32 to vector<576xf32>
    %max3A_172 = arith.maximumf %max3A_171, %reduce_max3A_169 : vector<576xf32>
    %broadcast_in_dim3A_173 = vector.shape_cast %max3A_172 : vector<576xf32> to vector<576x1xf32>
    %sub3A_174 = vector.broadcast %broadcast_in_dim3A_173 : vector<576x1xf32> to vector<576x576xf32>
    %sub3A_175 = arith.subf %div3A_167, %sub3A_174 : vector<576x576xf32>
    %exp3A_176 = math.exp %sub3A_175 : vector<576x576xf32>
    %reduce_sum3A_177 = arith.constant dense<0.000000e+00> : vector<576xf32>
    %reduce_sum3A_178 = vector.multi_reduction <add>, %exp3A_176, %reduce_sum3A_177 [1] : vector<576x576xf32> to vector<576xf32>
    %broadcast_in_dim3A_179 = vector.shape_cast %reduce_sum3A_178 : vector<576xf32> to vector<576x1xf32>
    %div3A_180 = vector.broadcast %broadcast_in_dim3A_179 : vector<576x1xf32> to vector<576x576xf32>
    %div3A_181 = arith.divf %exp3A_176, %div3A_180 : vector<576x576xf32>
    %dot_general3A_182 = arith.constant dense<0.000000e+00> : vector<576x32xf32>
    %dot_general3A_183 = tpu.matmul %div3A_181, %slice3A_162, %dot_general3A_182 {dimension_numbers = #tpu.dot_dimension_numbers<[1], [0], [0], [1], [0, 0, 1, 1], [], []>, transpose_lhs_hint = false} : vector<576x576xf32>, vector<576x32xf32>, vector<576x32xf32> -> vector<576x32xf32>
    %slice3A_184 = vector.extract_strided_slice %add3A_63 {offsets = [0, 160], sizes = [576, 32], strides = [1, 1]} : vector<576x256xf32> to vector<576x32xf32>
    %slice3A_185 = vector.extract_strided_slice %add3A_67 {offsets = [0, 160], sizes = [576, 32], strides = [1, 1]} : vector<576x256xf32> to vector<576x32xf32>
    %slice3A_186 = vector.extract_strided_slice %add3A_71 {offsets = [0, 160], sizes = [576, 32], strides = [1, 1]} : vector<576x256xf32> to vector<576x32xf32>
    %dot_general3A_187 = arith.constant dense<0.000000e+00> : vector<576x576xf32>
    %dot_general3A_188 = tpu.matmul %slice3A_184, %slice3A_185, %dot_general3A_187 {dimension_numbers = #tpu.dot_dimension_numbers<[1], [1], [0], [0], [0, 0, 1, 0], [], []>, transpose_lhs_hint = false} : vector<576x32xf32>, vector<576x32xf32>, vector<576x576xf32> -> vector<576x576xf32>
    %div3A_189 = arith.constant 5.65685415 : f32
    %div3A_190 = vector.broadcast %div3A_189 : f32 to vector<576x576xf32>
    %div3A_191 = arith.divf %dot_general3A_188, %div3A_190 : vector<576x576xf32>
    %reduce_max3A_192 = arith.constant dense<0xFF800000> : vector<576xf32>
    %reduce_max3A_193 = vector.multi_reduction <maximumf>, %div3A_191, %reduce_max3A_192 [1] : vector<576x576xf32> to vector<576xf32>
    %max3A_194 = arith.constant 0xFF800000 : f32
    %max3A_195 = vector.broadcast %max3A_194 : f32 to vector<576xf32>
    %max3A_196 = arith.maximumf %max3A_195, %reduce_max3A_193 : vector<576xf32>
    %broadcast_in_dim3A_197 = vector.shape_cast %max3A_196 : vector<576xf32> to vector<576x1xf32>
    %sub3A_198 = vector.broadcast %broadcast_in_dim3A_197 : vector<576x1xf32> to vector<576x576xf32>
    %sub3A_199 = arith.subf %div3A_191, %sub3A_198 : vector<576x576xf32>
    %exp3A_200 = math.exp %sub3A_199 : vector<576x576xf32>
    %reduce_sum3A_201 = arith.constant dense<0.000000e+00> : vector<576xf32>
    %reduce_sum3A_202 = vector.multi_reduction <add>, %exp3A_200, %reduce_sum3A_201 [1] : vector<576x576xf32> to vector<576xf32>
    %broadcast_in_dim3A_203 = vector.shape_cast %reduce_sum3A_202 : vector<576xf32> to vector<576x1xf32>
    %div3A_204 = vector.broadcast %broadcast_in_dim3A_203 : vector<576x1xf32> to vector<576x576xf32>
    %div3A_205 = arith.divf %exp3A_200, %div3A_204 : vector<576x576xf32>
    %dot_general3A_206 = arith.constant dense<0.000000e+00> : vector<576x32xf32>
    %dot_general3A_207 = tpu.matmul %div3A_205, %slice3A_186, %dot_general3A_206 {dimension_numbers = #tpu.dot_dimension_numbers<[1], [0], [0], [1], [0, 0, 1, 1], [], []>, transpose_lhs_hint = false} : vector<576x576xf32>, vector<576x32xf32>, vector<576x32xf32> -> vector<576x32xf32>
    %slice3A_208 = vector.extract_strided_slice %add3A_63 {offsets = [0, 192], sizes = [576, 32], strides = [1, 1]} : vector<576x256xf32> to vector<576x32xf32>
    %slice3A_209 = vector.extract_strided_slice %add3A_67 {offsets = [0, 192], sizes = [576, 32], strides = [1, 1]} : vector<576x256xf32> to vector<576x32xf32>
    %slice3A_210 = vector.extract_strided_slice %add3A_71 {offsets = [0, 192], sizes = [576, 32], strides = [1, 1]} : vector<576x256xf32> to vector<576x32xf32>
    %dot_general3A_211 = arith.constant dense<0.000000e+00> : vector<576x576xf32>
    %dot_general3A_212 = tpu.matmul %slice3A_208, %slice3A_209, %dot_general3A_211 {dimension_numbers = #tpu.dot_dimension_numbers<[1], [1], [0], [0], [0, 0, 1, 0], [], []>, transpose_lhs_hint = false} : vector<576x32xf32>, vector<576x32xf32>, vector<576x576xf32> -> vector<576x576xf32>
    %div3A_213 = arith.constant 5.65685415 : f32
    %div3A_214 = vector.broadcast %div3A_213 : f32 to vector<576x576xf32>
    %div3A_215 = arith.divf %dot_general3A_212, %div3A_214 : vector<576x576xf32>
    %reduce_max3A_216 = arith.constant dense<0xFF800000> : vector<576xf32>
    %reduce_max3A_217 = vector.multi_reduction <maximumf>, %div3A_215, %reduce_max3A_216 [1] : vector<576x576xf32> to vector<576xf32>
    %max3A_218 = arith.constant 0xFF800000 : f32
    %max3A_219 = vector.broadcast %max3A_218 : f32 to vector<576xf32>
    %max3A_220 = arith.maximumf %max3A_219, %reduce_max3A_217 : vector<576xf32>
    %broadcast_in_dim3A_221 = vector.shape_cast %max3A_220 : vector<576xf32> to vector<576x1xf32>
    %sub3A_222 = vector.broadcast %broadcast_in_dim3A_221 : vector<576x1xf32> to vector<576x576xf32>
    %sub3A_223 = arith.subf %div3A_215, %sub3A_222 : vector<576x576xf32>
    %exp3A_224 = math.exp %sub3A_223 : vector<576x576xf32>
    %reduce_sum3A_225 = arith.constant dense<0.000000e+00> : vector<576xf32>
    %reduce_sum3A_226 = vector.multi_reduction <add>, %exp3A_224, %reduce_sum3A_225 [1] : vector<576x576xf32> to vector<576xf32>
    %broadcast_in_dim3A_227 = vector.shape_cast %reduce_sum3A_226 : vector<576xf32> to vector<576x1xf32>
    %div3A_228 = vector.broadcast %broadcast_in_dim3A_227 : vector<576x1xf32> to vector<576x576xf32>
    %div3A_229 = arith.divf %exp3A_224, %div3A_228 : vector<576x576xf32>
    %dot_general3A_230 = arith.constant dense<0.000000e+00> : vector<576x32xf32>
    %dot_general3A_231 = tpu.matmul %div3A_229, %slice3A_210, %dot_general3A_230 {dimension_numbers = #tpu.dot_dimension_numbers<[1], [0], [0], [1], [0, 0, 1, 1], [], []>, transpose_lhs_hint = false} : vector<576x576xf32>, vector<576x32xf32>, vector<576x32xf32> -> vector<576x32xf32>
    %slice3A_232 = vector.extract_strided_slice %add3A_63 {offsets = [0, 224], sizes = [576, 32], strides = [1, 1]} : vector<576x256xf32> to vector<576x32xf32>
    %slice3A_233 = vector.extract_strided_slice %add3A_67 {offsets = [0, 224], sizes = [576, 32], strides = [1, 1]} : vector<576x256xf32> to vector<576x32xf32>
    %slice3A_234 = vector.extract_strided_slice %add3A_71 {offsets = [0, 224], sizes = [576, 32], strides = [1, 1]} : vector<576x256xf32> to vector<576x32xf32>
    %dot_general3A_235 = arith.constant dense<0.000000e+00> : vector<576x576xf32>
    %dot_general3A_236 = tpu.matmul %slice3A_232, %slice3A_233, %dot_general3A_235 {dimension_numbers = #tpu.dot_dimension_numbers<[1], [1], [0], [0], [0, 0, 1, 0], [], []>, transpose_lhs_hint = false} : vector<576x32xf32>, vector<576x32xf32>, vector<576x576xf32> -> vector<576x576xf32>
    %div3A_237 = arith.constant 5.65685415 : f32
    %div3A_238 = vector.broadcast %div3A_237 : f32 to vector<576x576xf32>
    %div3A_239 = arith.divf %dot_general3A_236, %div3A_238 : vector<576x576xf32>
    %reduce_max3A_240 = arith.constant dense<0xFF800000> : vector<576xf32>
    %reduce_max3A_241 = vector.multi_reduction <maximumf>, %div3A_239, %reduce_max3A_240 [1] : vector<576x576xf32> to vector<576xf32>
    %max3A_242 = arith.constant 0xFF800000 : f32
    %max3A_243 = vector.broadcast %max3A_242 : f32 to vector<576xf32>
    %max3A_244 = arith.maximumf %max3A_243, %reduce_max3A_241 : vector<576xf32>
    %broadcast_in_dim3A_245 = vector.shape_cast %max3A_244 : vector<576xf32> to vector<576x1xf32>
    %sub3A_246 = vector.broadcast %broadcast_in_dim3A_245 : vector<576x1xf32> to vector<576x576xf32>
    %sub3A_247 = arith.subf %div3A_239, %sub3A_246 : vector<576x576xf32>
    %exp3A_248 = math.exp %sub3A_247 : vector<576x576xf32>
    %reduce_sum3A_249 = arith.constant dense<0.000000e+00> : vector<576xf32>
    %reduce_sum3A_250 = vector.multi_reduction <add>, %exp3A_248, %reduce_sum3A_249 [1] : vector<576x576xf32> to vector<576xf32>
    %broadcast_in_dim3A_251 = vector.shape_cast %reduce_sum3A_250 : vector<576xf32> to vector<576x1xf32>
    %div3A_252 = vector.broadcast %broadcast_in_dim3A_251 : vector<576x1xf32> to vector<576x576xf32>
    %div3A_253 = arith.divf %exp3A_248, %div3A_252 : vector<576x576xf32>
    %dot_general3A_254 = arith.constant dense<0.000000e+00> : vector<576x32xf32>
    %dot_general3A_255 = tpu.matmul %div3A_253, %slice3A_234, %dot_general3A_254 {dimension_numbers = #tpu.dot_dimension_numbers<[1], [0], [0], [1], [0, 0, 1, 1], [], []>, transpose_lhs_hint = false} : vector<576x576xf32>, vector<576x32xf32>, vector<576x32xf32> -> vector<576x32xf32>
    %concatenate3A = tpu.concatenate %dot_general3A_87, %dot_general3A_111, %dot_general3A_135, %dot_general3A_159, %dot_general3A_183, %dot_general3A_207, %dot_general3A_231, %dot_general3A_255 in 1 : vector<576x32xf32>, vector<576x32xf32>, vector<576x32xf32>, vector<576x32xf32>, vector<576x32xf32>, vector<576x32xf32>, vector<576x32xf32>, vector<576x32xf32> -> vector<576x256xf32>
    %dot_general3A_256 = arith.constant dense<0.000000e+00> : vector<576x256xf32>
    %dot_general3A_257 = tpu.matmul %concatenate3A, %get3A_32, %dot_general3A_256 {dimension_numbers = #tpu.dot_dimension_numbers<[1], [0], [0], [1], [0, 0, 1, 1], [], []>, transpose_lhs_hint = false} : vector<576x256xf32>, vector<256x256xf32>, vector<576x256xf32> -> vector<576x256xf32>
    %add3A_258 = vector.broadcast %get3A_35 : vector<1x256xf32> to vector<576x256xf32>
    %add3A_259 = arith.addf %dot_general3A_257, %add3A_258 : vector<576x256xf32>
    %add3A_260 = arith.addf %add3A_11, %add3A_259 : vector<576x256xf32>
    %reduce_sum3A_261 = arith.constant dense<0.000000e+00> : vector<576xf32>
    %reduce_sum3A_262 = vector.multi_reduction <add>, %add3A_260, %reduce_sum3A_261 [1] : vector<576x256xf32> to vector<576xf32>
    %broadcast_in_dim3A_263 = vector.shape_cast %reduce_sum3A_262 : vector<576xf32> to vector<576x1xf32>
    %div3A_264 = arith.constant 2.560000e+02 : f32
    %div3A_265 = vector.broadcast %div3A_264 : f32 to vector<576x1xf32>
    %div3A_266 = arith.divf %broadcast_in_dim3A_263, %div3A_265 : vector<576x1xf32>
    %jit3A = arith.constant 0 : i32
    %reduce_sum3A_267 = arith.constant dense<0.000000e+00> : vector<576xf32>
    %reduce_sum3A_268 = vector.multi_reduction <add>, %add3A_260, %reduce_sum3A_267 [1] : vector<576x256xf32> to vector<576xf32>
    %broadcast_in_dim3A_269 = vector.shape_cast %reduce_sum3A_268 : vector<576xf32> to vector<576x1xf32>
    %div3A_270 = arith.constant 2.560000e+02 : f32
    %div3A_271 = vector.broadcast %div3A_270 : f32 to vector<576x1xf32>
    %div3A_272 = arith.divf %broadcast_in_dim3A_269, %div3A_271 : vector<576x1xf32>
    %sub3A_273 = vector.broadcast %div3A_272 : vector<576x1xf32> to vector<576x256xf32>
    %sub3A_274 = arith.subf %add3A_260, %sub3A_273 : vector<576x256xf32>
    %square3A = arith.mulf %sub3A_274, %sub3A_274 : vector<576x256xf32>
    %convert_element_type3A = arith.sitofp %jit3A : i32 to f32
    %sub3A_275 = arith.constant 2.560000e+02 : f32
    %sub3A_276 = arith.subf %sub3A_275, %convert_element_type3A : f32
    %reduce_sum3A_277 = arith.constant dense<0.000000e+00> : vector<576xf32>
    %reduce_sum3A_278 = vector.multi_reduction <add>, %square3A, %reduce_sum3A_277 [1] : vector<576x256xf32> to vector<576xf32>
    %broadcast_in_dim3A_279 = vector.shape_cast %reduce_sum3A_278 : vector<576xf32> to vector<576x1xf32>
    %div3A_280 = vector.broadcast %sub3A_276 : f32 to vector<576x1xf32>
    %div3A_281 = arith.divf %broadcast_in_dim3A_279, %div3A_280 : vector<576x1xf32>
    %gt3A = arith.constant 0.000000e+00 : f32
    %gt3A_282 = arith.cmpf ogt, %sub3A_276, %gt3A : f32
    %jit3A_283 = arith.constant 0x7FC00000 : f32
    %broadcast_in_dim3A_284 = vector.broadcast %jit3A_283 : f32 to vector<576x1xf32>
    %select_n3A = arith.select %gt3A_282, %div3A_281, %broadcast_in_dim3A_284 : vector<576x1xf32>
    %sub3A_285 = vector.broadcast %div3A_266 : vector<576x1xf32> to vector<576x256xf32>
    %sub3A_286 = arith.subf %add3A_260, %sub3A_285 : vector<576x256xf32>
    %add3A_287 = arith.constant 9.99999974E-6 : f32
    %add3A_288 = vector.broadcast %add3A_287 : f32 to vector<576x1xf32>
    %add3A_289 = arith.addf %select_n3A, %add3A_288 : vector<576x1xf32>
    %sqrt3A = math.sqrt %add3A_289 : vector<576x1xf32>
    %div3A_290 = vector.broadcast %sqrt3A : vector<576x1xf32> to vector<576x256xf32>
    %div3A_291 = arith.divf %sub3A_286, %div3A_290 : vector<576x256xf32>
    %mul3A = vector.broadcast %get3A_38 : vector<1x256xf32> to vector<576x256xf32>
    %mul3A_292 = arith.mulf %div3A_291, %mul3A : vector<576x256xf32>
    %add3A_293 = vector.broadcast %get3A_41 : vector<1x256xf32> to vector<576x256xf32>
    %add3A_294 = arith.addf %mul3A_292, %add3A_293 : vector<576x256xf32>
    %dot_general3A_295 = arith.constant dense<0.000000e+00> : vector<576x1024xf32>
    %dot_general3A_296 = tpu.matmul %add3A_294, %get3A_44, %dot_general3A_295 {dimension_numbers = #tpu.dot_dimension_numbers<[1], [0], [0], [1], [0, 0, 1, 1], [], []>, transpose_lhs_hint = false} : vector<576x256xf32>, vector<256x1024xf32>, vector<576x1024xf32> -> vector<576x1024xf32>
    %add3A_297 = vector.broadcast %get3A_47 : vector<1x1024xf32> to vector<576x1024xf32>
    %add3A_298 = arith.addf %dot_general3A_296, %add3A_297 : vector<576x1024xf32>
    %mul3A_299 = arith.constant 5.000000e-01 : f32
    %mul3A_300 = vector.broadcast %mul3A_299 : f32 to vector<576x1024xf32>
    %mul3A_301 = arith.mulf %mul3A_300, %add3A_298 : vector<576x1024xf32>
    %neg3A = arith.constant 0.000000e+00 : f32
    %neg3A_302 = vector.broadcast %neg3A : f32 to vector<576x1024xf32>
    %neg3A_303 = arith.subf %neg3A_302, %add3A_298 : vector<576x1024xf32>
    %mul3A_304 = arith.constant 0.707106769 : f32
    %mul3A_305 = vector.broadcast %mul3A_304 : f32 to vector<576x1024xf32>
    %mul3A_306 = arith.mulf %neg3A_303, %mul3A_305 : vector<576x1024xf32>
    %abs3A = math.absf %mul3A_306 : vector<576x1024xf32>
    %mul3A_307 = arith.mulf %mul3A_306, %mul3A_306 : vector<576x1024xf32>
    %mul3A_308 = arith.constant 7.85386146E-5 : f32
    %mul3A_309 = vector.broadcast %mul3A_308 : f32 to vector<576x1024xf32>
    %mul3A_310 = arith.mulf %mul3A_309, %mul3A_307 : vector<576x1024xf32>
    %add3A_311 = arith.constant -8.0101937E-4 : f32
    %add3A_312 = vector.broadcast %add3A_311 : f32 to vector<576x1024xf32>
    %add3A_313 = arith.addf %mul3A_310, %add3A_312 : vector<576x1024xf32>
    %mul3A_314 = arith.mulf %add3A_313, %mul3A_307 : vector<576x1024xf32>
    %add3A_315 = arith.constant 0.00518832775 : f32
    %add3A_316 = vector.broadcast %add3A_315 : f32 to vector<576x1024xf32>
    %add3A_317 = arith.addf %mul3A_314, %add3A_316 : vector<576x1024xf32>
    %mul3A_318 = arith.mulf %add3A_317, %mul3A_307 : vector<576x1024xf32>
    %add3A_319 = arith.constant -0.0268538129 : f32
    %add3A_320 = vector.broadcast %add3A_319 : f32 to vector<576x1024xf32>
    %add3A_321 = arith.addf %mul3A_318, %add3A_320 : vector<576x1024xf32>
    %mul3A_322 = arith.mulf %add3A_321, %mul3A_307 : vector<576x1024xf32>
    %add3A_323 = arith.constant 0.112835854 : f32
    %add3A_324 = vector.broadcast %add3A_323 : f32 to vector<576x1024xf32>
    %add3A_325 = arith.addf %mul3A_322, %add3A_324 : vector<576x1024xf32>
    %mul3A_326 = arith.mulf %add3A_325, %mul3A_307 : vector<576x1024xf32>
    %add3A_327 = arith.constant -0.37612626 : f32
    %add3A_328 = vector.broadcast %add3A_327 : f32 to vector<576x1024xf32>
    %add3A_329 = arith.addf %mul3A_326, %add3A_328 : vector<576x1024xf32>
    %mul3A_330 = arith.mulf %add3A_329, %mul3A_307 : vector<576x1024xf32>
    %add3A_331 = arith.constant 1.12837911 : f32
    %add3A_332 = vector.broadcast %add3A_331 : f32 to vector<576x1024xf32>
    %add3A_333 = arith.addf %mul3A_330, %add3A_332 : vector<576x1024xf32>
    %mul3A_334 = arith.mulf %mul3A_306, %add3A_333 : vector<576x1024xf32>
    %sub3A_335 = arith.constant 1.000000e+00 : f32
    %sub3A_336 = vector.broadcast %sub3A_335 : f32 to vector<576x1024xf32>
    %sub3A_337 = arith.subf %sub3A_336, %mul3A_334 : vector<576x1024xf32>
    %neg3A_338 = arith.constant 0.000000e+00 : f32
    %neg3A_339 = vector.broadcast %neg3A_338 : f32 to vector<576x1024xf32>
    %neg3A_340 = arith.subf %neg3A_339, %mul3A_307 : vector<576x1024xf32>
    %exp3A_341 = math.exp %neg3A_340 : vector<576x1024xf32>
    %div3A_342 = arith.constant 1.000000e+00 : f32
    %div3A_343 = vector.broadcast %div3A_342 : f32 to vector<576x1024xf32>
    %div3A_344 = arith.divf %div3A_343, %abs3A : vector<576x1024xf32>
    %mul3A_345 = arith.mulf %exp3A_341, %div3A_344 : vector<576x1024xf32>
    %div3A_346 = arith.constant 1.000000e+00 : f32
    %div3A_347 = vector.broadcast %div3A_346 : f32 to vector<576x1024xf32>
    %div3A_348 = arith.divf %div3A_347, %mul3A_307 : vector<576x1024xf32>
    %mul3A_349 = arith.constant 2.326820e-02 : f32
    %mul3A_350 = vector.broadcast %mul3A_349 : f32 to vector<576x1024xf32>
    %mul3A_351 = arith.mulf %mul3A_350, %div3A_348 : vector<576x1024xf32>
    %add3A_352 = arith.constant -0.138703942 : f32
    %add3A_353 = vector.broadcast %add3A_352 : f32 to vector<576x1024xf32>
    %add3A_354 = arith.addf %mul3A_351, %add3A_353 : vector<576x1024xf32>
    %mul3A_355 = arith.mulf %add3A_354, %div3A_348 : vector<576x1024xf32>
    %add3A_356 = arith.constant 0.368742466 : f32
    %add3A_357 = vector.broadcast %add3A_356 : f32 to vector<576x1024xf32>
    %add3A_358 = arith.addf %mul3A_355, %add3A_357 : vector<576x1024xf32>
    %mul3A_359 = arith.mulf %add3A_358, %div3A_348 : vector<576x1024xf32>
    %add3A_360 = arith.constant -0.582473278 : f32
    %add3A_361 = vector.broadcast %add3A_360 : f32 to vector<576x1024xf32>
    %add3A_362 = arith.addf %mul3A_359, %add3A_361 : vector<576x1024xf32>
    %mul3A_363 = arith.mulf %add3A_362, %div3A_348 : vector<576x1024xf32>
    %add3A_364 = arith.constant 0.621000468 : f32
    %add3A_365 = vector.broadcast %add3A_364 : f32 to vector<576x1024xf32>
    %add3A_366 = arith.addf %mul3A_363, %add3A_365 : vector<576x1024xf32>
    %mul3A_367 = arith.mulf %add3A_366, %div3A_348 : vector<576x1024xf32>
    %add3A_368 = arith.constant -0.494451523 : f32
    %add3A_369 = vector.broadcast %add3A_368 : f32 to vector<576x1024xf32>
    %add3A_370 = arith.addf %mul3A_367, %add3A_369 : vector<576x1024xf32>
    %mul3A_371 = arith.mulf %add3A_370, %div3A_348 : vector<576x1024xf32>
    %add3A_372 = arith.constant 3.404880e-01 : f32
    %add3A_373 = vector.broadcast %add3A_372 : f32 to vector<576x1024xf32>
    %add3A_374 = arith.addf %mul3A_371, %add3A_373 : vector<576x1024xf32>
    %mul3A_375 = arith.mulf %add3A_374, %div3A_348 : vector<576x1024xf32>
    %add3A_376 = arith.constant -0.274112701 : f32
    %add3A_377 = vector.broadcast %add3A_376 : f32 to vector<576x1024xf32>
    %add3A_378 = arith.addf %mul3A_375, %add3A_377 : vector<576x1024xf32>
    %mul3A_379 = arith.mulf %add3A_378, %div3A_348 : vector<576x1024xf32>
    %add3A_380 = arith.constant 0.563825965 : f32
    %add3A_381 = vector.broadcast %add3A_380 : f32 to vector<576x1024xf32>
    %add3A_382 = arith.addf %mul3A_379, %add3A_381 : vector<576x1024xf32>
    %mul3A_383 = arith.constant -10.477664 : f32
    %mul3A_384 = vector.broadcast %mul3A_383 : f32 to vector<576x1024xf32>
    %mul3A_385 = arith.mulf %mul3A_384, %div3A_348 : vector<576x1024xf32>
    %add3A_386 = arith.constant 1.297720e+01 : f32
    %add3A_387 = vector.broadcast %add3A_386 : f32 to vector<576x1024xf32>
    %add3A_388 = arith.addf %mul3A_385, %add3A_387 : vector<576x1024xf32>
    %mul3A_389 = arith.mulf %add3A_388, %div3A_348 : vector<576x1024xf32>
    %add3A_390 = arith.constant -7.49551868 : f32
    %add3A_391 = vector.broadcast %add3A_390 : f32 to vector<576x1024xf32>
    %add3A_392 = arith.addf %mul3A_389, %add3A_391 : vector<576x1024xf32>
    %mul3A_393 = arith.mulf %add3A_392, %div3A_348 : vector<576x1024xf32>
    %add3A_394 = arith.constant 2.92101908 : f32
    %add3A_395 = vector.broadcast %add3A_394 : f32 to vector<576x1024xf32>
    %add3A_396 = arith.addf %mul3A_393, %add3A_395 : vector<576x1024xf32>
    %mul3A_397 = arith.mulf %add3A_396, %div3A_348 : vector<576x1024xf32>
    %add3A_398 = arith.constant -1.01526523 : f32
    %add3A_399 = vector.broadcast %add3A_398 : f32 to vector<576x1024xf32>
    %add3A_400 = arith.addf %mul3A_397, %add3A_399 : vector<576x1024xf32>
    %mul3A_401 = arith.mulf %add3A_400, %div3A_348 : vector<576x1024xf32>
    %add3A_402 = arith.constant 0.42184633 : f32
    %add3A_403 = vector.broadcast %add3A_402 : f32 to vector<576x1024xf32>
    %add3A_404 = arith.addf %mul3A_401, %add3A_403 : vector<576x1024xf32>
    %mul3A_405 = arith.mulf %add3A_404, %div3A_348 : vector<576x1024xf32>
    %add3A_406 = arith.constant -0.282076746 : f32
    %add3A_407 = vector.broadcast %add3A_406 : f32 to vector<576x1024xf32>
    %add3A_408 = arith.addf %mul3A_405, %add3A_407 : vector<576x1024xf32>
    %mul3A_409 = arith.mulf %add3A_408, %div3A_348 : vector<576x1024xf32>
    %add3A_410 = arith.constant 0.564189494 : f32
    %add3A_411 = vector.broadcast %add3A_410 : f32 to vector<576x1024xf32>
    %add3A_412 = arith.addf %mul3A_409, %add3A_411 : vector<576x1024xf32>
    %lt3A = arith.constant 2.000000e+00 : f32
    %lt3A_413 = vector.broadcast %lt3A : f32 to vector<576x1024xf32>
    %lt3A_414 = arith.cmpf olt, %abs3A, %lt3A_413 : vector<576x1024xf32>
    %select_n3A_415 = arith.select %lt3A_414, %add3A_382, %add3A_412 : vector<576x1024xi1>, vector<576x1024xf32>
    %mul3A_416 = arith.mulf %mul3A_345, %select_n3A_415 : vector<576x1024xf32>
    %lt3A_417 = arith.constant -88.7228394 : f32
    %lt3A_418 = vector.broadcast %lt3A_417 : f32 to vector<576x1024xf32>
    %lt3A_419 = arith.cmpf olt, %neg3A_340, %lt3A_418 : vector<576x1024xf32>
    %jit3A_420 = arith.constant 0.000000e+00 : f32
    %broadcast_in_dim3A_421 = vector.broadcast %jit3A_420 : f32 to vector<576x1024xf32>
    %select_n3A_422 = arith.select %lt3A_419, %broadcast_in_dim3A_421, %mul3A_416 : vector<576x1024xi1>, vector<576x1024xf32>
    %lt3A_423 = arith.constant 0.000000e+00 : f32
    %lt3A_424 = vector.broadcast %lt3A_423 : f32 to vector<576x1024xf32>
    %lt3A_425 = arith.cmpf olt, %mul3A_306, %lt3A_424 : vector<576x1024xf32>
    %sub3A_426 = arith.constant 2.000000e+00 : f32
    %sub3A_427 = vector.broadcast %sub3A_426 : f32 to vector<576x1024xf32>
    %sub3A_428 = arith.subf %sub3A_427, %select_n3A_422 : vector<576x1024xf32>
    %select_n3A_429 = arith.select %lt3A_425, %sub3A_428, %select_n3A_422 : vector<576x1024xi1>, vector<576x1024xf32>
    %lt3A_430 = arith.constant 1.000000e+00 : f32
    %lt3A_431 = vector.broadcast %lt3A_430 : f32 to vector<576x1024xf32>
    %lt3A_432 = arith.cmpf olt, %abs3A, %lt3A_431 : vector<576x1024xf32>
    %select_n3A_433 = arith.select %lt3A_432, %sub3A_337, %select_n3A_429 : vector<576x1024xi1>, vector<576x1024xf32>
    %mul3A_434 = arith.mulf %mul3A_301, %select_n3A_433 : vector<576x1024xf32>
    %slice3A_435 = vector.extract_strided_slice %mul3A_434 {offsets = [0, 0], sizes = [576, 256], strides = [1, 1]} : vector<576x1024xf32> to vector<576x256xf32>
    %slice3A_436 = vector.extract_strided_slice %get3A_50 {offsets = [0, 0], sizes = [256, 256], strides = [1, 1]} : vector<1024x256xf32> to vector<256x256xf32>
    %dot_general3A_437 = arith.constant dense<0.000000e+00> : vector<576x256xf32>
    %dot_general3A_438 = tpu.matmul %slice3A_435, %slice3A_436, %dot_general3A_437 {dimension_numbers = #tpu.dot_dimension_numbers<[1], [0], [0], [1], [0, 0, 1, 1], [], []>, transpose_lhs_hint = false} : vector<576x256xf32>, vector<256x256xf32>, vector<576x256xf32> -> vector<576x256xf32>
    %slice3A_439 = vector.extract_strided_slice %mul3A_434 {offsets = [0, 256], sizes = [576, 256], strides = [1, 1]} : vector<576x1024xf32> to vector<576x256xf32>
    %slice3A_440 = vector.extract_strided_slice %get3A_50 {offsets = [256, 0], sizes = [256, 256], strides = [1, 1]} : vector<1024x256xf32> to vector<256x256xf32>
    %dot_general3A_441 = arith.constant dense<0.000000e+00> : vector<576x256xf32>
    %dot_general3A_442 = tpu.matmul %slice3A_439, %slice3A_440, %dot_general3A_441 {dimension_numbers = #tpu.dot_dimension_numbers<[1], [0], [0], [1], [0, 0, 1, 1], [], []>, transpose_lhs_hint = false} : vector<576x256xf32>, vector<256x256xf32>, vector<576x256xf32> -> vector<576x256xf32>
    %add3A_443 = arith.addf %dot_general3A_438, %dot_general3A_442 : vector<576x256xf32>
    %slice3A_444 = vector.extract_strided_slice %mul3A_434 {offsets = [0, 512], sizes = [576, 256], strides = [1, 1]} : vector<576x1024xf32> to vector<576x256xf32>
    %slice3A_445 = vector.extract_strided_slice %get3A_50 {offsets = [512, 0], sizes = [256, 256], strides = [1, 1]} : vector<1024x256xf32> to vector<256x256xf32>
    %dot_general3A_446 = arith.constant dense<0.000000e+00> : vector<576x256xf32>
    %dot_general3A_447 = tpu.matmul %slice3A_444, %slice3A_445, %dot_general3A_446 {dimension_numbers = #tpu.dot_dimension_numbers<[1], [0], [0], [1], [0, 0, 1, 1], [], []>, transpose_lhs_hint = false} : vector<576x256xf32>, vector<256x256xf32>, vector<576x256xf32> -> vector<576x256xf32>
    %add3A_448 = arith.addf %add3A_443, %dot_general3A_447 : vector<576x256xf32>
    %slice3A_449 = vector.extract_strided_slice %mul3A_434 {offsets = [0, 768], sizes = [576, 256], strides = [1, 1]} : vector<576x1024xf32> to vector<576x256xf32>
    %slice3A_450 = vector.extract_strided_slice %get3A_50 {offsets = [768, 0], sizes = [256, 256], strides = [1, 1]} : vector<1024x256xf32> to vector<256x256xf32>
    %dot_general3A_451 = arith.constant dense<0.000000e+00> : vector<576x256xf32>
    %dot_general3A_452 = tpu.matmul %slice3A_449, %slice3A_450, %dot_general3A_451 {dimension_numbers = #tpu.dot_dimension_numbers<[1], [0], [0], [1], [0, 0, 1, 1], [], []>, transpose_lhs_hint = false} : vector<576x256xf32>, vector<256x256xf32>, vector<576x256xf32> -> vector<576x256xf32>
    %add3A_453 = arith.addf %add3A_448, %dot_general3A_452 : vector<576x256xf32>
    %add3A_454 = vector.broadcast %get3A_53 : vector<1x256xf32> to vector<576x256xf32>
    %add3A_455 = arith.addf %add3A_453, %add3A_454 : vector<576x256xf32>
    %add3A_456 = arith.addf %add3A_294, %add3A_455 : vector<576x256xf32>
    %reduce_sum3A_457 = arith.constant dense<0.000000e+00> : vector<576xf32>
    %reduce_sum3A_458 = vector.multi_reduction <add>, %add3A_456, %reduce_sum3A_457 [1] : vector<576x256xf32> to vector<576xf32>
    %broadcast_in_dim3A_459 = vector.shape_cast %reduce_sum3A_458 : vector<576xf32> to vector<576x1xf32>
    %div3A_460 = arith.constant 2.560000e+02 : f32
    %div3A_461 = vector.broadcast %div3A_460 : f32 to vector<576x1xf32>
    %div3A_462 = arith.divf %broadcast_in_dim3A_459, %div3A_461 : vector<576x1xf32>
    %jit3A_463 = arith.constant 0 : i32
    %reduce_sum3A_464 = arith.constant dense<0.000000e+00> : vector<576xf32>
    %reduce_sum3A_465 = vector.multi_reduction <add>, %add3A_456, %reduce_sum3A_464 [1] : vector<576x256xf32> to vector<576xf32>
    %broadcast_in_dim3A_466 = vector.shape_cast %reduce_sum3A_465 : vector<576xf32> to vector<576x1xf32>
    %div3A_467 = arith.constant 2.560000e+02 : f32
    %div3A_468 = vector.broadcast %div3A_467 : f32 to vector<576x1xf32>
    %div3A_469 = arith.divf %broadcast_in_dim3A_466, %div3A_468 : vector<576x1xf32>
    %sub3A_470 = vector.broadcast %div3A_469 : vector<576x1xf32> to vector<576x256xf32>
    %sub3A_471 = arith.subf %add3A_456, %sub3A_470 : vector<576x256xf32>
    %square3A_472 = arith.mulf %sub3A_471, %sub3A_471 : vector<576x256xf32>
    %convert_element_type3A_473 = arith.sitofp %jit3A_463 : i32 to f32
    %sub3A_474 = arith.constant 2.560000e+02 : f32
    %sub3A_475 = arith.subf %sub3A_474, %convert_element_type3A_473 : f32
    %reduce_sum3A_476 = arith.constant dense<0.000000e+00> : vector<576xf32>
    %reduce_sum3A_477 = vector.multi_reduction <add>, %square3A_472, %reduce_sum3A_476 [1] : vector<576x256xf32> to vector<576xf32>
    %broadcast_in_dim3A_478 = vector.shape_cast %reduce_sum3A_477 : vector<576xf32> to vector<576x1xf32>
    %div3A_479 = vector.broadcast %sub3A_475 : f32 to vector<576x1xf32>
    %div3A_480 = arith.divf %broadcast_in_dim3A_478, %div3A_479 : vector<576x1xf32>
    %gt3A_481 = arith.constant 0.000000e+00 : f32
    %gt3A_482 = arith.cmpf ogt, %sub3A_475, %gt3A_481 : f32
    %jit3A_483 = arith.constant 0x7FC00000 : f32
    %broadcast_in_dim3A_484 = vector.broadcast %jit3A_483 : f32 to vector<576x1xf32>
    %select_n3A_485 = arith.select %gt3A_482, %div3A_480, %broadcast_in_dim3A_484 : vector<576x1xf32>
    %sub3A_486 = vector.broadcast %div3A_462 : vector<576x1xf32> to vector<576x256xf32>
    %sub3A_487 = arith.subf %add3A_456, %sub3A_486 : vector<576x256xf32>
    %add3A_488 = arith.constant 9.99999974E-6 : f32
    %add3A_489 = vector.broadcast %add3A_488 : f32 to vector<576x1xf32>
    %add3A_490 = arith.addf %select_n3A_485, %add3A_489 : vector<576x1xf32>
    %sqrt3A_491 = math.sqrt %add3A_490 : vector<576x1xf32>
    %div3A_492 = vector.broadcast %sqrt3A_491 : vector<576x1xf32> to vector<576x256xf32>
    %div3A_493 = arith.divf %sub3A_487, %div3A_492 : vector<576x256xf32>
    %mul3A_494 = vector.broadcast %get3A_56 : vector<1x256xf32> to vector<576x256xf32>
    %mul3A_495 = arith.mulf %div3A_493, %mul3A_494 : vector<576x256xf32>
    %add3A_496 = vector.broadcast %get3A_59 : vector<1x256xf32> to vector<576x256xf32>
    %add3A_497 = arith.addf %mul3A_495, %add3A_496 : vector<576x256xf32>
    %get3A_498 = arith.constant 0 : index
    %get3A_499 = arith.constant 0 : index
    %get3A_500 = vector.load %arg20[%get3A_498, %get3A_499] : memref<256x256xf32, #tpu.memory_space<vmem>>, vector<256x256xf32>
    %get3A_501 = arith.constant 0 : index
    %get3A_502 = arith.constant 0 : index
    %get3A_503 = vector.load %arg21[%get3A_501, %get3A_502] : memref<1x256xf32, #tpu.memory_space<vmem>>, vector<1x256xf32>
    %get3A_504 = arith.constant 0 : index
    %get3A_505 = arith.constant 0 : index
    %get3A_506 = vector.load %arg22[%get3A_504, %get3A_505] : memref<256x256xf32, #tpu.memory_space<vmem>>, vector<256x256xf32>
    %get3A_507 = arith.constant 0 : index
    %get3A_508 = arith.constant 0 : index
    %get3A_509 = vector.load %arg23[%get3A_507, %get3A_508] : memref<1x256xf32, #tpu.memory_space<vmem>>, vector<1x256xf32>
    %get3A_510 = arith.constant 0 : index
    %get3A_511 = arith.constant 0 : index
    %get3A_512 = vector.load %arg24[%get3A_510, %get3A_511] : memref<256x256xf32, #tpu.memory_space<vmem>>, vector<256x256xf32>
    %get3A_513 = arith.constant 0 : index
    %get3A_514 = arith.constant 0 : index
    %get3A_515 = vector.load %arg25[%get3A_513, %get3A_514] : memref<1x256xf32, #tpu.memory_space<vmem>>, vector<1x256xf32>
    %get3A_516 = arith.constant 0 : index
    %get3A_517 = arith.constant 0 : index
    %get3A_518 = vector.load %arg26[%get3A_516, %get3A_517] : memref<256x256xf32, #tpu.memory_space<vmem>>, vector<256x256xf32>
    %get3A_519 = arith.constant 0 : index
    %get3A_520 = arith.constant 0 : index
    %get3A_521 = vector.load %arg27[%get3A_519, %get3A_520] : memref<1x256xf32, #tpu.memory_space<vmem>>, vector<1x256xf32>
    %get3A_522 = arith.constant 0 : index
    %get3A_523 = arith.constant 0 : index
    %get3A_524 = vector.load %arg28[%get3A_522, %get3A_523] : memref<1x256xf32, #tpu.memory_space<vmem>>, vector<1x256xf32>
    %get3A_525 = arith.constant 0 : index
    %get3A_526 = arith.constant 0 : index
    %get3A_527 = vector.load %arg29[%get3A_525, %get3A_526] : memref<1x256xf32, #tpu.memory_space<vmem>>, vector<1x256xf32>
    %get3A_528 = arith.constant 0 : index
    %get3A_529 = arith.constant 0 : index
    %get3A_530 = vector.load %arg30[%get3A_528, %get3A_529] : memref<256x1024xf32, #tpu.memory_space<vmem>>, vector<256x1024xf32>
    %get3A_531 = arith.constant 0 : index
    %get3A_532 = arith.constant 0 : index
    %get3A_533 = vector.load %arg31[%get3A_531, %get3A_532] : memref<1x1024xf32, #tpu.memory_space<vmem>>, vector<1x1024xf32>
    %get3A_534 = arith.constant 0 : index
    %get3A_535 = arith.constant 0 : index
    %get3A_536 = vector.load %arg32[%get3A_534, %get3A_535] : memref<1024x256xf32, #tpu.memory_space<vmem>>, vector<1024x256xf32>
    %get3A_537 = arith.constant 0 : index
    %get3A_538 = arith.constant 0 : index
    %get3A_539 = vector.load %arg33[%get3A_537, %get3A_538] : memref<1x256xf32, #tpu.memory_space<vmem>>, vector<1x256xf32>
    %get3A_540 = arith.constant 0 : index
    %get3A_541 = arith.constant 0 : index
    %get3A_542 = vector.load %arg34[%get3A_540, %get3A_541] : memref<1x256xf32, #tpu.memory_space<vmem>>, vector<1x256xf32>
    %get3A_543 = arith.constant 0 : index
    %get3A_544 = arith.constant 0 : index
    %get3A_545 = vector.load %arg35[%get3A_543, %get3A_544] : memref<1x256xf32, #tpu.memory_space<vmem>>, vector<1x256xf32>
    %dot_general3A_546 = arith.constant dense<0.000000e+00> : vector<576x256xf32>
    %dot_general3A_547 = tpu.matmul %add3A_497, %get3A_500, %dot_general3A_546 {dimension_numbers = #tpu.dot_dimension_numbers<[1], [0], [0], [1], [0, 0, 1, 1], [], []>, transpose_lhs_hint = false} : vector<576x256xf32>, vector<256x256xf32>, vector<576x256xf32> -> vector<576x256xf32>
    %add3A_548 = vector.broadcast %get3A_503 : vector<1x256xf32> to vector<576x256xf32>
    %add3A_549 = arith.addf %dot_general3A_547, %add3A_548 : vector<576x256xf32>
    %dot_general3A_550 = arith.constant dense<0.000000e+00> : vector<576x256xf32>
    %dot_general3A_551 = tpu.matmul %add3A_497, %get3A_506, %dot_general3A_550 {dimension_numbers = #tpu.dot_dimension_numbers<[1], [0], [0], [1], [0, 0, 1, 1], [], []>, transpose_lhs_hint = false} : vector<576x256xf32>, vector<256x256xf32>, vector<576x256xf32> -> vector<576x256xf32>
    %add3A_552 = vector.broadcast %get3A_509 : vector<1x256xf32> to vector<576x256xf32>
    %add3A_553 = arith.addf %dot_general3A_551, %add3A_552 : vector<576x256xf32>
    %dot_general3A_554 = arith.constant dense<0.000000e+00> : vector<576x256xf32>
    %dot_general3A_555 = tpu.matmul %add3A_497, %get3A_512, %dot_general3A_554 {dimension_numbers = #tpu.dot_dimension_numbers<[1], [0], [0], [1], [0, 0, 1, 1], [], []>, transpose_lhs_hint = false} : vector<576x256xf32>, vector<256x256xf32>, vector<576x256xf32> -> vector<576x256xf32>
    %add3A_556 = vector.broadcast %get3A_515 : vector<1x256xf32> to vector<576x256xf32>
    %add3A_557 = arith.addf %dot_general3A_555, %add3A_556 : vector<576x256xf32>
    %slice3A_558 = vector.extract_strided_slice %add3A_549 {offsets = [0, 0], sizes = [576, 32], strides = [1, 1]} : vector<576x256xf32> to vector<576x32xf32>
    %slice3A_559 = vector.extract_strided_slice %add3A_553 {offsets = [0, 0], sizes = [576, 32], strides = [1, 1]} : vector<576x256xf32> to vector<576x32xf32>
    %slice3A_560 = vector.extract_strided_slice %add3A_557 {offsets = [0, 0], sizes = [576, 32], strides = [1, 1]} : vector<576x256xf32> to vector<576x32xf32>
    %dot_general3A_561 = arith.constant dense<0.000000e+00> : vector<576x576xf32>
    %dot_general3A_562 = tpu.matmul %slice3A_558, %slice3A_559, %dot_general3A_561 {dimension_numbers = #tpu.dot_dimension_numbers<[1], [1], [0], [0], [0, 0, 1, 0], [], []>, transpose_lhs_hint = false} : vector<576x32xf32>, vector<576x32xf32>, vector<576x576xf32> -> vector<576x576xf32>
    %div3A_563 = arith.constant 5.65685415 : f32
    %div3A_564 = vector.broadcast %div3A_563 : f32 to vector<576x576xf32>
    %div3A_565 = arith.divf %dot_general3A_562, %div3A_564 : vector<576x576xf32>
    %reduce_max3A_566 = arith.constant dense<0xFF800000> : vector<576xf32>
    %reduce_max3A_567 = vector.multi_reduction <maximumf>, %div3A_565, %reduce_max3A_566 [1] : vector<576x576xf32> to vector<576xf32>
    %max3A_568 = arith.constant 0xFF800000 : f32
    %max3A_569 = vector.broadcast %max3A_568 : f32 to vector<576xf32>
    %max3A_570 = arith.maximumf %max3A_569, %reduce_max3A_567 : vector<576xf32>
    %broadcast_in_dim3A_571 = vector.shape_cast %max3A_570 : vector<576xf32> to vector<576x1xf32>
    %sub3A_572 = vector.broadcast %broadcast_in_dim3A_571 : vector<576x1xf32> to vector<576x576xf32>
    %sub3A_573 = arith.subf %div3A_565, %sub3A_572 : vector<576x576xf32>
    %exp3A_574 = math.exp %sub3A_573 : vector<576x576xf32>
    %reduce_sum3A_575 = arith.constant dense<0.000000e+00> : vector<576xf32>
    %reduce_sum3A_576 = vector.multi_reduction <add>, %exp3A_574, %reduce_sum3A_575 [1] : vector<576x576xf32> to vector<576xf32>
    %broadcast_in_dim3A_577 = vector.shape_cast %reduce_sum3A_576 : vector<576xf32> to vector<576x1xf32>
    %div3A_578 = vector.broadcast %broadcast_in_dim3A_577 : vector<576x1xf32> to vector<576x576xf32>
    %div3A_579 = arith.divf %exp3A_574, %div3A_578 : vector<576x576xf32>
    %dot_general3A_580 = arith.constant dense<0.000000e+00> : vector<576x32xf32>
    %dot_general3A_581 = tpu.matmul %div3A_579, %slice3A_560, %dot_general3A_580 {dimension_numbers = #tpu.dot_dimension_numbers<[1], [0], [0], [1], [0, 0, 1, 1], [], []>, transpose_lhs_hint = false} : vector<576x576xf32>, vector<576x32xf32>, vector<576x32xf32> -> vector<576x32xf32>
    %slice3A_582 = vector.extract_strided_slice %add3A_549 {offsets = [0, 32], sizes = [576, 32], strides = [1, 1]} : vector<576x256xf32> to vector<576x32xf32>
    %slice3A_583 = vector.extract_strided_slice %add3A_553 {offsets = [0, 32], sizes = [576, 32], strides = [1, 1]} : vector<576x256xf32> to vector<576x32xf32>
    %slice3A_584 = vector.extract_strided_slice %add3A_557 {offsets = [0, 32], sizes = [576, 32], strides = [1, 1]} : vector<576x256xf32> to vector<576x32xf32>
    %dot_general3A_585 = arith.constant dense<0.000000e+00> : vector<576x576xf32>
    %dot_general3A_586 = tpu.matmul %slice3A_582, %slice3A_583, %dot_general3A_585 {dimension_numbers = #tpu.dot_dimension_numbers<[1], [1], [0], [0], [0, 0, 1, 0], [], []>, transpose_lhs_hint = false} : vector<576x32xf32>, vector<576x32xf32>, vector<576x576xf32> -> vector<576x576xf32>
    %div3A_587 = arith.constant 5.65685415 : f32
    %div3A_588 = vector.broadcast %div3A_587 : f32 to vector<576x576xf32>
    %div3A_589 = arith.divf %dot_general3A_586, %div3A_588 : vector<576x576xf32>
    %reduce_max3A_590 = arith.constant dense<0xFF800000> : vector<576xf32>
    %reduce_max3A_591 = vector.multi_reduction <maximumf>, %div3A_589, %reduce_max3A_590 [1] : vector<576x576xf32> to vector<576xf32>
    %max3A_592 = arith.constant 0xFF800000 : f32
    %max3A_593 = vector.broadcast %max3A_592 : f32 to vector<576xf32>
    %max3A_594 = arith.maximumf %max3A_593, %reduce_max3A_591 : vector<576xf32>
    %broadcast_in_dim3A_595 = vector.shape_cast %max3A_594 : vector<576xf32> to vector<576x1xf32>
    %sub3A_596 = vector.broadcast %broadcast_in_dim3A_595 : vector<576x1xf32> to vector<576x576xf32>
    %sub3A_597 = arith.subf %div3A_589, %sub3A_596 : vector<576x576xf32>
    %exp3A_598 = math.exp %sub3A_597 : vector<576x576xf32>
    %reduce_sum3A_599 = arith.constant dense<0.000000e+00> : vector<576xf32>
    %reduce_sum3A_600 = vector.multi_reduction <add>, %exp3A_598, %reduce_sum3A_599 [1] : vector<576x576xf32> to vector<576xf32>
    %broadcast_in_dim3A_601 = vector.shape_cast %reduce_sum3A_600 : vector<576xf32> to vector<576x1xf32>
    %div3A_602 = vector.broadcast %broadcast_in_dim3A_601 : vector<576x1xf32> to vector<576x576xf32>
    %div3A_603 = arith.divf %exp3A_598, %div3A_602 : vector<576x576xf32>
    %dot_general3A_604 = arith.constant dense<0.000000e+00> : vector<576x32xf32>
    %dot_general3A_605 = tpu.matmul %div3A_603, %slice3A_584, %dot_general3A_604 {dimension_numbers = #tpu.dot_dimension_numbers<[1], [0], [0], [1], [0, 0, 1, 1], [], []>, transpose_lhs_hint = false} : vector<576x576xf32>, vector<576x32xf32>, vector<576x32xf32> -> vector<576x32xf32>
    %slice3A_606 = vector.extract_strided_slice %add3A_549 {offsets = [0, 64], sizes = [576, 32], strides = [1, 1]} : vector<576x256xf32> to vector<576x32xf32>
    %slice3A_607 = vector.extract_strided_slice %add3A_553 {offsets = [0, 64], sizes = [576, 32], strides = [1, 1]} : vector<576x256xf32> to vector<576x32xf32>
    %slice3A_608 = vector.extract_strided_slice %add3A_557 {offsets = [0, 64], sizes = [576, 32], strides = [1, 1]} : vector<576x256xf32> to vector<576x32xf32>
    %dot_general3A_609 = arith.constant dense<0.000000e+00> : vector<576x576xf32>
    %dot_general3A_610 = tpu.matmul %slice3A_606, %slice3A_607, %dot_general3A_609 {dimension_numbers = #tpu.dot_dimension_numbers<[1], [1], [0], [0], [0, 0, 1, 0], [], []>, transpose_lhs_hint = false} : vector<576x32xf32>, vector<576x32xf32>, vector<576x576xf32> -> vector<576x576xf32>
    %div3A_611 = arith.constant 5.65685415 : f32
    %div3A_612 = vector.broadcast %div3A_611 : f32 to vector<576x576xf32>
    %div3A_613 = arith.divf %dot_general3A_610, %div3A_612 : vector<576x576xf32>
    %reduce_max3A_614 = arith.constant dense<0xFF800000> : vector<576xf32>
    %reduce_max3A_615 = vector.multi_reduction <maximumf>, %div3A_613, %reduce_max3A_614 [1] : vector<576x576xf32> to vector<576xf32>
    %max3A_616 = arith.constant 0xFF800000 : f32
    %max3A_617 = vector.broadcast %max3A_616 : f32 to vector<576xf32>
    %max3A_618 = arith.maximumf %max3A_617, %reduce_max3A_615 : vector<576xf32>
    %broadcast_in_dim3A_619 = vector.shape_cast %max3A_618 : vector<576xf32> to vector<576x1xf32>
    %sub3A_620 = vector.broadcast %broadcast_in_dim3A_619 : vector<576x1xf32> to vector<576x576xf32>
    %sub3A_621 = arith.subf %div3A_613, %sub3A_620 : vector<576x576xf32>
    %exp3A_622 = math.exp %sub3A_621 : vector<576x576xf32>
    %reduce_sum3A_623 = arith.constant dense<0.000000e+00> : vector<576xf32>
    %reduce_sum3A_624 = vector.multi_reduction <add>, %exp3A_622, %reduce_sum3A_623 [1] : vector<576x576xf32> to vector<576xf32>
    %broadcast_in_dim3A_625 = vector.shape_cast %reduce_sum3A_624 : vector<576xf32> to vector<576x1xf32>
    %div3A_626 = vector.broadcast %broadcast_in_dim3A_625 : vector<576x1xf32> to vector<576x576xf32>
    %div3A_627 = arith.divf %exp3A_622, %div3A_626 : vector<576x576xf32>
    %dot_general3A_628 = arith.constant dense<0.000000e+00> : vector<576x32xf32>
    %dot_general3A_629 = tpu.matmul %div3A_627, %slice3A_608, %dot_general3A_628 {dimension_numbers = #tpu.dot_dimension_numbers<[1], [0], [0], [1], [0, 0, 1, 1], [], []>, transpose_lhs_hint = false} : vector<576x576xf32>, vector<576x32xf32>, vector<576x32xf32> -> vector<576x32xf32>
    %slice3A_630 = vector.extract_strided_slice %add3A_549 {offsets = [0, 96], sizes = [576, 32], strides = [1, 1]} : vector<576x256xf32> to vector<576x32xf32>
    %slice3A_631 = vector.extract_strided_slice %add3A_553 {offsets = [0, 96], sizes = [576, 32], strides = [1, 1]} : vector<576x256xf32> to vector<576x32xf32>
    %slice3A_632 = vector.extract_strided_slice %add3A_557 {offsets = [0, 96], sizes = [576, 32], strides = [1, 1]} : vector<576x256xf32> to vector<576x32xf32>
    %dot_general3A_633 = arith.constant dense<0.000000e+00> : vector<576x576xf32>
    %dot_general3A_634 = tpu.matmul %slice3A_630, %slice3A_631, %dot_general3A_633 {dimension_numbers = #tpu.dot_dimension_numbers<[1], [1], [0], [0], [0, 0, 1, 0], [], []>, transpose_lhs_hint = false} : vector<576x32xf32>, vector<576x32xf32>, vector<576x576xf32> -> vector<576x576xf32>
    %div3A_635 = arith.constant 5.65685415 : f32
    %div3A_636 = vector.broadcast %div3A_635 : f32 to vector<576x576xf32>
    %div3A_637 = arith.divf %dot_general3A_634, %div3A_636 : vector<576x576xf32>
    %reduce_max3A_638 = arith.constant dense<0xFF800000> : vector<576xf32>
    %reduce_max3A_639 = vector.multi_reduction <maximumf>, %div3A_637, %reduce_max3A_638 [1] : vector<576x576xf32> to vector<576xf32>
    %max3A_640 = arith.constant 0xFF800000 : f32
    %max3A_641 = vector.broadcast %max3A_640 : f32 to vector<576xf32>
    %max3A_642 = arith.maximumf %max3A_641, %reduce_max3A_639 : vector<576xf32>
    %broadcast_in_dim3A_643 = vector.shape_cast %max3A_642 : vector<576xf32> to vector<576x1xf32>
    %sub3A_644 = vector.broadcast %broadcast_in_dim3A_643 : vector<576x1xf32> to vector<576x576xf32>
    %sub3A_645 = arith.subf %div3A_637, %sub3A_644 : vector<576x576xf32>
    %exp3A_646 = math.exp %sub3A_645 : vector<576x576xf32>
    %reduce_sum3A_647 = arith.constant dense<0.000000e+00> : vector<576xf32>
    %reduce_sum3A_648 = vector.multi_reduction <add>, %exp3A_646, %reduce_sum3A_647 [1] : vector<576x576xf32> to vector<576xf32>
    %broadcast_in_dim3A_649 = vector.shape_cast %reduce_sum3A_648 : vector<576xf32> to vector<576x1xf32>
    %div3A_650 = vector.broadcast %broadcast_in_dim3A_649 : vector<576x1xf32> to vector<576x576xf32>
    %div3A_651 = arith.divf %exp3A_646, %div3A_650 : vector<576x576xf32>
    %dot_general3A_652 = arith.constant dense<0.000000e+00> : vector<576x32xf32>
    %dot_general3A_653 = tpu.matmul %div3A_651, %slice3A_632, %dot_general3A_652 {dimension_numbers = #tpu.dot_dimension_numbers<[1], [0], [0], [1], [0, 0, 1, 1], [], []>, transpose_lhs_hint = false} : vector<576x576xf32>, vector<576x32xf32>, vector<576x32xf32> -> vector<576x32xf32>
    %slice3A_654 = vector.extract_strided_slice %add3A_549 {offsets = [0, 128], sizes = [576, 32], strides = [1, 1]} : vector<576x256xf32> to vector<576x32xf32>
    %slice3A_655 = vector.extract_strided_slice %add3A_553 {offsets = [0, 128], sizes = [576, 32], strides = [1, 1]} : vector<576x256xf32> to vector<576x32xf32>
    %slice3A_656 = vector.extract_strided_slice %add3A_557 {offsets = [0, 128], sizes = [576, 32], strides = [1, 1]} : vector<576x256xf32> to vector<576x32xf32>
    %dot_general3A_657 = arith.constant dense<0.000000e+00> : vector<576x576xf32>
    %dot_general3A_658 = tpu.matmul %slice3A_654, %slice3A_655, %dot_general3A_657 {dimension_numbers = #tpu.dot_dimension_numbers<[1], [1], [0], [0], [0, 0, 1, 0], [], []>, transpose_lhs_hint = false} : vector<576x32xf32>, vector<576x32xf32>, vector<576x576xf32> -> vector<576x576xf32>
    %div3A_659 = arith.constant 5.65685415 : f32
    %div3A_660 = vector.broadcast %div3A_659 : f32 to vector<576x576xf32>
    %div3A_661 = arith.divf %dot_general3A_658, %div3A_660 : vector<576x576xf32>
    %reduce_max3A_662 = arith.constant dense<0xFF800000> : vector<576xf32>
    %reduce_max3A_663 = vector.multi_reduction <maximumf>, %div3A_661, %reduce_max3A_662 [1] : vector<576x576xf32> to vector<576xf32>
    %max3A_664 = arith.constant 0xFF800000 : f32
    %max3A_665 = vector.broadcast %max3A_664 : f32 to vector<576xf32>
    %max3A_666 = arith.maximumf %max3A_665, %reduce_max3A_663 : vector<576xf32>
    %broadcast_in_dim3A_667 = vector.shape_cast %max3A_666 : vector<576xf32> to vector<576x1xf32>
    %sub3A_668 = vector.broadcast %broadcast_in_dim3A_667 : vector<576x1xf32> to vector<576x576xf32>
    %sub3A_669 = arith.subf %div3A_661, %sub3A_668 : vector<576x576xf32>
    %exp3A_670 = math.exp %sub3A_669 : vector<576x576xf32>
    %reduce_sum3A_671 = arith.constant dense<0.000000e+00> : vector<576xf32>
    %reduce_sum3A_672 = vector.multi_reduction <add>, %exp3A_670, %reduce_sum3A_671 [1] : vector<576x576xf32> to vector<576xf32>
    %broadcast_in_dim3A_673 = vector.shape_cast %reduce_sum3A_672 : vector<576xf32> to vector<576x1xf32>
    %div3A_674 = vector.broadcast %broadcast_in_dim3A_673 : vector<576x1xf32> to vector<576x576xf32>
    %div3A_675 = arith.divf %exp3A_670, %div3A_674 : vector<576x576xf32>
    %dot_general3A_676 = arith.constant dense<0.000000e+00> : vector<576x32xf32>
    %dot_general3A_677 = tpu.matmul %div3A_675, %slice3A_656, %dot_general3A_676 {dimension_numbers = #tpu.dot_dimension_numbers<[1], [0], [0], [1], [0, 0, 1, 1], [], []>, transpose_lhs_hint = false} : vector<576x576xf32>, vector<576x32xf32>, vector<576x32xf32> -> vector<576x32xf32>
    %slice3A_678 = vector.extract_strided_slice %add3A_549 {offsets = [0, 160], sizes = [576, 32], strides = [1, 1]} : vector<576x256xf32> to vector<576x32xf32>
    %slice3A_679 = vector.extract_strided_slice %add3A_553 {offsets = [0, 160], sizes = [576, 32], strides = [1, 1]} : vector<576x256xf32> to vector<576x32xf32>
    %slice3A_680 = vector.extract_strided_slice %add3A_557 {offsets = [0, 160], sizes = [576, 32], strides = [1, 1]} : vector<576x256xf32> to vector<576x32xf32>
    %dot_general3A_681 = arith.constant dense<0.000000e+00> : vector<576x576xf32>
    %dot_general3A_682 = tpu.matmul %slice3A_678, %slice3A_679, %dot_general3A_681 {dimension_numbers = #tpu.dot_dimension_numbers<[1], [1], [0], [0], [0, 0, 1, 0], [], []>, transpose_lhs_hint = false} : vector<576x32xf32>, vector<576x32xf32>, vector<576x576xf32> -> vector<576x576xf32>
    %div3A_683 = arith.constant 5.65685415 : f32
    %div3A_684 = vector.broadcast %div3A_683 : f32 to vector<576x576xf32>
    %div3A_685 = arith.divf %dot_general3A_682, %div3A_684 : vector<576x576xf32>
    %reduce_max3A_686 = arith.constant dense<0xFF800000> : vector<576xf32>
    %reduce_max3A_687 = vector.multi_reduction <maximumf>, %div3A_685, %reduce_max3A_686 [1] : vector<576x576xf32> to vector<576xf32>
    %max3A_688 = arith.constant 0xFF800000 : f32
    %max3A_689 = vector.broadcast %max3A_688 : f32 to vector<576xf32>
    %max3A_690 = arith.maximumf %max3A_689, %reduce_max3A_687 : vector<576xf32>
    %broadcast_in_dim3A_691 = vector.shape_cast %max3A_690 : vector<576xf32> to vector<576x1xf32>
    %sub3A_692 = vector.broadcast %broadcast_in_dim3A_691 : vector<576x1xf32> to vector<576x576xf32>
    %sub3A_693 = arith.subf %div3A_685, %sub3A_692 : vector<576x576xf32>
    %exp3A_694 = math.exp %sub3A_693 : vector<576x576xf32>
    %reduce_sum3A_695 = arith.constant dense<0.000000e+00> : vector<576xf32>
    %reduce_sum3A_696 = vector.multi_reduction <add>, %exp3A_694, %reduce_sum3A_695 [1] : vector<576x576xf32> to vector<576xf32>
    %broadcast_in_dim3A_697 = vector.shape_cast %reduce_sum3A_696 : vector<576xf32> to vector<576x1xf32>
    %div3A_698 = vector.broadcast %broadcast_in_dim3A_697 : vector<576x1xf32> to vector<576x576xf32>
    %div3A_699 = arith.divf %exp3A_694, %div3A_698 : vector<576x576xf32>
    %dot_general3A_700 = arith.constant dense<0.000000e+00> : vector<576x32xf32>
    %dot_general3A_701 = tpu.matmul %div3A_699, %slice3A_680, %dot_general3A_700 {dimension_numbers = #tpu.dot_dimension_numbers<[1], [0], [0], [1], [0, 0, 1, 1], [], []>, transpose_lhs_hint = false} : vector<576x576xf32>, vector<576x32xf32>, vector<576x32xf32> -> vector<576x32xf32>
    %slice3A_702 = vector.extract_strided_slice %add3A_549 {offsets = [0, 192], sizes = [576, 32], strides = [1, 1]} : vector<576x256xf32> to vector<576x32xf32>
    %slice3A_703 = vector.extract_strided_slice %add3A_553 {offsets = [0, 192], sizes = [576, 32], strides = [1, 1]} : vector<576x256xf32> to vector<576x32xf32>
    %slice3A_704 = vector.extract_strided_slice %add3A_557 {offsets = [0, 192], sizes = [576, 32], strides = [1, 1]} : vector<576x256xf32> to vector<576x32xf32>
    %dot_general3A_705 = arith.constant dense<0.000000e+00> : vector<576x576xf32>
    %dot_general3A_706 = tpu.matmul %slice3A_702, %slice3A_703, %dot_general3A_705 {dimension_numbers = #tpu.dot_dimension_numbers<[1], [1], [0], [0], [0, 0, 1, 0], [], []>, transpose_lhs_hint = false} : vector<576x32xf32>, vector<576x32xf32>, vector<576x576xf32> -> vector<576x576xf32>
    %div3A_707 = arith.constant 5.65685415 : f32
    %div3A_708 = vector.broadcast %div3A_707 : f32 to vector<576x576xf32>
    %div3A_709 = arith.divf %dot_general3A_706, %div3A_708 : vector<576x576xf32>
    %reduce_max3A_710 = arith.constant dense<0xFF800000> : vector<576xf32>
    %reduce_max3A_711 = vector.multi_reduction <maximumf>, %div3A_709, %reduce_max3A_710 [1] : vector<576x576xf32> to vector<576xf32>
    %max3A_712 = arith.constant 0xFF800000 : f32
    %max3A_713 = vector.broadcast %max3A_712 : f32 to vector<576xf32>
    %max3A_714 = arith.maximumf %max3A_713, %reduce_max3A_711 : vector<576xf32>
    %broadcast_in_dim3A_715 = vector.shape_cast %max3A_714 : vector<576xf32> to vector<576x1xf32>
    %sub3A_716 = vector.broadcast %broadcast_in_dim3A_715 : vector<576x1xf32> to vector<576x576xf32>
    %sub3A_717 = arith.subf %div3A_709, %sub3A_716 : vector<576x576xf32>
    %exp3A_718 = math.exp %sub3A_717 : vector<576x576xf32>
    %reduce_sum3A_719 = arith.constant dense<0.000000e+00> : vector<576xf32>
    %reduce_sum3A_720 = vector.multi_reduction <add>, %exp3A_718, %reduce_sum3A_719 [1] : vector<576x576xf32> to vector<576xf32>
    %broadcast_in_dim3A_721 = vector.shape_cast %reduce_sum3A_720 : vector<576xf32> to vector<576x1xf32>
    %div3A_722 = vector.broadcast %broadcast_in_dim3A_721 : vector<576x1xf32> to vector<576x576xf32>
    %div3A_723 = arith.divf %exp3A_718, %div3A_722 : vector<576x576xf32>
    %dot_general3A_724 = arith.constant dense<0.000000e+00> : vector<576x32xf32>
    %dot_general3A_725 = tpu.matmul %div3A_723, %slice3A_704, %dot_general3A_724 {dimension_numbers = #tpu.dot_dimension_numbers<[1], [0], [0], [1], [0, 0, 1, 1], [], []>, transpose_lhs_hint = false} : vector<576x576xf32>, vector<576x32xf32>, vector<576x32xf32> -> vector<576x32xf32>
    %slice3A_726 = vector.extract_strided_slice %add3A_549 {offsets = [0, 224], sizes = [576, 32], strides = [1, 1]} : vector<576x256xf32> to vector<576x32xf32>
    %slice3A_727 = vector.extract_strided_slice %add3A_553 {offsets = [0, 224], sizes = [576, 32], strides = [1, 1]} : vector<576x256xf32> to vector<576x32xf32>
    %slice3A_728 = vector.extract_strided_slice %add3A_557 {offsets = [0, 224], sizes = [576, 32], strides = [1, 1]} : vector<576x256xf32> to vector<576x32xf32>
    %dot_general3A_729 = arith.constant dense<0.000000e+00> : vector<576x576xf32>
    %dot_general3A_730 = tpu.matmul %slice3A_726, %slice3A_727, %dot_general3A_729 {dimension_numbers = #tpu.dot_dimension_numbers<[1], [1], [0], [0], [0, 0, 1, 0], [], []>, transpose_lhs_hint = false} : vector<576x32xf32>, vector<576x32xf32>, vector<576x576xf32> -> vector<576x576xf32>
    %div3A_731 = arith.constant 5.65685415 : f32
    %div3A_732 = vector.broadcast %div3A_731 : f32 to vector<576x576xf32>
    %div3A_733 = arith.divf %dot_general3A_730, %div3A_732 : vector<576x576xf32>
    %reduce_max3A_734 = arith.constant dense<0xFF800000> : vector<576xf32>
    %reduce_max3A_735 = vector.multi_reduction <maximumf>, %div3A_733, %reduce_max3A_734 [1] : vector<576x576xf32> to vector<576xf32>
    %max3A_736 = arith.constant 0xFF800000 : f32
    %max3A_737 = vector.broadcast %max3A_736 : f32 to vector<576xf32>
    %max3A_738 = arith.maximumf %max3A_737, %reduce_max3A_735 : vector<576xf32>
    %broadcast_in_dim3A_739 = vector.shape_cast %max3A_738 : vector<576xf32> to vector<576x1xf32>
    %sub3A_740 = vector.broadcast %broadcast_in_dim3A_739 : vector<576x1xf32> to vector<576x576xf32>
    %sub3A_741 = arith.subf %div3A_733, %sub3A_740 : vector<576x576xf32>
    %exp3A_742 = math.exp %sub3A_741 : vector<576x576xf32>
    %reduce_sum3A_743 = arith.constant dense<0.000000e+00> : vector<576xf32>
    %reduce_sum3A_744 = vector.multi_reduction <add>, %exp3A_742, %reduce_sum3A_743 [1] : vector<576x576xf32> to vector<576xf32>
    %broadcast_in_dim3A_745 = vector.shape_cast %reduce_sum3A_744 : vector<576xf32> to vector<576x1xf32>
    %div3A_746 = vector.broadcast %broadcast_in_dim3A_745 : vector<576x1xf32> to vector<576x576xf32>
    %div3A_747 = arith.divf %exp3A_742, %div3A_746 : vector<576x576xf32>
    %dot_general3A_748 = arith.constant dense<0.000000e+00> : vector<576x32xf32>
    %dot_general3A_749 = tpu.matmul %div3A_747, %slice3A_728, %dot_general3A_748 {dimension_numbers = #tpu.dot_dimension_numbers<[1], [0], [0], [1], [0, 0, 1, 1], [], []>, transpose_lhs_hint = false} : vector<576x576xf32>, vector<576x32xf32>, vector<576x32xf32> -> vector<576x32xf32>
    %concatenate3A_750 = tpu.concatenate %dot_general3A_581, %dot_general3A_605, %dot_general3A_629, %dot_general3A_653, %dot_general3A_677, %dot_general3A_701, %dot_general3A_725, %dot_general3A_749 in 1 : vector<576x32xf32>, vector<576x32xf32>, vector<576x32xf32>, vector<576x32xf32>, vector<576x32xf32>, vector<576x32xf32>, vector<576x32xf32>, vector<576x32xf32> -> vector<576x256xf32>
    %dot_general3A_751 = arith.constant dense<0.000000e+00> : vector<576x256xf32>
    %dot_general3A_752 = tpu.matmul %concatenate3A_750, %get3A_518, %dot_general3A_751 {dimension_numbers = #tpu.dot_dimension_numbers<[1], [0], [0], [1], [0, 0, 1, 1], [], []>, transpose_lhs_hint = false} : vector<576x256xf32>, vector<256x256xf32>, vector<576x256xf32> -> vector<576x256xf32>
    %add3A_753 = vector.broadcast %get3A_521 : vector<1x256xf32> to vector<576x256xf32>
    %add3A_754 = arith.addf %dot_general3A_752, %add3A_753 : vector<576x256xf32>
    %add3A_755 = arith.addf %add3A_497, %add3A_754 : vector<576x256xf32>
    %reduce_sum3A_756 = arith.constant dense<0.000000e+00> : vector<576xf32>
    %reduce_sum3A_757 = vector.multi_reduction <add>, %add3A_755, %reduce_sum3A_756 [1] : vector<576x256xf32> to vector<576xf32>
    %broadcast_in_dim3A_758 = vector.shape_cast %reduce_sum3A_757 : vector<576xf32> to vector<576x1xf32>
    %div3A_759 = arith.constant 2.560000e+02 : f32
    %div3A_760 = vector.broadcast %div3A_759 : f32 to vector<576x1xf32>
    %div3A_761 = arith.divf %broadcast_in_dim3A_758, %div3A_760 : vector<576x1xf32>
    %jit3A_762 = arith.constant 0 : i32
    %reduce_sum3A_763 = arith.constant dense<0.000000e+00> : vector<576xf32>
    %reduce_sum3A_764 = vector.multi_reduction <add>, %add3A_755, %reduce_sum3A_763 [1] : vector<576x256xf32> to vector<576xf32>
    %broadcast_in_dim3A_765 = vector.shape_cast %reduce_sum3A_764 : vector<576xf32> to vector<576x1xf32>
    %div3A_766 = arith.constant 2.560000e+02 : f32
    %div3A_767 = vector.broadcast %div3A_766 : f32 to vector<576x1xf32>
    %div3A_768 = arith.divf %broadcast_in_dim3A_765, %div3A_767 : vector<576x1xf32>
    %sub3A_769 = vector.broadcast %div3A_768 : vector<576x1xf32> to vector<576x256xf32>
    %sub3A_770 = arith.subf %add3A_755, %sub3A_769 : vector<576x256xf32>
    %square3A_771 = arith.mulf %sub3A_770, %sub3A_770 : vector<576x256xf32>
    %convert_element_type3A_772 = arith.sitofp %jit3A_762 : i32 to f32
    %sub3A_773 = arith.constant 2.560000e+02 : f32
    %sub3A_774 = arith.subf %sub3A_773, %convert_element_type3A_772 : f32
    %reduce_sum3A_775 = arith.constant dense<0.000000e+00> : vector<576xf32>
    %reduce_sum3A_776 = vector.multi_reduction <add>, %square3A_771, %reduce_sum3A_775 [1] : vector<576x256xf32> to vector<576xf32>
    %broadcast_in_dim3A_777 = vector.shape_cast %reduce_sum3A_776 : vector<576xf32> to vector<576x1xf32>
    %div3A_778 = vector.broadcast %sub3A_774 : f32 to vector<576x1xf32>
    %div3A_779 = arith.divf %broadcast_in_dim3A_777, %div3A_778 : vector<576x1xf32>
    %gt3A_780 = arith.constant 0.000000e+00 : f32
    %gt3A_781 = arith.cmpf ogt, %sub3A_774, %gt3A_780 : f32
    %jit3A_782 = arith.constant 0x7FC00000 : f32
    %broadcast_in_dim3A_783 = vector.broadcast %jit3A_782 : f32 to vector<576x1xf32>
    %select_n3A_784 = arith.select %gt3A_781, %div3A_779, %broadcast_in_dim3A_783 : vector<576x1xf32>
    %sub3A_785 = vector.broadcast %div3A_761 : vector<576x1xf32> to vector<576x256xf32>
    %sub3A_786 = arith.subf %add3A_755, %sub3A_785 : vector<576x256xf32>
    %add3A_787 = arith.constant 9.99999974E-6 : f32
    %add3A_788 = vector.broadcast %add3A_787 : f32 to vector<576x1xf32>
    %add3A_789 = arith.addf %select_n3A_784, %add3A_788 : vector<576x1xf32>
    %sqrt3A_790 = math.sqrt %add3A_789 : vector<576x1xf32>
    %div3A_791 = vector.broadcast %sqrt3A_790 : vector<576x1xf32> to vector<576x256xf32>
    %div3A_792 = arith.divf %sub3A_786, %div3A_791 : vector<576x256xf32>
    %mul3A_793 = vector.broadcast %get3A_524 : vector<1x256xf32> to vector<576x256xf32>
    %mul3A_794 = arith.mulf %div3A_792, %mul3A_793 : vector<576x256xf32>
    %add3A_795 = vector.broadcast %get3A_527 : vector<1x256xf32> to vector<576x256xf32>
    %add3A_796 = arith.addf %mul3A_794, %add3A_795 : vector<576x256xf32>
    %dot_general3A_797 = arith.constant dense<0.000000e+00> : vector<576x1024xf32>
    %dot_general3A_798 = tpu.matmul %add3A_796, %get3A_530, %dot_general3A_797 {dimension_numbers = #tpu.dot_dimension_numbers<[1], [0], [0], [1], [0, 0, 1, 1], [], []>, transpose_lhs_hint = false} : vector<576x256xf32>, vector<256x1024xf32>, vector<576x1024xf32> -> vector<576x1024xf32>
    %add3A_799 = vector.broadcast %get3A_533 : vector<1x1024xf32> to vector<576x1024xf32>
    %add3A_800 = arith.addf %dot_general3A_798, %add3A_799 : vector<576x1024xf32>
    %mul3A_801 = arith.constant 5.000000e-01 : f32
    %mul3A_802 = vector.broadcast %mul3A_801 : f32 to vector<576x1024xf32>
    %mul3A_803 = arith.mulf %mul3A_802, %add3A_800 : vector<576x1024xf32>
    %neg3A_804 = arith.constant 0.000000e+00 : f32
    %neg3A_805 = vector.broadcast %neg3A_804 : f32 to vector<576x1024xf32>
    %neg3A_806 = arith.subf %neg3A_805, %add3A_800 : vector<576x1024xf32>
    %mul3A_807 = arith.constant 0.707106769 : f32
    %mul3A_808 = vector.broadcast %mul3A_807 : f32 to vector<576x1024xf32>
    %mul3A_809 = arith.mulf %neg3A_806, %mul3A_808 : vector<576x1024xf32>
    %abs3A_810 = math.absf %mul3A_809 : vector<576x1024xf32>
    %mul3A_811 = arith.mulf %mul3A_809, %mul3A_809 : vector<576x1024xf32>
    %mul3A_812 = arith.constant 7.85386146E-5 : f32
    %mul3A_813 = vector.broadcast %mul3A_812 : f32 to vector<576x1024xf32>
    %mul3A_814 = arith.mulf %mul3A_813, %mul3A_811 : vector<576x1024xf32>
    %add3A_815 = arith.constant -8.0101937E-4 : f32
    %add3A_816 = vector.broadcast %add3A_815 : f32 to vector<576x1024xf32>
    %add3A_817 = arith.addf %mul3A_814, %add3A_816 : vector<576x1024xf32>
    %mul3A_818 = arith.mulf %add3A_817, %mul3A_811 : vector<576x1024xf32>
    %add3A_819 = arith.constant 0.00518832775 : f32
    %add3A_820 = vector.broadcast %add3A_819 : f32 to vector<576x1024xf32>
    %add3A_821 = arith.addf %mul3A_818, %add3A_820 : vector<576x1024xf32>
    %mul3A_822 = arith.mulf %add3A_821, %mul3A_811 : vector<576x1024xf32>
    %add3A_823 = arith.constant -0.0268538129 : f32
    %add3A_824 = vector.broadcast %add3A_823 : f32 to vector<576x1024xf32>
    %add3A_825 = arith.addf %mul3A_822, %add3A_824 : vector<576x1024xf32>
    %mul3A_826 = arith.mulf %add3A_825, %mul3A_811 : vector<576x1024xf32>
    %add3A_827 = arith.constant 0.112835854 : f32
    %add3A_828 = vector.broadcast %add3A_827 : f32 to vector<576x1024xf32>
    %add3A_829 = arith.addf %mul3A_826, %add3A_828 : vector<576x1024xf32>
    %mul3A_830 = arith.mulf %add3A_829, %mul3A_811 : vector<576x1024xf32>
    %add3A_831 = arith.constant -0.37612626 : f32
    %add3A_832 = vector.broadcast %add3A_831 : f32 to vector<576x1024xf32>
    %add3A_833 = arith.addf %mul3A_830, %add3A_832 : vector<576x1024xf32>
    %mul3A_834 = arith.mulf %add3A_833, %mul3A_811 : vector<576x1024xf32>
    %add3A_835 = arith.constant 1.12837911 : f32
    %add3A_836 = vector.broadcast %add3A_835 : f32 to vector<576x1024xf32>
    %add3A_837 = arith.addf %mul3A_834, %add3A_836 : vector<576x1024xf32>
    %mul3A_838 = arith.mulf %mul3A_809, %add3A_837 : vector<576x1024xf32>
    %sub3A_839 = arith.constant 1.000000e+00 : f32
    %sub3A_840 = vector.broadcast %sub3A_839 : f32 to vector<576x1024xf32>
    %sub3A_841 = arith.subf %sub3A_840, %mul3A_838 : vector<576x1024xf32>
    %neg3A_842 = arith.constant 0.000000e+00 : f32
    %neg3A_843 = vector.broadcast %neg3A_842 : f32 to vector<576x1024xf32>
    %neg3A_844 = arith.subf %neg3A_843, %mul3A_811 : vector<576x1024xf32>
    %exp3A_845 = math.exp %neg3A_844 : vector<576x1024xf32>
    %div3A_846 = arith.constant 1.000000e+00 : f32
    %div3A_847 = vector.broadcast %div3A_846 : f32 to vector<576x1024xf32>
    %div3A_848 = arith.divf %div3A_847, %abs3A_810 : vector<576x1024xf32>
    %mul3A_849 = arith.mulf %exp3A_845, %div3A_848 : vector<576x1024xf32>
    %div3A_850 = arith.constant 1.000000e+00 : f32
    %div3A_851 = vector.broadcast %div3A_850 : f32 to vector<576x1024xf32>
    %div3A_852 = arith.divf %div3A_851, %mul3A_811 : vector<576x1024xf32>
    %mul3A_853 = arith.constant 2.326820e-02 : f32
    %mul3A_854 = vector.broadcast %mul3A_853 : f32 to vector<576x1024xf32>
    %mul3A_855 = arith.mulf %mul3A_854, %div3A_852 : vector<576x1024xf32>
    %add3A_856 = arith.constant -0.138703942 : f32
    %add3A_857 = vector.broadcast %add3A_856 : f32 to vector<576x1024xf32>
    %add3A_858 = arith.addf %mul3A_855, %add3A_857 : vector<576x1024xf32>
    %mul3A_859 = arith.mulf %add3A_858, %div3A_852 : vector<576x1024xf32>
    %add3A_860 = arith.constant 0.368742466 : f32
    %add3A_861 = vector.broadcast %add3A_860 : f32 to vector<576x1024xf32>
    %add3A_862 = arith.addf %mul3A_859, %add3A_861 : vector<576x1024xf32>
    %mul3A_863 = arith.mulf %add3A_862, %div3A_852 : vector<576x1024xf32>
    %add3A_864 = arith.constant -0.582473278 : f32
    %add3A_865 = vector.broadcast %add3A_864 : f32 to vector<576x1024xf32>
    %add3A_866 = arith.addf %mul3A_863, %add3A_865 : vector<576x1024xf32>
    %mul3A_867 = arith.mulf %add3A_866, %div3A_852 : vector<576x1024xf32>
    %add3A_868 = arith.constant 0.621000468 : f32
    %add3A_869 = vector.broadcast %add3A_868 : f32 to vector<576x1024xf32>
    %add3A_870 = arith.addf %mul3A_867, %add3A_869 : vector<576x1024xf32>
    %mul3A_871 = arith.mulf %add3A_870, %div3A_852 : vector<576x1024xf32>
    %add3A_872 = arith.constant -0.494451523 : f32
    %add3A_873 = vector.broadcast %add3A_872 : f32 to vector<576x1024xf32>
    %add3A_874 = arith.addf %mul3A_871, %add3A_873 : vector<576x1024xf32>
    %mul3A_875 = arith.mulf %add3A_874, %div3A_852 : vector<576x1024xf32>
    %add3A_876 = arith.constant 3.404880e-01 : f32
    %add3A_877 = vector.broadcast %add3A_876 : f32 to vector<576x1024xf32>
    %add3A_878 = arith.addf %mul3A_875, %add3A_877 : vector<576x1024xf32>
    %mul3A_879 = arith.mulf %add3A_878, %div3A_852 : vector<576x1024xf32>
    %add3A_880 = arith.constant -0.274112701 : f32
    %add3A_881 = vector.broadcast %add3A_880 : f32 to vector<576x1024xf32>
    %add3A_882 = arith.addf %mul3A_879, %add3A_881 : vector<576x1024xf32>
    %mul3A_883 = arith.mulf %add3A_882, %div3A_852 : vector<576x1024xf32>
    %add3A_884 = arith.constant 0.563825965 : f32
    %add3A_885 = vector.broadcast %add3A_884 : f32 to vector<576x1024xf32>
    %add3A_886 = arith.addf %mul3A_883, %add3A_885 : vector<576x1024xf32>
    %mul3A_887 = arith.constant -10.477664 : f32
    %mul3A_888 = vector.broadcast %mul3A_887 : f32 to vector<576x1024xf32>
    %mul3A_889 = arith.mulf %mul3A_888, %div3A_852 : vector<576x1024xf32>
    %add3A_890 = arith.constant 1.297720e+01 : f32
    %add3A_891 = vector.broadcast %add3A_890 : f32 to vector<576x1024xf32>
    %add3A_892 = arith.addf %mul3A_889, %add3A_891 : vector<576x1024xf32>
    %mul3A_893 = arith.mulf %add3A_892, %div3A_852 : vector<576x1024xf32>
    %add3A_894 = arith.constant -7.49551868 : f32
    %add3A_895 = vector.broadcast %add3A_894 : f32 to vector<576x1024xf32>
    %add3A_896 = arith.addf %mul3A_893, %add3A_895 : vector<576x1024xf32>
    %mul3A_897 = arith.mulf %add3A_896, %div3A_852 : vector<576x1024xf32>
    %add3A_898 = arith.constant 2.92101908 : f32
    %add3A_899 = vector.broadcast %add3A_898 : f32 to vector<576x1024xf32>
    %add3A_900 = arith.addf %mul3A_897, %add3A_899 : vector<576x1024xf32>
    %mul3A_901 = arith.mulf %add3A_900, %div3A_852 : vector<576x1024xf32>
    %add3A_902 = arith.constant -1.01526523 : f32
    %add3A_903 = vector.broadcast %add3A_902 : f32 to vector<576x1024xf32>
    %add3A_904 = arith.addf %mul3A_901, %add3A_903 : vector<576x1024xf32>
    %mul3A_905 = arith.mulf %add3A_904, %div3A_852 : vector<576x1024xf32>
    %add3A_906 = arith.constant 0.42184633 : f32
    %add3A_907 = vector.broadcast %add3A_906 : f32 to vector<576x1024xf32>
    %add3A_908 = arith.addf %mul3A_905, %add3A_907 : vector<576x1024xf32>
    %mul3A_909 = arith.mulf %add3A_908, %div3A_852 : vector<576x1024xf32>
    %add3A_910 = arith.constant -0.282076746 : f32
    %add3A_911 = vector.broadcast %add3A_910 : f32 to vector<576x1024xf32>
    %add3A_912 = arith.addf %mul3A_909, %add3A_911 : vector<576x1024xf32>
    %mul3A_913 = arith.mulf %add3A_912, %div3A_852 : vector<576x1024xf32>
    %add3A_914 = arith.constant 0.564189494 : f32
    %add3A_915 = vector.broadcast %add3A_914 : f32 to vector<576x1024xf32>
    %add3A_916 = arith.addf %mul3A_913, %add3A_915 : vector<576x1024xf32>
    %lt3A_917 = arith.constant 2.000000e+00 : f32
    %lt3A_918 = vector.broadcast %lt3A_917 : f32 to vector<576x1024xf32>
    %lt3A_919 = arith.cmpf olt, %abs3A_810, %lt3A_918 : vector<576x1024xf32>
    %select_n3A_920 = arith.select %lt3A_919, %add3A_886, %add3A_916 : vector<576x1024xi1>, vector<576x1024xf32>
    %mul3A_921 = arith.mulf %mul3A_849, %select_n3A_920 : vector<576x1024xf32>
    %lt3A_922 = arith.constant -88.7228394 : f32
    %lt3A_923 = vector.broadcast %lt3A_922 : f32 to vector<576x1024xf32>
    %lt3A_924 = arith.cmpf olt, %neg3A_844, %lt3A_923 : vector<576x1024xf32>
    %jit3A_925 = arith.constant 0.000000e+00 : f32
    %broadcast_in_dim3A_926 = vector.broadcast %jit3A_925 : f32 to vector<576x1024xf32>
    %select_n3A_927 = arith.select %lt3A_924, %broadcast_in_dim3A_926, %mul3A_921 : vector<576x1024xi1>, vector<576x1024xf32>
    %lt3A_928 = arith.constant 0.000000e+00 : f32
    %lt3A_929 = vector.broadcast %lt3A_928 : f32 to vector<576x1024xf32>
    %lt3A_930 = arith.cmpf olt, %mul3A_809, %lt3A_929 : vector<576x1024xf32>
    %sub3A_931 = arith.constant 2.000000e+00 : f32
    %sub3A_932 = vector.broadcast %sub3A_931 : f32 to vector<576x1024xf32>
    %sub3A_933 = arith.subf %sub3A_932, %select_n3A_927 : vector<576x1024xf32>
    %select_n3A_934 = arith.select %lt3A_930, %sub3A_933, %select_n3A_927 : vector<576x1024xi1>, vector<576x1024xf32>
    %lt3A_935 = arith.constant 1.000000e+00 : f32
    %lt3A_936 = vector.broadcast %lt3A_935 : f32 to vector<576x1024xf32>
    %lt3A_937 = arith.cmpf olt, %abs3A_810, %lt3A_936 : vector<576x1024xf32>
    %select_n3A_938 = arith.select %lt3A_937, %sub3A_841, %select_n3A_934 : vector<576x1024xi1>, vector<576x1024xf32>
    %mul3A_939 = arith.mulf %mul3A_803, %select_n3A_938 : vector<576x1024xf32>
    %slice3A_940 = vector.extract_strided_slice %mul3A_939 {offsets = [0, 0], sizes = [576, 256], strides = [1, 1]} : vector<576x1024xf32> to vector<576x256xf32>
    %slice3A_941 = vector.extract_strided_slice %get3A_536 {offsets = [0, 0], sizes = [256, 256], strides = [1, 1]} : vector<1024x256xf32> to vector<256x256xf32>
    %dot_general3A_942 = arith.constant dense<0.000000e+00> : vector<576x256xf32>
    %dot_general3A_943 = tpu.matmul %slice3A_940, %slice3A_941, %dot_general3A_942 {dimension_numbers = #tpu.dot_dimension_numbers<[1], [0], [0], [1], [0, 0, 1, 1], [], []>, transpose_lhs_hint = false} : vector<576x256xf32>, vector<256x256xf32>, vector<576x256xf32> -> vector<576x256xf32>
    %slice3A_944 = vector.extract_strided_slice %mul3A_939 {offsets = [0, 256], sizes = [576, 256], strides = [1, 1]} : vector<576x1024xf32> to vector<576x256xf32>
    %slice3A_945 = vector.extract_strided_slice %get3A_536 {offsets = [256, 0], sizes = [256, 256], strides = [1, 1]} : vector<1024x256xf32> to vector<256x256xf32>
    %dot_general3A_946 = arith.constant dense<0.000000e+00> : vector<576x256xf32>
    %dot_general3A_947 = tpu.matmul %slice3A_944, %slice3A_945, %dot_general3A_946 {dimension_numbers = #tpu.dot_dimension_numbers<[1], [0], [0], [1], [0, 0, 1, 1], [], []>, transpose_lhs_hint = false} : vector<576x256xf32>, vector<256x256xf32>, vector<576x256xf32> -> vector<576x256xf32>
    %add3A_948 = arith.addf %dot_general3A_943, %dot_general3A_947 : vector<576x256xf32>
    %slice3A_949 = vector.extract_strided_slice %mul3A_939 {offsets = [0, 512], sizes = [576, 256], strides = [1, 1]} : vector<576x1024xf32> to vector<576x256xf32>
    %slice3A_950 = vector.extract_strided_slice %get3A_536 {offsets = [512, 0], sizes = [256, 256], strides = [1, 1]} : vector<1024x256xf32> to vector<256x256xf32>
    %dot_general3A_951 = arith.constant dense<0.000000e+00> : vector<576x256xf32>
    %dot_general3A_952 = tpu.matmul %slice3A_949, %slice3A_950, %dot_general3A_951 {dimension_numbers = #tpu.dot_dimension_numbers<[1], [0], [0], [1], [0, 0, 1, 1], [], []>, transpose_lhs_hint = false} : vector<576x256xf32>, vector<256x256xf32>, vector<576x256xf32> -> vector<576x256xf32>
    %add3A_953 = arith.addf %add3A_948, %dot_general3A_952 : vector<576x256xf32>
    %slice3A_954 = vector.extract_strided_slice %mul3A_939 {offsets = [0, 768], sizes = [576, 256], strides = [1, 1]} : vector<576x1024xf32> to vector<576x256xf32>
    %slice3A_955 = vector.extract_strided_slice %get3A_536 {offsets = [768, 0], sizes = [256, 256], strides = [1, 1]} : vector<1024x256xf32> to vector<256x256xf32>
    %dot_general3A_956 = arith.constant dense<0.000000e+00> : vector<576x256xf32>
    %dot_general3A_957 = tpu.matmul %slice3A_954, %slice3A_955, %dot_general3A_956 {dimension_numbers = #tpu.dot_dimension_numbers<[1], [0], [0], [1], [0, 0, 1, 1], [], []>, transpose_lhs_hint = false} : vector<576x256xf32>, vector<256x256xf32>, vector<576x256xf32> -> vector<576x256xf32>
    %add3A_958 = arith.addf %add3A_953, %dot_general3A_957 : vector<576x256xf32>
    %add3A_959 = vector.broadcast %get3A_539 : vector<1x256xf32> to vector<576x256xf32>
    %add3A_960 = arith.addf %add3A_958, %add3A_959 : vector<576x256xf32>
    %add3A_961 = arith.addf %add3A_796, %add3A_960 : vector<576x256xf32>
    %reduce_sum3A_962 = arith.constant dense<0.000000e+00> : vector<576xf32>
    %reduce_sum3A_963 = vector.multi_reduction <add>, %add3A_961, %reduce_sum3A_962 [1] : vector<576x256xf32> to vector<576xf32>
    %broadcast_in_dim3A_964 = vector.shape_cast %reduce_sum3A_963 : vector<576xf32> to vector<576x1xf32>
    %div3A_965 = arith.constant 2.560000e+02 : f32
    %div3A_966 = vector.broadcast %div3A_965 : f32 to vector<576x1xf32>
    %div3A_967 = arith.divf %broadcast_in_dim3A_964, %div3A_966 : vector<576x1xf32>
    %jit3A_968 = arith.constant 0 : i32
    %reduce_sum3A_969 = arith.constant dense<0.000000e+00> : vector<576xf32>
    %reduce_sum3A_970 = vector.multi_reduction <add>, %add3A_961, %reduce_sum3A_969 [1] : vector<576x256xf32> to vector<576xf32>
    %broadcast_in_dim3A_971 = vector.shape_cast %reduce_sum3A_970 : vector<576xf32> to vector<576x1xf32>
    %div3A_972 = arith.constant 2.560000e+02 : f32
    %div3A_973 = vector.broadcast %div3A_972 : f32 to vector<576x1xf32>
    %div3A_974 = arith.divf %broadcast_in_dim3A_971, %div3A_973 : vector<576x1xf32>
    %sub3A_975 = vector.broadcast %div3A_974 : vector<576x1xf32> to vector<576x256xf32>
    %sub3A_976 = arith.subf %add3A_961, %sub3A_975 : vector<576x256xf32>
    %square3A_977 = arith.mulf %sub3A_976, %sub3A_976 : vector<576x256xf32>
    %convert_element_type3A_978 = arith.sitofp %jit3A_968 : i32 to f32
    %sub3A_979 = arith.constant 2.560000e+02 : f32
    %sub3A_980 = arith.subf %sub3A_979, %convert_element_type3A_978 : f32
    %reduce_sum3A_981 = arith.constant dense<0.000000e+00> : vector<576xf32>
    %reduce_sum3A_982 = vector.multi_reduction <add>, %square3A_977, %reduce_sum3A_981 [1] : vector<576x256xf32> to vector<576xf32>
    %broadcast_in_dim3A_983 = vector.shape_cast %reduce_sum3A_982 : vector<576xf32> to vector<576x1xf32>
    %div3A_984 = vector.broadcast %sub3A_980 : f32 to vector<576x1xf32>
    %div3A_985 = arith.divf %broadcast_in_dim3A_983, %div3A_984 : vector<576x1xf32>
    %gt3A_986 = arith.constant 0.000000e+00 : f32
    %gt3A_987 = arith.cmpf ogt, %sub3A_980, %gt3A_986 : f32
    %jit3A_988 = arith.constant 0x7FC00000 : f32
    %broadcast_in_dim3A_989 = vector.broadcast %jit3A_988 : f32 to vector<576x1xf32>
    %select_n3A_990 = arith.select %gt3A_987, %div3A_985, %broadcast_in_dim3A_989 : vector<576x1xf32>
    %sub3A_991 = vector.broadcast %div3A_967 : vector<576x1xf32> to vector<576x256xf32>
    %sub3A_992 = arith.subf %add3A_961, %sub3A_991 : vector<576x256xf32>
    %add3A_993 = arith.constant 9.99999974E-6 : f32
    %add3A_994 = vector.broadcast %add3A_993 : f32 to vector<576x1xf32>
    %add3A_995 = arith.addf %select_n3A_990, %add3A_994 : vector<576x1xf32>
    %sqrt3A_996 = math.sqrt %add3A_995 : vector<576x1xf32>
    %div3A_997 = vector.broadcast %sqrt3A_996 : vector<576x1xf32> to vector<576x256xf32>
    %div3A_998 = arith.divf %sub3A_992, %div3A_997 : vector<576x256xf32>
    %mul3A_999 = vector.broadcast %get3A_542 : vector<1x256xf32> to vector<576x256xf32>
    %mul3A_1000 = arith.mulf %div3A_998, %mul3A_999 : vector<576x256xf32>
    %add3A_1001 = vector.broadcast %get3A_545 : vector<1x256xf32> to vector<576x256xf32>
    %add3A_1002 = arith.addf %mul3A_1000, %add3A_1001 : vector<576x256xf32>
    %get3A_1003 = arith.constant 0 : index
    %get3A_1004 = arith.constant 0 : index
    %get3A_1005 = vector.load %arg36[%get3A_1003, %get3A_1004] : memref<256x256xf32, #tpu.memory_space<vmem>>, vector<256x256xf32>
    %get3A_1006 = arith.constant 0 : index
    %get3A_1007 = arith.constant 0 : index
    %get3A_1008 = vector.load %arg37[%get3A_1006, %get3A_1007] : memref<1x256xf32, #tpu.memory_space<vmem>>, vector<1x256xf32>
    %get3A_1009 = arith.constant 0 : index
    %get3A_1010 = arith.constant 0 : index
    %get3A_1011 = vector.load %arg38[%get3A_1009, %get3A_1010] : memref<256x256xf32, #tpu.memory_space<vmem>>, vector<256x256xf32>
    %get3A_1012 = arith.constant 0 : index
    %get3A_1013 = arith.constant 0 : index
    %get3A_1014 = vector.load %arg39[%get3A_1012, %get3A_1013] : memref<1x256xf32, #tpu.memory_space<vmem>>, vector<1x256xf32>
    %get3A_1015 = arith.constant 0 : index
    %get3A_1016 = arith.constant 0 : index
    %get3A_1017 = vector.load %arg40[%get3A_1015, %get3A_1016] : memref<256x256xf32, #tpu.memory_space<vmem>>, vector<256x256xf32>
    %get3A_1018 = arith.constant 0 : index
    %get3A_1019 = arith.constant 0 : index
    %get3A_1020 = vector.load %arg41[%get3A_1018, %get3A_1019] : memref<1x256xf32, #tpu.memory_space<vmem>>, vector<1x256xf32>
    %get3A_1021 = arith.constant 0 : index
    %get3A_1022 = arith.constant 0 : index
    %get3A_1023 = vector.load %arg42[%get3A_1021, %get3A_1022] : memref<256x256xf32, #tpu.memory_space<vmem>>, vector<256x256xf32>
    %get3A_1024 = arith.constant 0 : index
    %get3A_1025 = arith.constant 0 : index
    %get3A_1026 = vector.load %arg43[%get3A_1024, %get3A_1025] : memref<1x256xf32, #tpu.memory_space<vmem>>, vector<1x256xf32>
    %get3A_1027 = arith.constant 0 : index
    %get3A_1028 = arith.constant 0 : index
    %get3A_1029 = vector.load %arg44[%get3A_1027, %get3A_1028] : memref<1x256xf32, #tpu.memory_space<vmem>>, vector<1x256xf32>
    %get3A_1030 = arith.constant 0 : index
    %get3A_1031 = arith.constant 0 : index
    %get3A_1032 = vector.load %arg45[%get3A_1030, %get3A_1031] : memref<1x256xf32, #tpu.memory_space<vmem>>, vector<1x256xf32>
    %get3A_1033 = arith.constant 0 : index
    %get3A_1034 = arith.constant 0 : index
    %get3A_1035 = vector.load %arg46[%get3A_1033, %get3A_1034] : memref<256x1024xf32, #tpu.memory_space<vmem>>, vector<256x1024xf32>
    %get3A_1036 = arith.constant 0 : index
    %get3A_1037 = arith.constant 0 : index
    %get3A_1038 = vector.load %arg47[%get3A_1036, %get3A_1037] : memref<1x1024xf32, #tpu.memory_space<vmem>>, vector<1x1024xf32>
    %get3A_1039 = arith.constant 0 : index
    %get3A_1040 = arith.constant 0 : index
    %get3A_1041 = vector.load %arg48[%get3A_1039, %get3A_1040] : memref<1024x256xf32, #tpu.memory_space<vmem>>, vector<1024x256xf32>
    %get3A_1042 = arith.constant 0 : index
    %get3A_1043 = arith.constant 0 : index
    %get3A_1044 = vector.load %arg49[%get3A_1042, %get3A_1043] : memref<1x256xf32, #tpu.memory_space<vmem>>, vector<1x256xf32>
    %get3A_1045 = arith.constant 0 : index
    %get3A_1046 = arith.constant 0 : index
    %get3A_1047 = vector.load %arg50[%get3A_1045, %get3A_1046] : memref<1x256xf32, #tpu.memory_space<vmem>>, vector<1x256xf32>
    %get3A_1048 = arith.constant 0 : index
    %get3A_1049 = arith.constant 0 : index
    %get3A_1050 = vector.load %arg51[%get3A_1048, %get3A_1049] : memref<1x256xf32, #tpu.memory_space<vmem>>, vector<1x256xf32>
    %dot_general3A_1051 = arith.constant dense<0.000000e+00> : vector<576x256xf32>
    %dot_general3A_1052 = tpu.matmul %add3A_1002, %get3A_1005, %dot_general3A_1051 {dimension_numbers = #tpu.dot_dimension_numbers<[1], [0], [0], [1], [0, 0, 1, 1], [], []>, transpose_lhs_hint = false} : vector<576x256xf32>, vector<256x256xf32>, vector<576x256xf32> -> vector<576x256xf32>
    %add3A_1053 = vector.broadcast %get3A_1008 : vector<1x256xf32> to vector<576x256xf32>
    %add3A_1054 = arith.addf %dot_general3A_1052, %add3A_1053 : vector<576x256xf32>
    %dot_general3A_1055 = arith.constant dense<0.000000e+00> : vector<576x256xf32>
    %dot_general3A_1056 = tpu.matmul %add3A_1002, %get3A_1011, %dot_general3A_1055 {dimension_numbers = #tpu.dot_dimension_numbers<[1], [0], [0], [1], [0, 0, 1, 1], [], []>, transpose_lhs_hint = false} : vector<576x256xf32>, vector<256x256xf32>, vector<576x256xf32> -> vector<576x256xf32>
    %add3A_1057 = vector.broadcast %get3A_1014 : vector<1x256xf32> to vector<576x256xf32>
    %add3A_1058 = arith.addf %dot_general3A_1056, %add3A_1057 : vector<576x256xf32>
    %dot_general3A_1059 = arith.constant dense<0.000000e+00> : vector<576x256xf32>
    %dot_general3A_1060 = tpu.matmul %add3A_1002, %get3A_1017, %dot_general3A_1059 {dimension_numbers = #tpu.dot_dimension_numbers<[1], [0], [0], [1], [0, 0, 1, 1], [], []>, transpose_lhs_hint = false} : vector<576x256xf32>, vector<256x256xf32>, vector<576x256xf32> -> vector<576x256xf32>
    %add3A_1061 = vector.broadcast %get3A_1020 : vector<1x256xf32> to vector<576x256xf32>
    %add3A_1062 = arith.addf %dot_general3A_1060, %add3A_1061 : vector<576x256xf32>
    %slice3A_1063 = vector.extract_strided_slice %add3A_1054 {offsets = [0, 0], sizes = [576, 32], strides = [1, 1]} : vector<576x256xf32> to vector<576x32xf32>
    %slice3A_1064 = vector.extract_strided_slice %add3A_1058 {offsets = [0, 0], sizes = [576, 32], strides = [1, 1]} : vector<576x256xf32> to vector<576x32xf32>
    %slice3A_1065 = vector.extract_strided_slice %add3A_1062 {offsets = [0, 0], sizes = [576, 32], strides = [1, 1]} : vector<576x256xf32> to vector<576x32xf32>
    %dot_general3A_1066 = arith.constant dense<0.000000e+00> : vector<576x576xf32>
    %dot_general3A_1067 = tpu.matmul %slice3A_1063, %slice3A_1064, %dot_general3A_1066 {dimension_numbers = #tpu.dot_dimension_numbers<[1], [1], [0], [0], [0, 0, 1, 0], [], []>, transpose_lhs_hint = false} : vector<576x32xf32>, vector<576x32xf32>, vector<576x576xf32> -> vector<576x576xf32>
    %div3A_1068 = arith.constant 5.65685415 : f32
    %div3A_1069 = vector.broadcast %div3A_1068 : f32 to vector<576x576xf32>
    %div3A_1070 = arith.divf %dot_general3A_1067, %div3A_1069 : vector<576x576xf32>
    %reduce_max3A_1071 = arith.constant dense<0xFF800000> : vector<576xf32>
    %reduce_max3A_1072 = vector.multi_reduction <maximumf>, %div3A_1070, %reduce_max3A_1071 [1] : vector<576x576xf32> to vector<576xf32>
    %max3A_1073 = arith.constant 0xFF800000 : f32
    %max3A_1074 = vector.broadcast %max3A_1073 : f32 to vector<576xf32>
    %max3A_1075 = arith.maximumf %max3A_1074, %reduce_max3A_1072 : vector<576xf32>
    %broadcast_in_dim3A_1076 = vector.shape_cast %max3A_1075 : vector<576xf32> to vector<576x1xf32>
    %sub3A_1077 = vector.broadcast %broadcast_in_dim3A_1076 : vector<576x1xf32> to vector<576x576xf32>
    %sub3A_1078 = arith.subf %div3A_1070, %sub3A_1077 : vector<576x576xf32>
    %exp3A_1079 = math.exp %sub3A_1078 : vector<576x576xf32>
    %reduce_sum3A_1080 = arith.constant dense<0.000000e+00> : vector<576xf32>
    %reduce_sum3A_1081 = vector.multi_reduction <add>, %exp3A_1079, %reduce_sum3A_1080 [1] : vector<576x576xf32> to vector<576xf32>
    %broadcast_in_dim3A_1082 = vector.shape_cast %reduce_sum3A_1081 : vector<576xf32> to vector<576x1xf32>
    %div3A_1083 = vector.broadcast %broadcast_in_dim3A_1082 : vector<576x1xf32> to vector<576x576xf32>
    %div3A_1084 = arith.divf %exp3A_1079, %div3A_1083 : vector<576x576xf32>
    %dot_general3A_1085 = arith.constant dense<0.000000e+00> : vector<576x32xf32>
    %dot_general3A_1086 = tpu.matmul %div3A_1084, %slice3A_1065, %dot_general3A_1085 {dimension_numbers = #tpu.dot_dimension_numbers<[1], [0], [0], [1], [0, 0, 1, 1], [], []>, transpose_lhs_hint = false} : vector<576x576xf32>, vector<576x32xf32>, vector<576x32xf32> -> vector<576x32xf32>
    %slice3A_1087 = vector.extract_strided_slice %add3A_1054 {offsets = [0, 32], sizes = [576, 32], strides = [1, 1]} : vector<576x256xf32> to vector<576x32xf32>
    %slice3A_1088 = vector.extract_strided_slice %add3A_1058 {offsets = [0, 32], sizes = [576, 32], strides = [1, 1]} : vector<576x256xf32> to vector<576x32xf32>
    %slice3A_1089 = vector.extract_strided_slice %add3A_1062 {offsets = [0, 32], sizes = [576, 32], strides = [1, 1]} : vector<576x256xf32> to vector<576x32xf32>
    %dot_general3A_1090 = arith.constant dense<0.000000e+00> : vector<576x576xf32>
    %dot_general3A_1091 = tpu.matmul %slice3A_1087, %slice3A_1088, %dot_general3A_1090 {dimension_numbers = #tpu.dot_dimension_numbers<[1], [1], [0], [0], [0, 0, 1, 0], [], []>, transpose_lhs_hint = false} : vector<576x32xf32>, vector<576x32xf32>, vector<576x576xf32> -> vector<576x576xf32>
    %div3A_1092 = arith.constant 5.65685415 : f32
    %div3A_1093 = vector.broadcast %div3A_1092 : f32 to vector<576x576xf32>
    %div3A_1094 = arith.divf %dot_general3A_1091, %div3A_1093 : vector<576x576xf32>
    %reduce_max3A_1095 = arith.constant dense<0xFF800000> : vector<576xf32>
    %reduce_max3A_1096 = vector.multi_reduction <maximumf>, %div3A_1094, %reduce_max3A_1095 [1] : vector<576x576xf32> to vector<576xf32>
    %max3A_1097 = arith.constant 0xFF800000 : f32
    %max3A_1098 = vector.broadcast %max3A_1097 : f32 to vector<576xf32>
    %max3A_1099 = arith.maximumf %max3A_1098, %reduce_max3A_1096 : vector<576xf32>
    %broadcast_in_dim3A_1100 = vector.shape_cast %max3A_1099 : vector<576xf32> to vector<576x1xf32>
    %sub3A_1101 = vector.broadcast %broadcast_in_dim3A_1100 : vector<576x1xf32> to vector<576x576xf32>
    %sub3A_1102 = arith.subf %div3A_1094, %sub3A_1101 : vector<576x576xf32>
    %exp3A_1103 = math.exp %sub3A_1102 : vector<576x576xf32>
    %reduce_sum3A_1104 = arith.constant dense<0.000000e+00> : vector<576xf32>
    %reduce_sum3A_1105 = vector.multi_reduction <add>, %exp3A_1103, %reduce_sum3A_1104 [1] : vector<576x576xf32> to vector<576xf32>
    %broadcast_in_dim3A_1106 = vector.shape_cast %reduce_sum3A_1105 : vector<576xf32> to vector<576x1xf32>
    %div3A_1107 = vector.broadcast %broadcast_in_dim3A_1106 : vector<576x1xf32> to vector<576x576xf32>
    %div3A_1108 = arith.divf %exp3A_1103, %div3A_1107 : vector<576x576xf32>
    %dot_general3A_1109 = arith.constant dense<0.000000e+00> : vector<576x32xf32>
    %dot_general3A_1110 = tpu.matmul %div3A_1108, %slice3A_1089, %dot_general3A_1109 {dimension_numbers = #tpu.dot_dimension_numbers<[1], [0], [0], [1], [0, 0, 1, 1], [], []>, transpose_lhs_hint = false} : vector<576x576xf32>, vector<576x32xf32>, vector<576x32xf32> -> vector<576x32xf32>
    %slice3A_1111 = vector.extract_strided_slice %add3A_1054 {offsets = [0, 64], sizes = [576, 32], strides = [1, 1]} : vector<576x256xf32> to vector<576x32xf32>
    %slice3A_1112 = vector.extract_strided_slice %add3A_1058 {offsets = [0, 64], sizes = [576, 32], strides = [1, 1]} : vector<576x256xf32> to vector<576x32xf32>
    %slice3A_1113 = vector.extract_strided_slice %add3A_1062 {offsets = [0, 64], sizes = [576, 32], strides = [1, 1]} : vector<576x256xf32> to vector<576x32xf32>
    %dot_general3A_1114 = arith.constant dense<0.000000e+00> : vector<576x576xf32>
    %dot_general3A_1115 = tpu.matmul %slice3A_1111, %slice3A_1112, %dot_general3A_1114 {dimension_numbers = #tpu.dot_dimension_numbers<[1], [1], [0], [0], [0, 0, 1, 0], [], []>, transpose_lhs_hint = false} : vector<576x32xf32>, vector<576x32xf32>, vector<576x576xf32> -> vector<576x576xf32>
    %div3A_1116 = arith.constant 5.65685415 : f32
    %div3A_1117 = vector.broadcast %div3A_1116 : f32 to vector<576x576xf32>
    %div3A_1118 = arith.divf %dot_general3A_1115, %div3A_1117 : vector<576x576xf32>
    %reduce_max3A_1119 = arith.constant dense<0xFF800000> : vector<576xf32>
    %reduce_max3A_1120 = vector.multi_reduction <maximumf>, %div3A_1118, %reduce_max3A_1119 [1] : vector<576x576xf32> to vector<576xf32>
    %max3A_1121 = arith.constant 0xFF800000 : f32
    %max3A_1122 = vector.broadcast %max3A_1121 : f32 to vector<576xf32>
    %max3A_1123 = arith.maximumf %max3A_1122, %reduce_max3A_1120 : vector<576xf32>
    %broadcast_in_dim3A_1124 = vector.shape_cast %max3A_1123 : vector<576xf32> to vector<576x1xf32>
    %sub3A_1125 = vector.broadcast %broadcast_in_dim3A_1124 : vector<576x1xf32> to vector<576x576xf32>
    %sub3A_1126 = arith.subf %div3A_1118, %sub3A_1125 : vector<576x576xf32>
    %exp3A_1127 = math.exp %sub3A_1126 : vector<576x576xf32>
    %reduce_sum3A_1128 = arith.constant dense<0.000000e+00> : vector<576xf32>
    %reduce_sum3A_1129 = vector.multi_reduction <add>, %exp3A_1127, %reduce_sum3A_1128 [1] : vector<576x576xf32> to vector<576xf32>
    %broadcast_in_dim3A_1130 = vector.shape_cast %reduce_sum3A_1129 : vector<576xf32> to vector<576x1xf32>
    %div3A_1131 = vector.broadcast %broadcast_in_dim3A_1130 : vector<576x1xf32> to vector<576x576xf32>
    %div3A_1132 = arith.divf %exp3A_1127, %div3A_1131 : vector<576x576xf32>
    %dot_general3A_1133 = arith.constant dense<0.000000e+00> : vector<576x32xf32>
    %dot_general3A_1134 = tpu.matmul %div3A_1132, %slice3A_1113, %dot_general3A_1133 {dimension_numbers = #tpu.dot_dimension_numbers<[1], [0], [0], [1], [0, 0, 1, 1], [], []>, transpose_lhs_hint = false} : vector<576x576xf32>, vector<576x32xf32>, vector<576x32xf32> -> vector<576x32xf32>
    %slice3A_1135 = vector.extract_strided_slice %add3A_1054 {offsets = [0, 96], sizes = [576, 32], strides = [1, 1]} : vector<576x256xf32> to vector<576x32xf32>
    %slice3A_1136 = vector.extract_strided_slice %add3A_1058 {offsets = [0, 96], sizes = [576, 32], strides = [1, 1]} : vector<576x256xf32> to vector<576x32xf32>
    %slice3A_1137 = vector.extract_strided_slice %add3A_1062 {offsets = [0, 96], sizes = [576, 32], strides = [1, 1]} : vector<576x256xf32> to vector<576x32xf32>
    %dot_general3A_1138 = arith.constant dense<0.000000e+00> : vector<576x576xf32>
    %dot_general3A_1139 = tpu.matmul %slice3A_1135, %slice3A_1136, %dot_general3A_1138 {dimension_numbers = #tpu.dot_dimension_numbers<[1], [1], [0], [0], [0, 0, 1, 0], [], []>, transpose_lhs_hint = false} : vector<576x32xf32>, vector<576x32xf32>, vector<576x576xf32> -> vector<576x576xf32>
    %div3A_1140 = arith.constant 5.65685415 : f32
    %div3A_1141 = vector.broadcast %div3A_1140 : f32 to vector<576x576xf32>
    %div3A_1142 = arith.divf %dot_general3A_1139, %div3A_1141 : vector<576x576xf32>
    %reduce_max3A_1143 = arith.constant dense<0xFF800000> : vector<576xf32>
    %reduce_max3A_1144 = vector.multi_reduction <maximumf>, %div3A_1142, %reduce_max3A_1143 [1] : vector<576x576xf32> to vector<576xf32>
    %max3A_1145 = arith.constant 0xFF800000 : f32
    %max3A_1146 = vector.broadcast %max3A_1145 : f32 to vector<576xf32>
    %max3A_1147 = arith.maximumf %max3A_1146, %reduce_max3A_1144 : vector<576xf32>
    %broadcast_in_dim3A_1148 = vector.shape_cast %max3A_1147 : vector<576xf32> to vector<576x1xf32>
    %sub3A_1149 = vector.broadcast %broadcast_in_dim3A_1148 : vector<576x1xf32> to vector<576x576xf32>
    %sub3A_1150 = arith.subf %div3A_1142, %sub3A_1149 : vector<576x576xf32>
    %exp3A_1151 = math.exp %sub3A_1150 : vector<576x576xf32>
    %reduce_sum3A_1152 = arith.constant dense<0.000000e+00> : vector<576xf32>
    %reduce_sum3A_1153 = vector.multi_reduction <add>, %exp3A_1151, %reduce_sum3A_1152 [1] : vector<576x576xf32> to vector<576xf32>
    %broadcast_in_dim3A_1154 = vector.shape_cast %reduce_sum3A_1153 : vector<576xf32> to vector<576x1xf32>
    %div3A_1155 = vector.broadcast %broadcast_in_dim3A_1154 : vector<576x1xf32> to vector<576x576xf32>
    %div3A_1156 = arith.divf %exp3A_1151, %div3A_1155 : vector<576x576xf32>
    %dot_general3A_1157 = arith.constant dense<0.000000e+00> : vector<576x32xf32>
    %dot_general3A_1158 = tpu.matmul %div3A_1156, %slice3A_1137, %dot_general3A_1157 {dimension_numbers = #tpu.dot_dimension_numbers<[1], [0], [0], [1], [0, 0, 1, 1], [], []>, transpose_lhs_hint = false} : vector<576x576xf32>, vector<576x32xf32>, vector<576x32xf32> -> vector<576x32xf32>
    %slice3A_1159 = vector.extract_strided_slice %add3A_1054 {offsets = [0, 128], sizes = [576, 32], strides = [1, 1]} : vector<576x256xf32> to vector<576x32xf32>
    %slice3A_1160 = vector.extract_strided_slice %add3A_1058 {offsets = [0, 128], sizes = [576, 32], strides = [1, 1]} : vector<576x256xf32> to vector<576x32xf32>
    %slice3A_1161 = vector.extract_strided_slice %add3A_1062 {offsets = [0, 128], sizes = [576, 32], strides = [1, 1]} : vector<576x256xf32> to vector<576x32xf32>
    %dot_general3A_1162 = arith.constant dense<0.000000e+00> : vector<576x576xf32>
    %dot_general3A_1163 = tpu.matmul %slice3A_1159, %slice3A_1160, %dot_general3A_1162 {dimension_numbers = #tpu.dot_dimension_numbers<[1], [1], [0], [0], [0, 0, 1, 0], [], []>, transpose_lhs_hint = false} : vector<576x32xf32>, vector<576x32xf32>, vector<576x576xf32> -> vector<576x576xf32>
    %div3A_1164 = arith.constant 5.65685415 : f32
    %div3A_1165 = vector.broadcast %div3A_1164 : f32 to vector<576x576xf32>
    %div3A_1166 = arith.divf %dot_general3A_1163, %div3A_1165 : vector<576x576xf32>
    %reduce_max3A_1167 = arith.constant dense<0xFF800000> : vector<576xf32>
    %reduce_max3A_1168 = vector.multi_reduction <maximumf>, %div3A_1166, %reduce_max3A_1167 [1] : vector<576x576xf32> to vector<576xf32>
    %max3A_1169 = arith.constant 0xFF800000 : f32
    %max3A_1170 = vector.broadcast %max3A_1169 : f32 to vector<576xf32>
    %max3A_1171 = arith.maximumf %max3A_1170, %reduce_max3A_1168 : vector<576xf32>
    %broadcast_in_dim3A_1172 = vector.shape_cast %max3A_1171 : vector<576xf32> to vector<576x1xf32>
    %sub3A_1173 = vector.broadcast %broadcast_in_dim3A_1172 : vector<576x1xf32> to vector<576x576xf32>
    %sub3A_1174 = arith.subf %div3A_1166, %sub3A_1173 : vector<576x576xf32>
    %exp3A_1175 = math.exp %sub3A_1174 : vector<576x576xf32>
    %reduce_sum3A_1176 = arith.constant dense<0.000000e+00> : vector<576xf32>
    %reduce_sum3A_1177 = vector.multi_reduction <add>, %exp3A_1175, %reduce_sum3A_1176 [1] : vector<576x576xf32> to vector<576xf32>
    %broadcast_in_dim3A_1178 = vector.shape_cast %reduce_sum3A_1177 : vector<576xf32> to vector<576x1xf32>
    %div3A_1179 = vector.broadcast %broadcast_in_dim3A_1178 : vector<576x1xf32> to vector<576x576xf32>
    %div3A_1180 = arith.divf %exp3A_1175, %div3A_1179 : vector<576x576xf32>
    %dot_general3A_1181 = arith.constant dense<0.000000e+00> : vector<576x32xf32>
    %dot_general3A_1182 = tpu.matmul %div3A_1180, %slice3A_1161, %dot_general3A_1181 {dimension_numbers = #tpu.dot_dimension_numbers<[1], [0], [0], [1], [0, 0, 1, 1], [], []>, transpose_lhs_hint = false} : vector<576x576xf32>, vector<576x32xf32>, vector<576x32xf32> -> vector<576x32xf32>
    %slice3A_1183 = vector.extract_strided_slice %add3A_1054 {offsets = [0, 160], sizes = [576, 32], strides = [1, 1]} : vector<576x256xf32> to vector<576x32xf32>
    %slice3A_1184 = vector.extract_strided_slice %add3A_1058 {offsets = [0, 160], sizes = [576, 32], strides = [1, 1]} : vector<576x256xf32> to vector<576x32xf32>
    %slice3A_1185 = vector.extract_strided_slice %add3A_1062 {offsets = [0, 160], sizes = [576, 32], strides = [1, 1]} : vector<576x256xf32> to vector<576x32xf32>
    %dot_general3A_1186 = arith.constant dense<0.000000e+00> : vector<576x576xf32>
    %dot_general3A_1187 = tpu.matmul %slice3A_1183, %slice3A_1184, %dot_general3A_1186 {dimension_numbers = #tpu.dot_dimension_numbers<[1], [1], [0], [0], [0, 0, 1, 0], [], []>, transpose_lhs_hint = false} : vector<576x32xf32>, vector<576x32xf32>, vector<576x576xf32> -> vector<576x576xf32>
    %div3A_1188 = arith.constant 5.65685415 : f32
    %div3A_1189 = vector.broadcast %div3A_1188 : f32 to vector<576x576xf32>
    %div3A_1190 = arith.divf %dot_general3A_1187, %div3A_1189 : vector<576x576xf32>
    %reduce_max3A_1191 = arith.constant dense<0xFF800000> : vector<576xf32>
    %reduce_max3A_1192 = vector.multi_reduction <maximumf>, %div3A_1190, %reduce_max3A_1191 [1] : vector<576x576xf32> to vector<576xf32>
    %max3A_1193 = arith.constant 0xFF800000 : f32
    %max3A_1194 = vector.broadcast %max3A_1193 : f32 to vector<576xf32>
    %max3A_1195 = arith.maximumf %max3A_1194, %reduce_max3A_1192 : vector<576xf32>
    %broadcast_in_dim3A_1196 = vector.shape_cast %max3A_1195 : vector<576xf32> to vector<576x1xf32>
    %sub3A_1197 = vector.broadcast %broadcast_in_dim3A_1196 : vector<576x1xf32> to vector<576x576xf32>
    %sub3A_1198 = arith.subf %div3A_1190, %sub3A_1197 : vector<576x576xf32>
    %exp3A_1199 = math.exp %sub3A_1198 : vector<576x576xf32>
    %reduce_sum3A_1200 = arith.constant dense<0.000000e+00> : vector<576xf32>
    %reduce_sum3A_1201 = vector.multi_reduction <add>, %exp3A_1199, %reduce_sum3A_1200 [1] : vector<576x576xf32> to vector<576xf32>
    %broadcast_in_dim3A_1202 = vector.shape_cast %reduce_sum3A_1201 : vector<576xf32> to vector<576x1xf32>
    %div3A_1203 = vector.broadcast %broadcast_in_dim3A_1202 : vector<576x1xf32> to vector<576x576xf32>
    %div3A_1204 = arith.divf %exp3A_1199, %div3A_1203 : vector<576x576xf32>
    %dot_general3A_1205 = arith.constant dense<0.000000e+00> : vector<576x32xf32>
    %dot_general3A_1206 = tpu.matmul %div3A_1204, %slice3A_1185, %dot_general3A_1205 {dimension_numbers = #tpu.dot_dimension_numbers<[1], [0], [0], [1], [0, 0, 1, 1], [], []>, transpose_lhs_hint = false} : vector<576x576xf32>, vector<576x32xf32>, vector<576x32xf32> -> vector<576x32xf32>
    %slice3A_1207 = vector.extract_strided_slice %add3A_1054 {offsets = [0, 192], sizes = [576, 32], strides = [1, 1]} : vector<576x256xf32> to vector<576x32xf32>
    %slice3A_1208 = vector.extract_strided_slice %add3A_1058 {offsets = [0, 192], sizes = [576, 32], strides = [1, 1]} : vector<576x256xf32> to vector<576x32xf32>
    %slice3A_1209 = vector.extract_strided_slice %add3A_1062 {offsets = [0, 192], sizes = [576, 32], strides = [1, 1]} : vector<576x256xf32> to vector<576x32xf32>
    %dot_general3A_1210 = arith.constant dense<0.000000e+00> : vector<576x576xf32>
    %dot_general3A_1211 = tpu.matmul %slice3A_1207, %slice3A_1208, %dot_general3A_1210 {dimension_numbers = #tpu.dot_dimension_numbers<[1], [1], [0], [0], [0, 0, 1, 0], [], []>, transpose_lhs_hint = false} : vector<576x32xf32>, vector<576x32xf32>, vector<576x576xf32> -> vector<576x576xf32>
    %div3A_1212 = arith.constant 5.65685415 : f32
    %div3A_1213 = vector.broadcast %div3A_1212 : f32 to vector<576x576xf32>
    %div3A_1214 = arith.divf %dot_general3A_1211, %div3A_1213 : vector<576x576xf32>
    %reduce_max3A_1215 = arith.constant dense<0xFF800000> : vector<576xf32>
    %reduce_max3A_1216 = vector.multi_reduction <maximumf>, %div3A_1214, %reduce_max3A_1215 [1] : vector<576x576xf32> to vector<576xf32>
    %max3A_1217 = arith.constant 0xFF800000 : f32
    %max3A_1218 = vector.broadcast %max3A_1217 : f32 to vector<576xf32>
    %max3A_1219 = arith.maximumf %max3A_1218, %reduce_max3A_1216 : vector<576xf32>
    %broadcast_in_dim3A_1220 = vector.shape_cast %max3A_1219 : vector<576xf32> to vector<576x1xf32>
    %sub3A_1221 = vector.broadcast %broadcast_in_dim3A_1220 : vector<576x1xf32> to vector<576x576xf32>
    %sub3A_1222 = arith.subf %div3A_1214, %sub3A_1221 : vector<576x576xf32>
    %exp3A_1223 = math.exp %sub3A_1222 : vector<576x576xf32>
    %reduce_sum3A_1224 = arith.constant dense<0.000000e+00> : vector<576xf32>
    %reduce_sum3A_1225 = vector.multi_reduction <add>, %exp3A_1223, %reduce_sum3A_1224 [1] : vector<576x576xf32> to vector<576xf32>
    %broadcast_in_dim3A_1226 = vector.shape_cast %reduce_sum3A_1225 : vector<576xf32> to vector<576x1xf32>
    %div3A_1227 = vector.broadcast %broadcast_in_dim3A_1226 : vector<576x1xf32> to vector<576x576xf32>
    %div3A_1228 = arith.divf %exp3A_1223, %div3A_1227 : vector<576x576xf32>
    %dot_general3A_1229 = arith.constant dense<0.000000e+00> : vector<576x32xf32>
    %dot_general3A_1230 = tpu.matmul %div3A_1228, %slice3A_1209, %dot_general3A_1229 {dimension_numbers = #tpu.dot_dimension_numbers<[1], [0], [0], [1], [0, 0, 1, 1], [], []>, transpose_lhs_hint = false} : vector<576x576xf32>, vector<576x32xf32>, vector<576x32xf32> -> vector<576x32xf32>
    %slice3A_1231 = vector.extract_strided_slice %add3A_1054 {offsets = [0, 224], sizes = [576, 32], strides = [1, 1]} : vector<576x256xf32> to vector<576x32xf32>
    %slice3A_1232 = vector.extract_strided_slice %add3A_1058 {offsets = [0, 224], sizes = [576, 32], strides = [1, 1]} : vector<576x256xf32> to vector<576x32xf32>
    %slice3A_1233 = vector.extract_strided_slice %add3A_1062 {offsets = [0, 224], sizes = [576, 32], strides = [1, 1]} : vector<576x256xf32> to vector<576x32xf32>
    %dot_general3A_1234 = arith.constant dense<0.000000e+00> : vector<576x576xf32>
    %dot_general3A_1235 = tpu.matmul %slice3A_1231, %slice3A_1232, %dot_general3A_1234 {dimension_numbers = #tpu.dot_dimension_numbers<[1], [1], [0], [0], [0, 0, 1, 0], [], []>, transpose_lhs_hint = false} : vector<576x32xf32>, vector<576x32xf32>, vector<576x576xf32> -> vector<576x576xf32>
    %div3A_1236 = arith.constant 5.65685415 : f32
    %div3A_1237 = vector.broadcast %div3A_1236 : f32 to vector<576x576xf32>
    %div3A_1238 = arith.divf %dot_general3A_1235, %div3A_1237 : vector<576x576xf32>
    %reduce_max3A_1239 = arith.constant dense<0xFF800000> : vector<576xf32>
    %reduce_max3A_1240 = vector.multi_reduction <maximumf>, %div3A_1238, %reduce_max3A_1239 [1] : vector<576x576xf32> to vector<576xf32>
    %max3A_1241 = arith.constant 0xFF800000 : f32
    %max3A_1242 = vector.broadcast %max3A_1241 : f32 to vector<576xf32>
    %max3A_1243 = arith.maximumf %max3A_1242, %reduce_max3A_1240 : vector<576xf32>
    %broadcast_in_dim3A_1244 = vector.shape_cast %max3A_1243 : vector<576xf32> to vector<576x1xf32>
    %sub3A_1245 = vector.broadcast %broadcast_in_dim3A_1244 : vector<576x1xf32> to vector<576x576xf32>
    %sub3A_1246 = arith.subf %div3A_1238, %sub3A_1245 : vector<576x576xf32>
    %exp3A_1247 = math.exp %sub3A_1246 : vector<576x576xf32>
    %reduce_sum3A_1248 = arith.constant dense<0.000000e+00> : vector<576xf32>
    %reduce_sum3A_1249 = vector.multi_reduction <add>, %exp3A_1247, %reduce_sum3A_1248 [1] : vector<576x576xf32> to vector<576xf32>
    %broadcast_in_dim3A_1250 = vector.shape_cast %reduce_sum3A_1249 : vector<576xf32> to vector<576x1xf32>
    %div3A_1251 = vector.broadcast %broadcast_in_dim3A_1250 : vector<576x1xf32> to vector<576x576xf32>
    %div3A_1252 = arith.divf %exp3A_1247, %div3A_1251 : vector<576x576xf32>
    %dot_general3A_1253 = arith.constant dense<0.000000e+00> : vector<576x32xf32>
    %dot_general3A_1254 = tpu.matmul %div3A_1252, %slice3A_1233, %dot_general3A_1253 {dimension_numbers = #tpu.dot_dimension_numbers<[1], [0], [0], [1], [0, 0, 1, 1], [], []>, transpose_lhs_hint = false} : vector<576x576xf32>, vector<576x32xf32>, vector<576x32xf32> -> vector<576x32xf32>
    %concatenate3A_1255 = tpu.concatenate %dot_general3A_1086, %dot_general3A_1110, %dot_general3A_1134, %dot_general3A_1158, %dot_general3A_1182, %dot_general3A_1206, %dot_general3A_1230, %dot_general3A_1254 in 1 : vector<576x32xf32>, vector<576x32xf32>, vector<576x32xf32>, vector<576x32xf32>, vector<576x32xf32>, vector<576x32xf32>, vector<576x32xf32>, vector<576x32xf32> -> vector<576x256xf32>
    %dot_general3A_1256 = arith.constant dense<0.000000e+00> : vector<576x256xf32>
    %dot_general3A_1257 = tpu.matmul %concatenate3A_1255, %get3A_1023, %dot_general3A_1256 {dimension_numbers = #tpu.dot_dimension_numbers<[1], [0], [0], [1], [0, 0, 1, 1], [], []>, transpose_lhs_hint = false} : vector<576x256xf32>, vector<256x256xf32>, vector<576x256xf32> -> vector<576x256xf32>
    %add3A_1258 = vector.broadcast %get3A_1026 : vector<1x256xf32> to vector<576x256xf32>
    %add3A_1259 = arith.addf %dot_general3A_1257, %add3A_1258 : vector<576x256xf32>
    %add3A_1260 = arith.addf %add3A_1002, %add3A_1259 : vector<576x256xf32>
    %reduce_sum3A_1261 = arith.constant dense<0.000000e+00> : vector<576xf32>
    %reduce_sum3A_1262 = vector.multi_reduction <add>, %add3A_1260, %reduce_sum3A_1261 [1] : vector<576x256xf32> to vector<576xf32>
    %broadcast_in_dim3A_1263 = vector.shape_cast %reduce_sum3A_1262 : vector<576xf32> to vector<576x1xf32>
    %div3A_1264 = arith.constant 2.560000e+02 : f32
    %div3A_1265 = vector.broadcast %div3A_1264 : f32 to vector<576x1xf32>
    %div3A_1266 = arith.divf %broadcast_in_dim3A_1263, %div3A_1265 : vector<576x1xf32>
    %jit3A_1267 = arith.constant 0 : i32
    %reduce_sum3A_1268 = arith.constant dense<0.000000e+00> : vector<576xf32>
    %reduce_sum3A_1269 = vector.multi_reduction <add>, %add3A_1260, %reduce_sum3A_1268 [1] : vector<576x256xf32> to vector<576xf32>
    %broadcast_in_dim3A_1270 = vector.shape_cast %reduce_sum3A_1269 : vector<576xf32> to vector<576x1xf32>
    %div3A_1271 = arith.constant 2.560000e+02 : f32
    %div3A_1272 = vector.broadcast %div3A_1271 : f32 to vector<576x1xf32>
    %div3A_1273 = arith.divf %broadcast_in_dim3A_1270, %div3A_1272 : vector<576x1xf32>
    %sub3A_1274 = vector.broadcast %div3A_1273 : vector<576x1xf32> to vector<576x256xf32>
    %sub3A_1275 = arith.subf %add3A_1260, %sub3A_1274 : vector<576x256xf32>
    %square3A_1276 = arith.mulf %sub3A_1275, %sub3A_1275 : vector<576x256xf32>
    %convert_element_type3A_1277 = arith.sitofp %jit3A_1267 : i32 to f32
    %sub3A_1278 = arith.constant 2.560000e+02 : f32
    %sub3A_1279 = arith.subf %sub3A_1278, %convert_element_type3A_1277 : f32
    %reduce_sum3A_1280 = arith.constant dense<0.000000e+00> : vector<576xf32>
    %reduce_sum3A_1281 = vector.multi_reduction <add>, %square3A_1276, %reduce_sum3A_1280 [1] : vector<576x256xf32> to vector<576xf32>
    %broadcast_in_dim3A_1282 = vector.shape_cast %reduce_sum3A_1281 : vector<576xf32> to vector<576x1xf32>
    %div3A_1283 = vector.broadcast %sub3A_1279 : f32 to vector<576x1xf32>
    %div3A_1284 = arith.divf %broadcast_in_dim3A_1282, %div3A_1283 : vector<576x1xf32>
    %gt3A_1285 = arith.constant 0.000000e+00 : f32
    %gt3A_1286 = arith.cmpf ogt, %sub3A_1279, %gt3A_1285 : f32
    %jit3A_1287 = arith.constant 0x7FC00000 : f32
    %broadcast_in_dim3A_1288 = vector.broadcast %jit3A_1287 : f32 to vector<576x1xf32>
    %select_n3A_1289 = arith.select %gt3A_1286, %div3A_1284, %broadcast_in_dim3A_1288 : vector<576x1xf32>
    %sub3A_1290 = vector.broadcast %div3A_1266 : vector<576x1xf32> to vector<576x256xf32>
    %sub3A_1291 = arith.subf %add3A_1260, %sub3A_1290 : vector<576x256xf32>
    %add3A_1292 = arith.constant 9.99999974E-6 : f32
    %add3A_1293 = vector.broadcast %add3A_1292 : f32 to vector<576x1xf32>
    %add3A_1294 = arith.addf %select_n3A_1289, %add3A_1293 : vector<576x1xf32>
    %sqrt3A_1295 = math.sqrt %add3A_1294 : vector<576x1xf32>
    %div3A_1296 = vector.broadcast %sqrt3A_1295 : vector<576x1xf32> to vector<576x256xf32>
    %div3A_1297 = arith.divf %sub3A_1291, %div3A_1296 : vector<576x256xf32>
    %mul3A_1298 = vector.broadcast %get3A_1029 : vector<1x256xf32> to vector<576x256xf32>
    %mul3A_1299 = arith.mulf %div3A_1297, %mul3A_1298 : vector<576x256xf32>
    %add3A_1300 = vector.broadcast %get3A_1032 : vector<1x256xf32> to vector<576x256xf32>
    %add3A_1301 = arith.addf %mul3A_1299, %add3A_1300 : vector<576x256xf32>
    %dot_general3A_1302 = arith.constant dense<0.000000e+00> : vector<576x1024xf32>
    %dot_general3A_1303 = tpu.matmul %add3A_1301, %get3A_1035, %dot_general3A_1302 {dimension_numbers = #tpu.dot_dimension_numbers<[1], [0], [0], [1], [0, 0, 1, 1], [], []>, transpose_lhs_hint = false} : vector<576x256xf32>, vector<256x1024xf32>, vector<576x1024xf32> -> vector<576x1024xf32>
    %add3A_1304 = vector.broadcast %get3A_1038 : vector<1x1024xf32> to vector<576x1024xf32>
    %add3A_1305 = arith.addf %dot_general3A_1303, %add3A_1304 : vector<576x1024xf32>
    %mul3A_1306 = arith.constant 5.000000e-01 : f32
    %mul3A_1307 = vector.broadcast %mul3A_1306 : f32 to vector<576x1024xf32>
    %mul3A_1308 = arith.mulf %mul3A_1307, %add3A_1305 : vector<576x1024xf32>
    %neg3A_1309 = arith.constant 0.000000e+00 : f32
    %neg3A_1310 = vector.broadcast %neg3A_1309 : f32 to vector<576x1024xf32>
    %neg3A_1311 = arith.subf %neg3A_1310, %add3A_1305 : vector<576x1024xf32>
    %mul3A_1312 = arith.constant 0.707106769 : f32
    %mul3A_1313 = vector.broadcast %mul3A_1312 : f32 to vector<576x1024xf32>
    %mul3A_1314 = arith.mulf %neg3A_1311, %mul3A_1313 : vector<576x1024xf32>
    %abs3A_1315 = math.absf %mul3A_1314 : vector<576x1024xf32>
    %mul3A_1316 = arith.mulf %mul3A_1314, %mul3A_1314 : vector<576x1024xf32>
    %mul3A_1317 = arith.constant 7.85386146E-5 : f32
    %mul3A_1318 = vector.broadcast %mul3A_1317 : f32 to vector<576x1024xf32>
    %mul3A_1319 = arith.mulf %mul3A_1318, %mul3A_1316 : vector<576x1024xf32>
    %add3A_1320 = arith.constant -8.0101937E-4 : f32
    %add3A_1321 = vector.broadcast %add3A_1320 : f32 to vector<576x1024xf32>
    %add3A_1322 = arith.addf %mul3A_1319, %add3A_1321 : vector<576x1024xf32>
    %mul3A_1323 = arith.mulf %add3A_1322, %mul3A_1316 : vector<576x1024xf32>
    %add3A_1324 = arith.constant 0.00518832775 : f32
    %add3A_1325 = vector.broadcast %add3A_1324 : f32 to vector<576x1024xf32>
    %add3A_1326 = arith.addf %mul3A_1323, %add3A_1325 : vector<576x1024xf32>
    %mul3A_1327 = arith.mulf %add3A_1326, %mul3A_1316 : vector<576x1024xf32>
    %add3A_1328 = arith.constant -0.0268538129 : f32
    %add3A_1329 = vector.broadcast %add3A_1328 : f32 to vector<576x1024xf32>
    %add3A_1330 = arith.addf %mul3A_1327, %add3A_1329 : vector<576x1024xf32>
    %mul3A_1331 = arith.mulf %add3A_1330, %mul3A_1316 : vector<576x1024xf32>
    %add3A_1332 = arith.constant 0.112835854 : f32
    %add3A_1333 = vector.broadcast %add3A_1332 : f32 to vector<576x1024xf32>
    %add3A_1334 = arith.addf %mul3A_1331, %add3A_1333 : vector<576x1024xf32>
    %mul3A_1335 = arith.mulf %add3A_1334, %mul3A_1316 : vector<576x1024xf32>
    %add3A_1336 = arith.constant -0.37612626 : f32
    %add3A_1337 = vector.broadcast %add3A_1336 : f32 to vector<576x1024xf32>
    %add3A_1338 = arith.addf %mul3A_1335, %add3A_1337 : vector<576x1024xf32>
    %mul3A_1339 = arith.mulf %add3A_1338, %mul3A_1316 : vector<576x1024xf32>
    %add3A_1340 = arith.constant 1.12837911 : f32
    %add3A_1341 = vector.broadcast %add3A_1340 : f32 to vector<576x1024xf32>
    %add3A_1342 = arith.addf %mul3A_1339, %add3A_1341 : vector<576x1024xf32>
    %mul3A_1343 = arith.mulf %mul3A_1314, %add3A_1342 : vector<576x1024xf32>
    %sub3A_1344 = arith.constant 1.000000e+00 : f32
    %sub3A_1345 = vector.broadcast %sub3A_1344 : f32 to vector<576x1024xf32>
    %sub3A_1346 = arith.subf %sub3A_1345, %mul3A_1343 : vector<576x1024xf32>
    %neg3A_1347 = arith.constant 0.000000e+00 : f32
    %neg3A_1348 = vector.broadcast %neg3A_1347 : f32 to vector<576x1024xf32>
    %neg3A_1349 = arith.subf %neg3A_1348, %mul3A_1316 : vector<576x1024xf32>
    %exp3A_1350 = math.exp %neg3A_1349 : vector<576x1024xf32>
    %div3A_1351 = arith.constant 1.000000e+00 : f32
    %div3A_1352 = vector.broadcast %div3A_1351 : f32 to vector<576x1024xf32>
    %div3A_1353 = arith.divf %div3A_1352, %abs3A_1315 : vector<576x1024xf32>
    %mul3A_1354 = arith.mulf %exp3A_1350, %div3A_1353 : vector<576x1024xf32>
    %div3A_1355 = arith.constant 1.000000e+00 : f32
    %div3A_1356 = vector.broadcast %div3A_1355 : f32 to vector<576x1024xf32>
    %div3A_1357 = arith.divf %div3A_1356, %mul3A_1316 : vector<576x1024xf32>
    %mul3A_1358 = arith.constant 2.326820e-02 : f32
    %mul3A_1359 = vector.broadcast %mul3A_1358 : f32 to vector<576x1024xf32>
    %mul3A_1360 = arith.mulf %mul3A_1359, %div3A_1357 : vector<576x1024xf32>
    %add3A_1361 = arith.constant -0.138703942 : f32
    %add3A_1362 = vector.broadcast %add3A_1361 : f32 to vector<576x1024xf32>
    %add3A_1363 = arith.addf %mul3A_1360, %add3A_1362 : vector<576x1024xf32>
    %mul3A_1364 = arith.mulf %add3A_1363, %div3A_1357 : vector<576x1024xf32>
    %add3A_1365 = arith.constant 0.368742466 : f32
    %add3A_1366 = vector.broadcast %add3A_1365 : f32 to vector<576x1024xf32>
    %add3A_1367 = arith.addf %mul3A_1364, %add3A_1366 : vector<576x1024xf32>
    %mul3A_1368 = arith.mulf %add3A_1367, %div3A_1357 : vector<576x1024xf32>
    %add3A_1369 = arith.constant -0.582473278 : f32
    %add3A_1370 = vector.broadcast %add3A_1369 : f32 to vector<576x1024xf32>
    %add3A_1371 = arith.addf %mul3A_1368, %add3A_1370 : vector<576x1024xf32>
    %mul3A_1372 = arith.mulf %add3A_1371, %div3A_1357 : vector<576x1024xf32>
    %add3A_1373 = arith.constant 0.621000468 : f32
    %add3A_1374 = vector.broadcast %add3A_1373 : f32 to vector<576x1024xf32>
    %add3A_1375 = arith.addf %mul3A_1372, %add3A_1374 : vector<576x1024xf32>
    %mul3A_1376 = arith.mulf %add3A_1375, %div3A_1357 : vector<576x1024xf32>
    %add3A_1377 = arith.constant -0.494451523 : f32
    %add3A_1378 = vector.broadcast %add3A_1377 : f32 to vector<576x1024xf32>
    %add3A_1379 = arith.addf %mul3A_1376, %add3A_1378 : vector<576x1024xf32>
    %mul3A_1380 = arith.mulf %add3A_1379, %div3A_1357 : vector<576x1024xf32>
    %add3A_1381 = arith.constant 3.404880e-01 : f32
    %add3A_1382 = vector.broadcast %add3A_1381 : f32 to vector<576x1024xf32>
    %add3A_1383 = arith.addf %mul3A_1380, %add3A_1382 : vector<576x1024xf32>
    %mul3A_1384 = arith.mulf %add3A_1383, %div3A_1357 : vector<576x1024xf32>
    %add3A_1385 = arith.constant -0.274112701 : f32
    %add3A_1386 = vector.broadcast %add3A_1385 : f32 to vector<576x1024xf32>
    %add3A_1387 = arith.addf %mul3A_1384, %add3A_1386 : vector<576x1024xf32>
    %mul3A_1388 = arith.mulf %add3A_1387, %div3A_1357 : vector<576x1024xf32>
    %add3A_1389 = arith.constant 0.563825965 : f32
    %add3A_1390 = vector.broadcast %add3A_1389 : f32 to vector<576x1024xf32>
    %add3A_1391 = arith.addf %mul3A_1388, %add3A_1390 : vector<576x1024xf32>
    %mul3A_1392 = arith.constant -10.477664 : f32
    %mul3A_1393 = vector.broadcast %mul3A_1392 : f32 to vector<576x1024xf32>
    %mul3A_1394 = arith.mulf %mul3A_1393, %div3A_1357 : vector<576x1024xf32>
    %add3A_1395 = arith.constant 1.297720e+01 : f32
    %add3A_1396 = vector.broadcast %add3A_1395 : f32 to vector<576x1024xf32>
    %add3A_1397 = arith.addf %mul3A_1394, %add3A_1396 : vector<576x1024xf32>
    %mul3A_1398 = arith.mulf %add3A_1397, %div3A_1357 : vector<576x1024xf32>
    %add3A_1399 = arith.constant -7.49551868 : f32
    %add3A_1400 = vector.broadcast %add3A_1399 : f32 to vector<576x1024xf32>
    %add3A_1401 = arith.addf %mul3A_1398, %add3A_1400 : vector<576x1024xf32>
    %mul3A_1402 = arith.mulf %add3A_1401, %div3A_1357 : vector<576x1024xf32>
    %add3A_1403 = arith.constant 2.92101908 : f32
    %add3A_1404 = vector.broadcast %add3A_1403 : f32 to vector<576x1024xf32>
    %add3A_1405 = arith.addf %mul3A_1402, %add3A_1404 : vector<576x1024xf32>
    %mul3A_1406 = arith.mulf %add3A_1405, %div3A_1357 : vector<576x1024xf32>
    %add3A_1407 = arith.constant -1.01526523 : f32
    %add3A_1408 = vector.broadcast %add3A_1407 : f32 to vector<576x1024xf32>
    %add3A_1409 = arith.addf %mul3A_1406, %add3A_1408 : vector<576x1024xf32>
    %mul3A_1410 = arith.mulf %add3A_1409, %div3A_1357 : vector<576x1024xf32>
    %add3A_1411 = arith.constant 0.42184633 : f32
    %add3A_1412 = vector.broadcast %add3A_1411 : f32 to vector<576x1024xf32>
    %add3A_1413 = arith.addf %mul3A_1410, %add3A_1412 : vector<576x1024xf32>
    %mul3A_1414 = arith.mulf %add3A_1413, %div3A_1357 : vector<576x1024xf32>
    %add3A_1415 = arith.constant -0.282076746 : f32
    %add3A_1416 = vector.broadcast %add3A_1415 : f32 to vector<576x1024xf32>
    %add3A_1417 = arith.addf %mul3A_1414, %add3A_1416 : vector<576x1024xf32>
    %mul3A_1418 = arith.mulf %add3A_1417, %div3A_1357 : vector<576x1024xf32>
    %add3A_1419 = arith.constant 0.564189494 : f32
    %add3A_1420 = vector.broadcast %add3A_1419 : f32 to vector<576x1024xf32>
    %add3A_1421 = arith.addf %mul3A_1418, %add3A_1420 : vector<576x1024xf32>
    %lt3A_1422 = arith.constant 2.000000e+00 : f32
    %lt3A_1423 = vector.broadcast %lt3A_1422 : f32 to vector<576x1024xf32>
    %lt3A_1424 = arith.cmpf olt, %abs3A_1315, %lt3A_1423 : vector<576x1024xf32>
    %select_n3A_1425 = arith.select %lt3A_1424, %add3A_1391, %add3A_1421 : vector<576x1024xi1>, vector<576x1024xf32>
    %mul3A_1426 = arith.mulf %mul3A_1354, %select_n3A_1425 : vector<576x1024xf32>
    %lt3A_1427 = arith.constant -88.7228394 : f32
    %lt3A_1428 = vector.broadcast %lt3A_1427 : f32 to vector<576x1024xf32>
    %lt3A_1429 = arith.cmpf olt, %neg3A_1349, %lt3A_1428 : vector<576x1024xf32>
    %jit3A_1430 = arith.constant 0.000000e+00 : f32
    %broadcast_in_dim3A_1431 = vector.broadcast %jit3A_1430 : f32 to vector<576x1024xf32>
    %select_n3A_1432 = arith.select %lt3A_1429, %broadcast_in_dim3A_1431, %mul3A_1426 : vector<576x1024xi1>, vector<576x1024xf32>
    %lt3A_1433 = arith.constant 0.000000e+00 : f32
    %lt3A_1434 = vector.broadcast %lt3A_1433 : f32 to vector<576x1024xf32>
    %lt3A_1435 = arith.cmpf olt, %mul3A_1314, %lt3A_1434 : vector<576x1024xf32>
    %sub3A_1436 = arith.constant 2.000000e+00 : f32
    %sub3A_1437 = vector.broadcast %sub3A_1436 : f32 to vector<576x1024xf32>
    %sub3A_1438 = arith.subf %sub3A_1437, %select_n3A_1432 : vector<576x1024xf32>
    %select_n3A_1439 = arith.select %lt3A_1435, %sub3A_1438, %select_n3A_1432 : vector<576x1024xi1>, vector<576x1024xf32>
    %lt3A_1440 = arith.constant 1.000000e+00 : f32
    %lt3A_1441 = vector.broadcast %lt3A_1440 : f32 to vector<576x1024xf32>
    %lt3A_1442 = arith.cmpf olt, %abs3A_1315, %lt3A_1441 : vector<576x1024xf32>
    %select_n3A_1443 = arith.select %lt3A_1442, %sub3A_1346, %select_n3A_1439 : vector<576x1024xi1>, vector<576x1024xf32>
    %mul3A_1444 = arith.mulf %mul3A_1308, %select_n3A_1443 : vector<576x1024xf32>
    %slice3A_1445 = vector.extract_strided_slice %mul3A_1444 {offsets = [0, 0], sizes = [576, 256], strides = [1, 1]} : vector<576x1024xf32> to vector<576x256xf32>
    %slice3A_1446 = vector.extract_strided_slice %get3A_1041 {offsets = [0, 0], sizes = [256, 256], strides = [1, 1]} : vector<1024x256xf32> to vector<256x256xf32>
    %dot_general3A_1447 = arith.constant dense<0.000000e+00> : vector<576x256xf32>
    %dot_general3A_1448 = tpu.matmul %slice3A_1445, %slice3A_1446, %dot_general3A_1447 {dimension_numbers = #tpu.dot_dimension_numbers<[1], [0], [0], [1], [0, 0, 1, 1], [], []>, transpose_lhs_hint = false} : vector<576x256xf32>, vector<256x256xf32>, vector<576x256xf32> -> vector<576x256xf32>
    %slice3A_1449 = vector.extract_strided_slice %mul3A_1444 {offsets = [0, 256], sizes = [576, 256], strides = [1, 1]} : vector<576x1024xf32> to vector<576x256xf32>
    %slice3A_1450 = vector.extract_strided_slice %get3A_1041 {offsets = [256, 0], sizes = [256, 256], strides = [1, 1]} : vector<1024x256xf32> to vector<256x256xf32>
    %dot_general3A_1451 = arith.constant dense<0.000000e+00> : vector<576x256xf32>
    %dot_general3A_1452 = tpu.matmul %slice3A_1449, %slice3A_1450, %dot_general3A_1451 {dimension_numbers = #tpu.dot_dimension_numbers<[1], [0], [0], [1], [0, 0, 1, 1], [], []>, transpose_lhs_hint = false} : vector<576x256xf32>, vector<256x256xf32>, vector<576x256xf32> -> vector<576x256xf32>
    %add3A_1453 = arith.addf %dot_general3A_1448, %dot_general3A_1452 : vector<576x256xf32>
    %slice3A_1454 = vector.extract_strided_slice %mul3A_1444 {offsets = [0, 512], sizes = [576, 256], strides = [1, 1]} : vector<576x1024xf32> to vector<576x256xf32>
    %slice3A_1455 = vector.extract_strided_slice %get3A_1041 {offsets = [512, 0], sizes = [256, 256], strides = [1, 1]} : vector<1024x256xf32> to vector<256x256xf32>
    %dot_general3A_1456 = arith.constant dense<0.000000e+00> : vector<576x256xf32>
    %dot_general3A_1457 = tpu.matmul %slice3A_1454, %slice3A_1455, %dot_general3A_1456 {dimension_numbers = #tpu.dot_dimension_numbers<[1], [0], [0], [1], [0, 0, 1, 1], [], []>, transpose_lhs_hint = false} : vector<576x256xf32>, vector<256x256xf32>, vector<576x256xf32> -> vector<576x256xf32>
    %add3A_1458 = arith.addf %add3A_1453, %dot_general3A_1457 : vector<576x256xf32>
    %slice3A_1459 = vector.extract_strided_slice %mul3A_1444 {offsets = [0, 768], sizes = [576, 256], strides = [1, 1]} : vector<576x1024xf32> to vector<576x256xf32>
    %slice3A_1460 = vector.extract_strided_slice %get3A_1041 {offsets = [768, 0], sizes = [256, 256], strides = [1, 1]} : vector<1024x256xf32> to vector<256x256xf32>
    %dot_general3A_1461 = arith.constant dense<0.000000e+00> : vector<576x256xf32>
    %dot_general3A_1462 = tpu.matmul %slice3A_1459, %slice3A_1460, %dot_general3A_1461 {dimension_numbers = #tpu.dot_dimension_numbers<[1], [0], [0], [1], [0, 0, 1, 1], [], []>, transpose_lhs_hint = false} : vector<576x256xf32>, vector<256x256xf32>, vector<576x256xf32> -> vector<576x256xf32>
    %add3A_1463 = arith.addf %add3A_1458, %dot_general3A_1462 : vector<576x256xf32>
    %add3A_1464 = vector.broadcast %get3A_1044 : vector<1x256xf32> to vector<576x256xf32>
    %add3A_1465 = arith.addf %add3A_1463, %add3A_1464 : vector<576x256xf32>
    %add3A_1466 = arith.addf %add3A_1301, %add3A_1465 : vector<576x256xf32>
    %reduce_sum3A_1467 = arith.constant dense<0.000000e+00> : vector<576xf32>
    %reduce_sum3A_1468 = vector.multi_reduction <add>, %add3A_1466, %reduce_sum3A_1467 [1] : vector<576x256xf32> to vector<576xf32>
    %broadcast_in_dim3A_1469 = vector.shape_cast %reduce_sum3A_1468 : vector<576xf32> to vector<576x1xf32>
    %div3A_1470 = arith.constant 2.560000e+02 : f32
    %div3A_1471 = vector.broadcast %div3A_1470 : f32 to vector<576x1xf32>
    %div3A_1472 = arith.divf %broadcast_in_dim3A_1469, %div3A_1471 : vector<576x1xf32>
    %jit3A_1473 = arith.constant 0 : i32
    %reduce_sum3A_1474 = arith.constant dense<0.000000e+00> : vector<576xf32>
    %reduce_sum3A_1475 = vector.multi_reduction <add>, %add3A_1466, %reduce_sum3A_1474 [1] : vector<576x256xf32> to vector<576xf32>
    %broadcast_in_dim3A_1476 = vector.shape_cast %reduce_sum3A_1475 : vector<576xf32> to vector<576x1xf32>
    %div3A_1477 = arith.constant 2.560000e+02 : f32
    %div3A_1478 = vector.broadcast %div3A_1477 : f32 to vector<576x1xf32>
    %div3A_1479 = arith.divf %broadcast_in_dim3A_1476, %div3A_1478 : vector<576x1xf32>
    %sub3A_1480 = vector.broadcast %div3A_1479 : vector<576x1xf32> to vector<576x256xf32>
    %sub3A_1481 = arith.subf %add3A_1466, %sub3A_1480 : vector<576x256xf32>
    %square3A_1482 = arith.mulf %sub3A_1481, %sub3A_1481 : vector<576x256xf32>
    %convert_element_type3A_1483 = arith.sitofp %jit3A_1473 : i32 to f32
    %sub3A_1484 = arith.constant 2.560000e+02 : f32
    %sub3A_1485 = arith.subf %sub3A_1484, %convert_element_type3A_1483 : f32
    %reduce_sum3A_1486 = arith.constant dense<0.000000e+00> : vector<576xf32>
    %reduce_sum3A_1487 = vector.multi_reduction <add>, %square3A_1482, %reduce_sum3A_1486 [1] : vector<576x256xf32> to vector<576xf32>
    %broadcast_in_dim3A_1488 = vector.shape_cast %reduce_sum3A_1487 : vector<576xf32> to vector<576x1xf32>
    %div3A_1489 = vector.broadcast %sub3A_1485 : f32 to vector<576x1xf32>
    %div3A_1490 = arith.divf %broadcast_in_dim3A_1488, %div3A_1489 : vector<576x1xf32>
    %gt3A_1491 = arith.constant 0.000000e+00 : f32
    %gt3A_1492 = arith.cmpf ogt, %sub3A_1485, %gt3A_1491 : f32
    %jit3A_1493 = arith.constant 0x7FC00000 : f32
    %broadcast_in_dim3A_1494 = vector.broadcast %jit3A_1493 : f32 to vector<576x1xf32>
    %select_n3A_1495 = arith.select %gt3A_1492, %div3A_1490, %broadcast_in_dim3A_1494 : vector<576x1xf32>
    %sub3A_1496 = vector.broadcast %div3A_1472 : vector<576x1xf32> to vector<576x256xf32>
    %sub3A_1497 = arith.subf %add3A_1466, %sub3A_1496 : vector<576x256xf32>
    %add3A_1498 = arith.constant 9.99999974E-6 : f32
    %add3A_1499 = vector.broadcast %add3A_1498 : f32 to vector<576x1xf32>
    %add3A_1500 = arith.addf %select_n3A_1495, %add3A_1499 : vector<576x1xf32>
    %sqrt3A_1501 = math.sqrt %add3A_1500 : vector<576x1xf32>
    %div3A_1502 = vector.broadcast %sqrt3A_1501 : vector<576x1xf32> to vector<576x256xf32>
    %div3A_1503 = arith.divf %sub3A_1497, %div3A_1502 : vector<576x256xf32>
    %mul3A_1504 = vector.broadcast %get3A_1047 : vector<1x256xf32> to vector<576x256xf32>
    %mul3A_1505 = arith.mulf %div3A_1503, %mul3A_1504 : vector<576x256xf32>
    %add3A_1506 = vector.broadcast %get3A_1050 : vector<1x256xf32> to vector<576x256xf32>
    %add3A_1507 = arith.addf %mul3A_1505, %add3A_1506 : vector<576x256xf32>
    %get3A_1508 = arith.constant 0 : index
    %get3A_1509 = arith.constant 0 : index
    %get3A_1510 = vector.load %arg52[%get3A_1508, %get3A_1509] : memref<1x256xf32, #tpu.memory_space<vmem>>, vector<1x256xf32>
    %get3A_1511 = arith.constant 0 : index
    %get3A_1512 = arith.constant 0 : index
    %get3A_1513 = vector.load %arg53[%get3A_1511, %get3A_1512] : memref<1x256xf32, #tpu.memory_space<vmem>>, vector<1x256xf32>
    %reduce_sum3A_1514 = arith.constant dense<0.000000e+00> : vector<576xf32>
    %reduce_sum3A_1515 = vector.multi_reduction <add>, %add3A_1507, %reduce_sum3A_1514 [1] : vector<576x256xf32> to vector<576xf32>
    %broadcast_in_dim3A_1516 = vector.shape_cast %reduce_sum3A_1515 : vector<576xf32> to vector<576x1xf32>
    %div3A_1517 = arith.constant 2.560000e+02 : f32
    %div3A_1518 = vector.broadcast %div3A_1517 : f32 to vector<576x1xf32>
    %div3A_1519 = arith.divf %broadcast_in_dim3A_1516, %div3A_1518 : vector<576x1xf32>
    %jit3A_1520 = arith.constant 0 : i32
    %reduce_sum3A_1521 = arith.constant dense<0.000000e+00> : vector<576xf32>
    %reduce_sum3A_1522 = vector.multi_reduction <add>, %add3A_1507, %reduce_sum3A_1521 [1] : vector<576x256xf32> to vector<576xf32>
    %broadcast_in_dim3A_1523 = vector.shape_cast %reduce_sum3A_1522 : vector<576xf32> to vector<576x1xf32>
    %div3A_1524 = arith.constant 2.560000e+02 : f32
    %div3A_1525 = vector.broadcast %div3A_1524 : f32 to vector<576x1xf32>
    %div3A_1526 = arith.divf %broadcast_in_dim3A_1523, %div3A_1525 : vector<576x1xf32>
    %sub3A_1527 = vector.broadcast %div3A_1526 : vector<576x1xf32> to vector<576x256xf32>
    %sub3A_1528 = arith.subf %add3A_1507, %sub3A_1527 : vector<576x256xf32>
    %square3A_1529 = arith.mulf %sub3A_1528, %sub3A_1528 : vector<576x256xf32>
    %convert_element_type3A_1530 = arith.sitofp %jit3A_1520 : i32 to f32
    %sub3A_1531 = arith.constant 2.560000e+02 : f32
    %sub3A_1532 = arith.subf %sub3A_1531, %convert_element_type3A_1530 : f32
    %reduce_sum3A_1533 = arith.constant dense<0.000000e+00> : vector<576xf32>
    %reduce_sum3A_1534 = vector.multi_reduction <add>, %square3A_1529, %reduce_sum3A_1533 [1] : vector<576x256xf32> to vector<576xf32>
    %broadcast_in_dim3A_1535 = vector.shape_cast %reduce_sum3A_1534 : vector<576xf32> to vector<576x1xf32>
    %div3A_1536 = vector.broadcast %sub3A_1532 : f32 to vector<576x1xf32>
    %div3A_1537 = arith.divf %broadcast_in_dim3A_1535, %div3A_1536 : vector<576x1xf32>
    %gt3A_1538 = arith.constant 0.000000e+00 : f32
    %gt3A_1539 = arith.cmpf ogt, %sub3A_1532, %gt3A_1538 : f32
    %jit3A_1540 = arith.constant 0x7FC00000 : f32
    %broadcast_in_dim3A_1541 = vector.broadcast %jit3A_1540 : f32 to vector<576x1xf32>
    %select_n3A_1542 = arith.select %gt3A_1539, %div3A_1537, %broadcast_in_dim3A_1541 : vector<576x1xf32>
    %sub3A_1543 = vector.broadcast %div3A_1519 : vector<576x1xf32> to vector<576x256xf32>
    %sub3A_1544 = arith.subf %add3A_1507, %sub3A_1543 : vector<576x256xf32>
    %add3A_1545 = arith.constant 9.99999974E-6 : f32
    %add3A_1546 = vector.broadcast %add3A_1545 : f32 to vector<576x1xf32>
    %add3A_1547 = arith.addf %select_n3A_1542, %add3A_1546 : vector<576x1xf32>
    %sqrt3A_1548 = math.sqrt %add3A_1547 : vector<576x1xf32>
    %div3A_1549 = vector.broadcast %sqrt3A_1548 : vector<576x1xf32> to vector<576x256xf32>
    %div3A_1550 = arith.divf %sub3A_1544, %div3A_1549 : vector<576x256xf32>
    %mul3A_1551 = vector.broadcast %get3A_1510 : vector<1x256xf32> to vector<576x256xf32>
    %mul3A_1552 = arith.mulf %div3A_1550, %mul3A_1551 : vector<576x256xf32>
    %add3A_1553 = vector.broadcast %get3A_1513 : vector<1x256xf32> to vector<576x256xf32>
    %add3A_1554 = arith.addf %mul3A_1552, %add3A_1553 : vector<576x256xf32>
    %swap3A = arith.constant 0 : index
    %swap3A_1555 = arith.constant 0 : index
    %swap3A_1556 = arith.constant 0 : index
    %swap3A_1557 = vector.load %arg54[%swap3A, %swap3A_1555, %swap3A_1556] : memref<1x576x256xf32, #tpu.memory_space<vmem>>, vector<1x576x256xf32>
    %swap3A_1558 = vector.shape_cast %swap3A_1557 : vector<1x576x256xf32> to vector<576x256xf32>
    %swap3A_1559 = vector.shape_cast %add3A_1554 : vector<576x256xf32> to vector<1x576x256xf32>
    tpu.vector_store %arg54[%swap3A, %swap3A_1555, %swap3A_1556], %swap3A_1559 {strides = array<i32>} : memref<1x576x256xf32, #tpu.memory_space<vmem>>, vector<1x576x256xf32>,
    return
  }
  func.func @transform_0(%arg0: i32) -> (i32, i32, i32) {
    %c0_i32 = arith.constant 0 : i32
    %c0_i32_0 = arith.constant 0 : i32
    %c0_i32_1 = arith.constant 0 : i32
    return %arg0, %c0_i32, %c0_i32_0 : i32, i32, i32
  }
  func.func @transform_1(%arg0: i32) -> (i32, i32) {
    %c0_i32 = arith.constant 0 : i32
    %c0_i32_0 = arith.constant 0 : i32
    %c0_i32_1 = arith.constant 0 : i32
    return %c0_i32, %c0_i32_0 : i32, i32
  }
  func.func @transform_2(%arg0: i32) -> (i32, i32) {
    %c0_i32 = arith.constant 0 : i32
    %c0_i32_0 = arith.constant 0 : i32
    %c0_i32_1 = arith.constant 0 : i32
    return %c0_i32, %c0_i32_0 : i32, i32
  }
  func.func @transform_3(%arg0: i32) -> (i32, i32) {
    %c0_i32 = arith.constant 0 : i32
    %c0_i32_0 = arith.constant 0 : i32
    %c0_i32_1 = arith.constant 0 : i32
    return %c0_i32, %c0_i32_0 : i32, i32
  }
  func.func @transform_4(%arg0: i32) -> (i32, i32) {
    %c0_i32 = arith.constant 0 : i32
    %c0_i32_0 = arith.constant 0 : i32
    %c0_i32_1 = arith.constant 0 : i32
    return %c0_i32, %c0_i32_0 : i32, i32
  }
  func.func @transform_5(%arg0: i32) -> (i32, i32) {
    %c0_i32 = arith.constant 0 : i32
    %c0_i32_0 = arith.constant 0 : i32
    %c0_i32_1 = arith.constant 0 : i32
    return %c0_i32, %c0_i32_0 : i32, i32
  }
  func.func @transform_6(%arg0: i32) -> (i32, i32) {
    %c0_i32 = arith.constant 0 : i32
    %c0_i32_0 = arith.constant 0 : i32
    %c0_i32_1 = arith.constant 0 : i32
    return %c0_i32, %c0_i32_0 : i32, i32
  }
  func.func @transform_7(%arg0: i32) -> (i32, i32) {
    %c0_i32 = arith.constant 0 : i32
    %c0_i32_0 = arith.constant 0 : i32
    %c0_i32_1 = arith.constant 0 : i32
    return %c0_i32, %c0_i32_0 : i32, i32
  }
  func.func @transform_8(%arg0: i32) -> (i32, i32) {
    %c0_i32 = arith.constant 0 : i32
    %c0_i32_0 = arith.constant 0 : i32
    %c0_i32_1 = arith.constant 0 : i32
    return %c0_i32, %c0_i32_0 : i32, i32
  }
  func.func @transform_9(%arg0: i32) -> (i32, i32) {
    %c0_i32 = arith.constant 0 : i32
    %c0_i32_0 = arith.constant 0 : i32
    %c0_i32_1 = arith.constant 0 : i32
    return %c0_i32, %c0_i32_0 : i32, i32
  }
  func.func @transform_10(%arg0: i32) -> (i32, i32) {
    %c0_i32 = arith.constant 0 : i32
    %c0_i32_0 = arith.constant 0 : i32
    %c0_i32_1 = arith.constant 0 : i32
    return %c0_i32, %c0_i32_0 : i32, i32
  }
  func.func @transform_11(%arg0: i32) -> (i32, i32) {
    %c0_i32 = arith.constant 0 : i32
    %c0_i32_0 = arith.constant 0 : i32
    %c0_i32_1 = arith.constant 0 : i32
    return %c0_i32, %c0_i32_0 : i32, i32
  }
  func.func @transform_12(%arg0: i32) -> (i32, i32) {
    %c0_i32 = arith.constant 0 : i32
    %c0_i32_0 = arith.constant 0 : i32
    %c0_i32_1 = arith.constant 0 : i32
    return %c0_i32, %c0_i32_0 : i32, i32
  }
  func.func @transform_13(%arg0: i32) -> (i32, i32) {
    %c0_i32 = arith.constant 0 : i32
    %c0_i32_0 = arith.constant 0 : i32
    %c0_i32_1 = arith.constant 0 : i32
    return %c0_i32, %c0_i32_0 : i32, i32
  }
  func.func @transform_14(%arg0: i32) -> (i32, i32) {
    %c0_i32 = arith.constant 0 : i32
    %c0_i32_0 = arith.constant 0 : i32
    %c0_i32_1 = arith.constant 0 : i32
    return %c0_i32, %c0_i32_0 : i32, i32
  }
  func.func @transform_15(%arg0: i32) -> (i32, i32) {
    %c0_i32 = arith.constant 0 : i32
    %c0_i32_0 = arith.constant 0 : i32
    %c0_i32_1 = arith.constant 0 : i32
    return %c0_i32, %c0_i32_0 : i32, i32
  }
  func.func @transform_16(%arg0: i32) -> (i32, i32) {
    %c0_i32 = arith.constant 0 : i32
    %c0_i32_0 = arith.constant 0 : i32
    %c0_i32_1 = arith.constant 0 : i32
    return %c0_i32, %c0_i32_0 : i32, i32
  }
  func.func @transform_17(%arg0: i32) -> (i32, i32) {
    %c0_i32 = arith.constant 0 : i32
    %c0_i32_0 = arith.constant 0 : i32
    %c0_i32_1 = arith.constant 0 : i32
    return %c0_i32, %c0_i32_0 : i32, i32
  }
  func.func @transform_18(%arg0: i32) -> (i32, i32) {
    %c0_i32 = arith.constant 0 : i32
    %c0_i32_0 = arith.constant 0 : i32
    %c0_i32_1 = arith.constant 0 : i32
    return %c0_i32, %c0_i32_0 : i32, i32
  }
  func.func @transform_19(%arg0: i32) -> (i32, i32) {
    %c0_i32 = arith.constant 0 : i32
    %c0_i32_0 = arith.constant 0 : i32
    %c0_i32_1 = arith.constant 0 : i32
    return %c0_i32, %c0_i32_0 : i32, i32
  }
  func.func @transform_20(%arg0: i32) -> (i32, i32) {
    %c0_i32 = arith.constant 0 : i32
    %c0_i32_0 = arith.constant 0 : i32
    %c0_i32_1 = arith.constant 0 : i32
    return %c0_i32, %c0_i32_0 : i32, i32
  }
  func.func @transform_21(%arg0: i32) -> (i32, i32) {
    %c0_i32 = arith.constant 0 : i32
    %c0_i32_0 = arith.constant 0 : i32
    %c0_i32_1 = arith.constant 0 : i32
    return %c0_i32, %c0_i32_0 : i32, i32
  }
  func.func @transform_22(%arg0: i32) -> (i32, i32) {
    %c0_i32 = arith.constant 0 : i32
    %c0_i32_0 = arith.constant 0 : i32
    %c0_i32_1 = arith.constant 0 : i32
    return %c0_i32, %c0_i32_0 : i32, i32
  }
  func.func @transform_23(%arg0: i32) -> (i32, i32) {
    %c0_i32 = arith.constant 0 : i32
    %c0_i32_0 = arith.constant 0 : i32
    %c0_i32_1 = arith.constant 0 : i32
    return %c0_i32, %c0_i32_0 : i32, i32
  }
  func.func @transform_24(%arg0: i32) -> (i32, i32) {
    %c0_i32 = arith.constant 0 : i32
    %c0_i32_0 = arith.constant 0 : i32
    %c0_i32_1 = arith.constant 0 : i32
    return %c0_i32, %c0_i32_0 : i32, i32
  }
  func.func @transform_25(%arg0: i32) -> (i32, i32) {
    %c0_i32 = arith.constant 0 : i32
    %c0_i32_0 = arith.constant 0 : i32
    %c0_i32_1 = arith.constant 0 : i32
    return %c0_i32, %c0_i32_0 : i32, i32
  }
  func.func @transform_26(%arg0: i32) -> (i32, i32) {
    %c0_i32 = arith.constant 0 : i32
    %c0_i32_0 = arith.constant 0 : i32
    %c0_i32_1 = arith.constant 0 : i32
    return %c0_i32, %c0_i32_0 : i32, i32
  }
  func.func @transform_27(%arg0: i32) -> (i32, i32) {
    %c0_i32 = arith.constant 0 : i32
    %c0_i32_0 = arith.constant 0 : i32
    %c0_i32_1 = arith.constant 0 : i32
    return %c0_i32, %c0_i32_0 : i32, i32
  }
  func.func @transform_28(%arg0: i32) -> (i32, i32) {
    %c0_i32 = arith.constant 0 : i32
    %c0_i32_0 = arith.constant 0 : i32
    %c0_i32_1 = arith.constant 0 : i32
    return %c0_i32, %c0_i32_0 : i32, i32
  }
  func.func @transform_29(%arg0: i32) -> (i32, i32) {
    %c0_i32 = arith.constant 0 : i32
    %c0_i32_0 = arith.constant 0 : i32
    %c0_i32_1 = arith.constant 0 : i32
    return %c0_i32, %c0_i32_0 : i32, i32
  }
  func.func @transform_30(%arg0: i32) -> (i32, i32) {
    %c0_i32 = arith.constant 0 : i32
    %c0_i32_0 = arith.constant 0 : i32
    %c0_i32_1 = arith.constant 0 : i32
    return %c0_i32, %c0_i32_0 : i32, i32
  }
  func.func @transform_31(%arg0: i32) -> (i32, i32) {
    %c0_i32 = arith.constant 0 : i32
    %c0_i32_0 = arith.constant 0 : i32
    %c0_i32_1 = arith.constant 0 : i32
    return %c0_i32, %c0_i32_0 : i32, i32
  }
  func.func @transform_32(%arg0: i32) -> (i32, i32) {
    %c0_i32 = arith.constant 0 : i32
    %c0_i32_0 = arith.constant 0 : i32
    %c0_i32_1 = arith.constant 0 : i32
    return %c0_i32, %c0_i32_0 : i32, i32
  }
  func.func @transform_33(%arg0: i32) -> (i32, i32) {
    %c0_i32 = arith.constant 0 : i32
    %c0_i32_0 = arith.constant 0 : i32
    %c0_i32_1 = arith.constant 0 : i32
    return %c0_i32, %c0_i32_0 : i32, i32
  }
  func.func @transform_34(%arg0: i32) -> (i32, i32) {
    %c0_i32 = arith.constant 0 : i32
    %c0_i32_0 = arith.constant 0 : i32
    %c0_i32_1 = arith.constant 0 : i32
    return %c0_i32, %c0_i32_0 : i32, i32
  }
  func.func @transform_35(%arg0: i32) -> (i32, i32) {
    %c0_i32 = arith.constant 0 : i32
    %c0_i32_0 = arith.constant 0 : i32
    %c0_i32_1 = arith.constant 0 : i32
    return %c0_i32, %c0_i32_0 : i32, i32
  }
  func.func @transform_36(%arg0: i32) -> (i32, i32) {
    %c0_i32 = arith.constant 0 : i32
    %c0_i32_0 = arith.constant 0 : i32
    %c0_i32_1 = arith.constant 0 : i32
    return %c0_i32, %c0_i32_0 : i32, i32
  }
  func.func @transform_37(%arg0: i32) -> (i32, i32) {
    %c0_i32 = arith.constant 0 : i32
    %c0_i32_0 = arith.constant 0 : i32
    %c0_i32_1 = arith.constant 0 : i32
    return %c0_i32, %c0_i32_0 : i32, i32
  }
  func.func @transform_38(%arg0: i32) -> (i32, i32) {
    %c0_i32 = arith.constant 0 : i32
    %c0_i32_0 = arith.constant 0 : i32
    %c0_i32_1 = arith.constant 0 : i32
    return %c0_i32, %c0_i32_0 : i32, i32
  }
  func.func @transform_39(%arg0: i32) -> (i32, i32) {
    %c0_i32 = arith.constant 0 : i32
    %c0_i32_0 = arith.constant 0 : i32
    %c0_i32_1 = arith.constant 0 : i32
    return %c0_i32, %c0_i32_0 : i32, i32
  }
  func.func @transform_40(%arg0: i32) -> (i32, i32) {
    %c0_i32 = arith.constant 0 : i32
    %c0_i32_0 = arith.constant 0 : i32
    %c0_i32_1 = arith.constant 0 : i32
    return %c0_i32, %c0_i32_0 : i32, i32
  }
  func.func @transform_41(%arg0: i32) -> (i32, i32) {
    %c0_i32 = arith.constant 0 : i32
    %c0_i32_0 = arith.constant 0 : i32
    %c0_i32_1 = arith.constant 0 : i32
    return %c0_i32, %c0_i32_0 : i32, i32
  }
  func.func @transform_42(%arg0: i32) -> (i32, i32) {
    %c0_i32 = arith.constant 0 : i32
    %c0_i32_0 = arith.constant 0 : i32
    %c0_i32_1 = arith.constant 0 : i32
    return %c0_i32, %c0_i32_0 : i32, i32
  }
  func.func @transform_43(%arg0: i32) -> (i32, i32) {
    %c0_i32 = arith.constant 0 : i32
    %c0_i32_0 = arith.constant 0 : i32
    %c0_i32_1 = arith.constant 0 : i32
    return %c0_i32, %c0_i32_0 : i32, i32
  }
  func.func @transform_44(%arg0: i32) -> (i32, i32) {
    %c0_i32 = arith.constant 0 : i32
    %c0_i32_0 = arith.constant 0 : i32
    %c0_i32_1 = arith.constant 0 : i32
    return %c0_i32, %c0_i32_0 : i32, i32
  }
  func.func @transform_45(%arg0: i32) -> (i32, i32) {
    %c0_i32 = arith.constant 0 : i32
    %c0_i32_0 = arith.constant 0 : i32
    %c0_i32_1 = arith.constant 0 : i32
    return %c0_i32, %c0_i32_0 : i32, i32
  }
  func.func @transform_46(%arg0: i32) -> (i32, i32) {
    %c0_i32 = arith.constant 0 : i32
    %c0_i32_0 = arith.constant 0 : i32
    %c0_i32_1 = arith.constant 0 : i32
    return %c0_i32, %c0_i32_0 : i32, i32
  }
  func.func @transform_47(%arg0: i32) -> (i32, i32) {
    %c0_i32 = arith.constant 0 : i32
    %c0_i32_0 = arith.constant 0 : i32
    %c0_i32_1 = arith.constant 0 : i32
    return %c0_i32, %c0_i32_0 : i32, i32
  }
  func.func @transform_48(%arg0: i32) -> (i32, i32) {
    %c0_i32 = arith.constant 0 : i32
    %c0_i32_0 = arith.constant 0 : i32
    %c0_i32_1 = arith.constant 0 : i32
    return %c0_i32, %c0_i32_0 : i32, i32
  }
  func.func @transform_49(%arg0: i32) -> (i32, i32) {
    %c0_i32 = arith.constant 0 : i32
    %c0_i32_0 = arith.constant 0 : i32
    %c0_i32_1 = arith.constant 0 : i32
    return %c0_i32, %c0_i32_0 : i32, i32
  }
  func.func @transform_50(%arg0: i32) -> (i32, i32) {
    %c0_i32 = arith.constant 0 : i32
    %c0_i32_0 = arith.constant 0 : i32
    %c0_i32_1 = arith.constant 0 : i32
    return %c0_i32, %c0_i32_0 : i32, i32
  }
  func.func @transform_51(%arg0: i32) -> (i32, i32) {
    %c0_i32 = arith.constant 0 : i32
    %c0_i32_0 = arith.constant 0 : i32
    %c0_i32_1 = arith.constant 0 : i32
    return %c0_i32, %c0_i32_0 : i32, i32
  }
  func.func @transform_52(%arg0: i32) -> (i32, i32) {
    %c0_i32 = arith.constant 0 : i32
    %c0_i32_0 = arith.constant 0 : i32
    %c0_i32_1 = arith.constant 0 : i32
    return %c0_i32, %c0_i32_0 : i32, i32
  }
  func.func @transform_53(%arg0: i32) -> (i32, i32, i32) {
    %c0_i32 = arith.constant 0 : i32
    %c0_i32_0 = arith.constant 0 : i32
    %c0_i32_1 = arith.constant 0 : i32
    return %arg0, %c0_i32, %c0_i32_0 : i32, i32, i32
  }
}

</mosaic_0001>

<sc_bundles>
// kernel: kernel.5.cloned.1.call-start
scs
__scs_entry_jumppad:
0x0: {  	(pc) =	sbr.rel $0x88, $3  }
0x1: {  	(tag) =	ssettag $0x0;
	lr =	simm.s32 $0x1  }
0x2: {  	[smem:$0x3F6B] =	sst lr;
	_ =	strace $0xD0000000  }
0x3: {  	_ = 	snop  }
0x4: {  	_ = 	snop  }
0x5: {  	_ = 	snop  }
0x6: {  	_ = 	snop  }
0x7: {  	_ = 	snop  }
__scs_overlays_trampoline_lowered:
0x8: {  	[smem:$0x3F7A] =	sst s0  }
0x9: {  	[smem:$0x3F7B] =	sst s1  }
0xa: {  	[smem:$0x3F7C] =	sst s2  }
0xb: {  	[smem:$0x3F7D] =	sst s3  }
0xc: {  	[smem:$0x3F7E] =	sst s4  }
0xd: {  	[smem:$0x3F7F] =	sst s5  }
0xe: {  	[smem:$0x3F80] =	sst s6  }
0xf: {  	[smem:$0x3F81] =	sst s7  }
0x10: {  	[smem:$0x3F82] =	sst s8  }
0x11: {  	[smem:$0x3F83] =	sst s9;
	s0 =	simm.s32 @!p0 $0x0  }
0x12: {  	s1 =	sld [smem:$0x3F69];
	s0 =	simm.s32 @p0 $0x1  }
0x13: {  	[smem:$0x3F84] =	sst s0;
	s0 =	simm.s32 @!p1 $0x0  }
0x14: {  	s2 =	sld [smem:$0x3F68];
	s0 =	simm.s32 @p1 $0x1  }
0x15: {  	[smem:$0x3F85] =	sst s0;
	s0 =	simm.s32 @!p2 $0x0  }
0x16: {  	s3 =	sld [smem:$0x3FDB];
	s0 =	simm.s32 @p2 $0x1  }
0x17: {  	s4 =	simm.s32 $0x1BF5;
	[smem:$0x3F87] =	sst s0  }
0x18: {  	s0 =	sld [smem:$0x3F6A];
	_ =	swait.ge [sflag:s4], $0x0  }
0x19: {  	s7 =	sld [smem:$0x3F6B]  }
0x1a: {  	s8 =	sadd.s32 $0xFFFFE003, lr  }
0x1b: {  	s9 =	sadd.s32 $0xFFFFFEF7, lr;
	s5 =	simm.s32 $0xFFFFFFFF;
	p2 =	slt.u32 s8, $0xFFFFF086  }
0x1c: {  	p1 =	slt.u32 s9, $0xF7A;
	s5 =	simm.s32 @!p2 $0x0  }
0x1d: {  	s5 =	simm.s32 @p1 $0x1;
	p0 =	seq.s32 s7, s2  }
0x1e: {  	s7 =	smul.u32 @!p0 $0xF7A, s2;
	p2 =	seq.s32 @!p0 s5, $0x0  }
0x1f: {  	s9 =	smul.u32 $0xF7A, s1;
	s8 =	simm.s32 @!p0 $0x1BF5;
	p2 =	por !p2, p0  }
0x20: {  	[sflag:s8] =	ssyncset.s32 @!p0 $0xFFFFF086;
	s6 =	sadd.s32 @!p0 s3, s7;
	s7 =	simm.s32 @!p0 $0x108  }
0x21: {  	s3 =	sadd.s32 s3, s9;
	s6 =	sadd.s32 @!p0 $0x88, s6;
	s7 =	simm.s32 @p2 $0x1082  }
0x22: {  	[simem:s7], [sflag:s8] =	dma.local @!p0 [hbm:s6], $0xF7A  }
0x23: {  	s9 =	sor.u32 $0xD0000000, s2;
	s6 =	simm.s32 $0x108;
	_ =	swait.ge @!p0 [sflag:s8], $0x0  }
0x24: {  	s3 =	sadd.s32 $0x88, s3;
	s6 =	simm.s32 @!p1 $0x1082;
	[sflag:s4] =	ssyncset.s32 $0xFFFFF086  }
0x25: {  	[simem:s6], [sflag:s4] =	dma.local [hbm:s3], $0xF7A  }
0x26: {  	[smem:$0x3F6B] =	sst s1;
	(tag) =	ssettag s2;
	_ =	strace s9  }
0x27: {  	s1 =	sld [smem:$0x3F7B]  }
0x28: {  	s2 =	sld [smem:$0x3F7C]  }
0x29: {  	s4 =	sld [smem:$0x3F7E]  }
0x2a: {  	p0 =	seq.s32 s5, $0x0;
	s5 =	sld [smem:$0x3F7F]  }
0x2b: {  	s6 =	sld [smem:$0x3F80]  }
0x2c: {  	s7 =	sld [smem:$0x3F81]  }
0x2d: {  	s3 =	simm.s32 $0x108;
	s8 =	sld [smem:$0x3F82]  }
0x2e: {  	s3 =	simm.s32 @!p0 $0x1082;
	s9 =	sld [smem:$0x3F83]  }
0x2f: {  	lr =	sadd.s32 s0, s3;
	s0 =	sld [smem:$0x3F7A]  }
0x30: {  	s3 =	sld [smem:$0x3F7D]  }
0x31: {  	[smem:$0x3F86] =	sst s10  }
0x32: {  	s10 =	sld [smem:$0x3F84];
	_ =	sdelay $0x3  }
0x33: {  	p0 =	seq.s32 s10, $0x1;
	s10 =	sld [smem:$0x3F86];
	_ =	sdelay $0x3  }
0x34: {  	[smem:$0x3F86] =	sst s10  }
0x35: {  	s10 =	sld [smem:$0x3F85];
	_ =	sdelay $0x3  }
0x36: {  	p1 =	seq.s32 s10, $0x1;
	s10 =	sld [smem:$0x3F86];
	_ =	sdelay $0x3  }
0x37: {  	[smem:$0x3F86] =	sst s10  }
0x38: {  	s10 =	sld [smem:$0x3F87]  }
0x39: {  	_ = 	snop;
	(pc) =	sbr.ind lr, $3  }
0x3a: {  	_ = 	snop  }
0x3b: {  	_ = 	snop  }
0x3c: {  	p2 =	seq.s32 s10, $0x1;
	s10 =	sld [smem:$0x3F86]  }
0x3d: {  	_ =	shalt  }
0x3e: {  	_ =	shalt  }
0x3f: {  	_ =	shalt  }
0x40: {  	_ =	shalt  }
0x41: {  	_ =	shalt  }
0x42: {  	_ =	shalt  }
0x43: {  	_ =	shalt  }
0x44: {  	_ =	shalt  }
0x45: {  	_ =	shalt  }
0x46: {  	_ =	shalt  }
0x47: {  	_ =	shalt  }
0x48: {  	_ =	shalt  }
0x49: {  	_ =	shalt  }
0x4a: {  	_ =	shalt  }
0x4b: {  	_ =	shalt  }
0x4c: {  	_ =	shalt  }
0x4d: {  	_ =	shalt  }
0x4e: {  	_ =	shalt  }
0x4f: {  	_ =	shalt  }
0x50: {  	_ =	shalt  }
0x51: {  	_ =	shalt  }
0x52: {  	_ =	shalt  }
0x53: {  	_ =	shalt  }
0x54: {  	_ =	shalt  }
0x55: {  	_ =	shalt  }
0x56: {  	_ =	shalt  }
0x57: {  	_ =	shalt  }
0x58: {  	_ =	shalt  }
0x59: {  	_ =	shalt  }
0x5a: {  	_ =	shalt  }
0x5b: {  	_ =	shalt  }
0x5c: {  	_ =	shalt  }
0x5d: {  	_ =	shalt  }
0x5e: {  	_ =	shalt  }
0x5f: {  	_ =	shalt  }
0x60: {  	_ =	shalt  }
0x61: {  	_ =	shalt  }
0x62: {  	_ =	shalt  }
0x63: {  	_ =	shalt  }
0x64: {  	_ =	shalt  }
0x65: {  	_ =	shalt  }
0x66: {  	_ =	shalt  }
0x67: {  	_ =	shalt  }
0x68: {  	_ =	shalt  }
0x69: {  	_ =	shalt  }
0x6a: {  	_ =	shalt  }
0x6b: {  	_ =	shalt  }
0x6c: {  	_ =	shalt  }
0x6d: {  	_ =	shalt  }
0x6e: {  	_ =	shalt  }
0x6f: {  	_ =	shalt  }
0x70: {  	_ =	shalt  }
0x71: {  	_ =	shalt  }
0x72: {  	_ =	shalt  }
0x73: {  	_ =	shalt  }
0x74: {  	_ =	shalt  }
0x75: {  	_ =	shalt  }
0x76: {  	_ =	shalt  }
0x77: {  	_ =	shalt  }
0x78: {  	_ =	shalt  }
0x79: {  	_ =	shalt  }
0x7a: {  	_ =	shalt  }
0x7b: {  	_ =	shalt  }
0x7c: {  	_ =	shalt  }
0x7d: {  	_ =	shalt  }
0x7e: {  	_ =	shalt  }
0x7f: {  	_ =	shalt  }
0x80: {  	_ =	shalt  }
0x81: {  	_ =	shalt  }
0x82: {  	_ =	shalt  }
0x83: {  	_ =	shalt  }
0x84: {  	_ =	shalt  }
0x85: {  	_ =	shalt  }
0x86: {  	_ =	shalt  }
0x87: {  	_ =	shalt  }
.Lfunc_end0:
.L_simem_size_0:
called_computation_lowered:
.L_overlay_start_0:
0x88: {  	s2 =	sld [smem:$0x3FD9]  }
0x89: {  	s3 =	sld [smem:$0x3FFE];
	_ =	sdelay $0x1  }
0x8a: {  	s1 =	srdreg.scid  }
0x8b: {  	s0 =	sand.u32 $0x1, s1  }
0x8c: {  	s14 =	sshll.u32 s0, $0xA;
	s2 =	sadd.s32 s3, s2  }
0x8d: {  	s2 =	sadd.s32 s2, s14  }
0x8e: {  	[smem:$0x3F92] =	sst s2  }
0x8f: {  	_ = 	snop  }
0x90: {  	s2 =	sld [smem:$0x3FD0];
	_ =	sdelay $0x2  }
0x91: {  	s15 =	simm.s32 $0xA;
	s4 =	simm.s32 $0x10  }
0x92: {  	[smem:s4], [sflag:s15] =	dma.local [hbm:s2], $0x1  }
0x93: {  	_ =	swait.eq [sflag:s15], $0x1  }
0x94: {  	[sflag:s15] =	ssyncset.done $0x0  }
0x95: {  	[sflag:s15] =	ssyncadd.s32 $0xFFFFFFFF  }
0x96: {  	s16 =	sld [smem:$0x10];
	(tm) =	ssettm $0x1  }
0x97: {  	s17 =	sld [smem:$0x3FFB];
	_ =	sdelay $0x3  }
0x98: {  	_ =	strace s17  }
0x99: {  	s3 =	sld [smem:$0x3FFC];
	_ =	sdelay $0x3  }
0x9a: {  	_ =	strace s3  }
0x9b: {  	s3 =	sld [smem:$0x3FFD];
	_ =	sdelay $0x3  }
0x9c: {  	_ =	strace s3  }
0x9d: {  	_ =	strace $0x8FFFFFFF  }
0x9e: {  	s18 =	sld [smem:$0x3FDB];
	_ =	sdelay $0x1  }
0x9f: {  	s19 =	simm.s32 $_scs_section_size  }
0xa0: {  	s5 =	simm.s32 $_size__tile_overlayer_lowered;
	s6 =	simm.s32 $_tile_overlayer_lowered  }
0xa1: {  	s22 =	simm.s32 $0x1BFF;
	s21 =	sshll.u32 s6, $0x1;
	s3 =	sadd.s32 s19, s18  }
0xa2: {  	s7 =	simm.s32 $0x0;
	s20 =	sshll.u32 s5, $0x1;
	s5 =	sadd.s32 s21, s3  }
0xa3: {  	[timem:s7], [sflag:s22] =	dma.local [hbm:s5], s20  }
0xa4: {  	_ =	swait.ge [sflag:s22], s20  }
0xa5: {  	s4 =	ssub.s32 $0x0, s20;
	[sflag:s22] =	ssyncset.done $0x0  }
0xa6: {  	[sflag:s22] =	ssyncadd.s32 s4;
	_ =	sdelay $0x1  }
0xa7: {  	s23 =	simm.s32 $0x1B8B  }
0xa8: {  	_ =	swait.ge [sflag:s23], $0x1  }
0xa9: {  	[sflag:s23] =	ssyncset.done $0x0  }
0xaa: {  	s25 =	simm.s32 $0x1B8E;
	s24 =	sld [smem:$0x3FFE];
	[sflag:s23] =	ssyncadd.s32 $0xFFFFFFFF  }
0xab: {  	s26 =	simm.s32 $execute0_lowered;
	[smem:$0x3FD2] =	sst s25  }
0xac: {  	s5 =	sshll.u32 s26, $0x1;
	_ =	strace $0x80000046;
	[dreg:$0x1] =	wrdreg $0xFFFFFFFF  }
0xad: {  	s28 =	simm.s32 $_size_execute0_lowered;
	s3 =	sadd.s32 s3, s5;
	[dreg:$0x0] =	wrdreg $0x0  }
0xae: {  	s5 =	sshll.u32 s28, $0x1;
	[dreg:$0x2] =	wrdreg s3  }
0xaf: {  	[dreg:$0x3] =	wrdreg s5  }
0xb0: {  	[dreg:$0x4] =	wrdreg $0xC0  }
0xb1: {  	_ =	task [dreg:s7], $0x5FFFF  }
0xb2: {  	[dreg:$0x1] =	wrdreg $0xFFFFFFFF  }
0xb3: {  	[dreg:$0x0] =	wrdreg $0x60  }
0xb4: {  	[dreg:$0x2] =	wrdreg s24  }
0xb5: {  	[dreg:$0x3] =	wrdreg s16  }
0xb6: {  	[dreg:$0x4] =	wrdreg $0x9  }
0xb7: {  	_ =	task.clear_ibuf [dreg:s7], $0x5FFFF;
	_ =	strace $0x90000046  }
0xb8: {  	s29 =	simm.s32 $0x9;
	_ =	strace $0x80000048  }
0xb9: {  	_ =	swait.ge [sflag:s29], $0x1  }
0xba: {  	[sflag:s29] =	ssyncadd.s32 $0xFFFFFFFF  }
0xbb: {  	_ =	strace $0x90000048  }
0xbc: {  	_ =	sfence  }
0xbd: {  	s30 =	sld [smem:$0x0];
	_ =	sdelay $0x2  }
0xbe: {  	s31 =	sshll.u32 s1, $0xD;
	s1 =	sshrl.u32 s1, $0x2  }
0xbf: {  	s3 =	sand.u32 $0x4000, s31;
	s1 =	sadd.s32 s1, s30  }
0xc0: {  	s0 =	sor.u32 s3, s0;
	s1 =	sshll.u32 s1, $0x11  }
0xc1: {  	s0 =	sor.u32 s1, s0  }
0xc2: {  	s0 =	sadd.s32 $0x8F2B, s0  }
0xc3: {  	[sflag:s0] =	ssyncadd.remote.s32 $0x1  }
0xc4: {  	_ =	sfence.sel $0xFFFF  }
0xc5: {  	[dreg:$0x0] =	wrdreg $0xFFFFFFFF;
	(pc) =	sbr.abs _section_cstart, $3  }
0xc6: {  	[dreg:$0x1] =	wrdreg $0xFFFFFFFF  }
0xc7: {  	_ =	task.clear_ibuf [dreg:s7], $0x2FFFF;
	_ =	strace $0x9FFFFFFF  }
0xc8: {  	(tm) =	ssettm $0x7FFFFFFF  }
0xc9: {  	_ =	shalt  }
tec
execute0_lowered:
.L_overlay_start_1:
0x0: {  	(tag) =	ssettag $0x1  }
0x1: {  	s3 =	rddreg [dreg:$0x0]  }
0x2: {  	s7 =	rddreg [dreg:$0x1]  }
0x3: {  	s0 =	rddreg [dreg:$0x2]  }
0x4: {  	s4 =	srdreg.scid;
	s1 =	stileid.u32  }
0x5: {  	s2 =	simm.s32 $0x0;
	s12 =	simm.s32 $0x1080;
	s13 =	simm.s32 $0x1880  }
0x6: {  	s14 =	simm.s32 $0x2080;
	s15 =	simm.s32 $0x2880;
	s16 =	simm.s32 $0x3080  }
0x7: {  	s17 =	simm.s32 $0x3880;
	s4 =	sand.u32 $0x1, s4;
	s5 =	sshll.u32 s1, $0x1  }
0x8: {  	s18 =	simm.s32 $0x4080;
	s6 =	ssub.s32 $0x2, s4;
	s4 =	sor.u32 s4, s5  }
0x9: {  	s19 =	simm.s32 $0x1;
	[smem:$0x7FF] =	sst s2;
	s8 =	smul.u32 $0x90, s4  }
0xa: {  	s9 =	sadd.s32 $0xEC00, s3;
	s29 =	sshrl.u32 s6, $0x1;
	s31 =	smul.u32 $0x1200, s4  }
0xb: {  	s3 =	sadd.s32 $0x6C00, s3;
	_ =	strace $0x80000047;
	s10 =	ssub.s32 s6, s29  }
0xc: {  	s30 =	sshrl.u32 s8, $0x3;
	s8 =	sadd.s32 $0x48, s8;
	s5 =	sadd.s32 s7, s31  }
0xd: {  	v2 =	vlaneseq.u32;
	s4 =	sadd.s32 s9, s30;
	s11 =	sshrl.u32 s8, $0x3;
	s8 =	sshll.u32 s8, $0x5  }
0xe: {  	vm0 =	vmmov $0xffff;
	v1 =	vshrl.u32 v2, $0x3;
	s6 =	sadd.s32 s9, s11;
	s7 =	sadd.s32 s7, s8;
	s8 =	smax.u32 s10, $0x1  }
0xf: {  	v0 =	vand.u32 $0x7, v2;
	v2 =	vor.u32 $0x8, v2;
	v1 =	vmul.u32 $0x8, v1;
	s9 =	simm.s32 $0x2;
	s10 =	simm.s32 $0x80;
	s11 =	simm.s32 $0x880  }
.LBB2_1:
0x10: {  	[tilespmem:s2], [sflag:$0x2] =	stream.linear.gather [hbm4b:s4+s2], $0x48, $0x38;
	[tilespmem:$0x4880] =	vst v63  }
0x11: {  	_ =	swait.ge [sflag:s9], $0x48  }
0x12: {  	[sflag:s9] =	ssyncset.done $0x0  }
0x13: {  	[sflag:s9] =	ssyncadd.s32 $0xFFFFFFB8  }
0x14: {  	v3 =	vld [tilespmem:$0x0];
	_ =	sdelay $0x4  }
0x15: {  	v4 =	vshll.u32 v3, $0x1  }
0x16: {  	v3 =	vand.u32 $0x7, v3;
	v4 =	vand.u32 $0xFFFFFFF0, v4  }
0x17: {  	v3 =	vor.u32 v3, v4  }
0x18: {  	v4 =	vperm.xlane v3, v0;
	_ =	sdelay $0x1  }
0x19: {  	v3 =	vperm.xlane v3, v2;
	v4 =	vadd.s32 v1, v4;
	_ =	sdelay $0x1  }
0x1a: {  	v3 =	vadd.s32 v1, v3;
	_ =	sdelay $0x2  }
0x1b: {  	[tilespmem:s10], [sflag:$0x1] =	stream.indirect_vreg.gather [hbm4b:s3+s2], $0x80, v4, vm0, $0xb8;
	[tilespmem:$0x4880] =	vst v63  }
0x1c: {  	_ = 	snop  }
0x1d: {  	[tilespmem:s11], [sflag:$0x1] =	stream.indirect_vreg.gather [hbm4b:s3+s2], $0x80, v3, vm0, $0xb8;
	[tilespmem:$0x4880] =	vst v63  }
0x1e: {  	v3 =	vld [tilespmem:$0x10];
	_ =	sdelay $0x4  }
0x1f: {  	v55 =	vshll.u32 v3, $0x1  }
0x20: {  	v3 =	vand.u32 $0x7, v3;
	v4 =	vand.u32 $0xFFFFFFF0, v55  }
0x21: {  	v3 =	vor.u32 v3, v4  }
0x22: {  	v4 =	vperm.xlane v3, v0;
	_ =	sdelay $0x1  }
0x23: {  	v3 =	vperm.xlane v3, v2;
	v4 =	vadd.s32 v1, v4;
	_ =	sdelay $0x1  }
0x24: {  	v3 =	vadd.s32 v1, v3;
	_ =	sdelay $0x2  }
0x25: {  	[tilespmem:s12], [sflag:$0x1] =	stream.indirect_vreg.gather [hbm4b:s3+s2], $0x80, v4, vm0, $0xb8;
	[tilespmem:$0x4880] =	vst v63  }
0x26: {  	_ = 	snop  }
0x27: {  	[tilespmem:s13], [sflag:$0x1] =	stream.indirect_vreg.gather [hbm4b:s3+s2], $0x80, v3, vm0, $0xb8;
	[tilespmem:$0x4880] =	vst v63  }
0x28: {  	v3 =	vld [tilespmem:$0x20];
	_ =	sdelay $0x4  }
0x29: {  	v56 =	vshll.u32 v3, $0x1  }
0x2a: {  	v3 =	vand.u32 $0x7, v3;
	v4 =	vand.u32 $0xFFFFFFF0, v56  }
0x2b: {  	v3 =	vor.u32 v3, v4  }
0x2c: {  	v4 =	vperm.xlane v3, v0;
	_ =	sdelay $0x1  }
0x2d: {  	v3 =	vperm.xlane v3, v2;
	v4 =	vadd.s32 v1, v4;
	_ =	sdelay $0x1  }
0x2e: {  	v3 =	vadd.s32 v1, v3;
	_ =	sdelay $0x2  }
0x2f: {  	[tilespmem:s14], [sflag:$0x1] =	stream.indirect_vreg.gather [hbm4b:s3+s2], $0x80, v4, vm0, $0xb8;
	[tilespmem:$0x4880] =	vst v63  }
0x30: {  	_ = 	snop  }
0x31: {  	[tilespmem:s15], [sflag:$0x1] =	stream.indirect_vreg.gather [hbm4b:s3+s2], $0x80, v3, vm0, $0xb8;
	[tilespmem:$0x4880] =	vst v63  }
0x32: {  	v3 =	vld [tilespmem:$0x30];
	_ =	sdelay $0x4  }
0x33: {  	v57 =	vshll.u32 v3, $0x1  }
0x34: {  	v3 =	vand.u32 $0x7, v3;
	v4 =	vand.u32 $0xFFFFFFF0, v57  }
0x35: {  	v3 =	vor.u32 v3, v4  }
0x36: {  	v4 =	vperm.xlane v3, v0;
	_ =	sdelay $0x1  }
0x37: {  	v3 =	vperm.xlane v3, v2;
	v4 =	vadd.s32 v1, v4;
	_ =	sdelay $0x1  }
0x38: {  	v3 =	vadd.s32 v1, v3;
	_ =	sdelay $0x2  }
0x39: {  	[tilespmem:s16], [sflag:$0x1] =	stream.indirect_vreg.gather [hbm4b:s3+s2], $0x80, v4, vm0, $0xb8;
	[tilespmem:$0x4880] =	vst v63  }
0x3a: {  	_ = 	snop  }
0x3b: {  	[tilespmem:s17], [sflag:$0x1] =	stream.indirect_vreg.gather [hbm4b:s3+s2], $0x80, v3, vm0, $0xb8;
	[tilespmem:$0x4880] =	vst v63  }
0x3c: {  	v3 =	vld.msk [tilespmem:$0x40], $0xff;
	_ =	sdelay $0x4  }
0x3d: {  	v58 =	vshll.u32 v3, $0x1  }
0x3e: {  	v3 =	vand.u32 $0x7, v3;
	v4 =	vand.u32 $0xFFFFFFF0, v58  }
0x3f: {  	v3 =	vor.u32 v3, v4  }
0x40: {  	v3 =	vperm.xlane v3, v0;
	_ =	sdelay $0x1  }
0x41: {  	v3 =	vadd.s32 v1, v3;
	_ =	sdelay $0x4  }
0x42: {  	[tilespmem:s18], [sflag:$0x1] =	stream.indirect_vreg.gather [hbm4b:s3+s2], $0x80, v3, vm0, $0xb8;
	[tilespmem:$0x4880] =	vst v63  }
0x43: {  	_ =	swait.ge [sflag:s19], $0x4800  }
0x44: {  	[sflag:s19] =	ssyncset.done $0x0  }
0x45: {  	[sflag:s19] =	ssyncadd.s32 $0xFFFFB800  }
0x46: {  	[hbm4b:s5+s2] =	stream.linear.scatter [tilespmem:s10], [sflag:$0x2], $0x4800, $0x38;
	[tilespmem:$0x4880] =	vst v63  }
0x47: {  	_ =	swait.ge [sflag:s9], $0x4800  }
0x48: {  	[sflag:s9] =	ssyncset.done $0x0  }
0x49: {  	[sflag:s9] =	ssyncadd.s32 $0xFFFFB800  }
0x4a: {  	[tilespmem:s2], [sflag:$0x2] =	stream.linear.gather [hbm4b:s6+s2], $0x48, $0x38;
	[tilespmem:$0x4880] =	vst v63  }
0x4b: {  	_ =	swait.ge [sflag:s9], $0x48  }
0x4c: {  	[sflag:s9] =	ssyncset.done $0x0  }
0x4d: {  	[sflag:s9] =	ssyncadd.s32 $0xFFFFFFB8  }
0x4e: {  	v3 =	vld [tilespmem:$0x0];
	_ =	sdelay $0x4  }
0x4f: {  	v59 =	vshll.u32 v3, $0x1  }
0x50: {  	v3 =	vand.u32 $0x7, v3;
	v4 =	vand.u32 $0xFFFFFFF0, v59  }
0x51: {  	v3 =	vor.u32 v3, v4  }
0x52: {  	v4 =	vperm.xlane v3, v0;
	_ =	sdelay $0x1  }
0x53: {  	v3 =	vperm.xlane v3, v2;
	v4 =	vadd.s32 v1, v4;
	_ =	sdelay $0x1  }
0x54: {  	v3 =	vadd.s32 v1, v3;
	_ =	sdelay $0x2  }
0x55: {  	[tilespmem:s10], [sflag:$0x1] =	stream.indirect_vreg.gather [hbm4b:s3+s2], $0x80, v4, vm0, $0xb8;
	[tilespmem:$0x4880] =	vst v63  }
0x56: {  	_ = 	snop  }
0x57: {  	[tilespmem:s11], [sflag:$0x1] =	stream.indirect_vreg.gather [hbm4b:s3+s2], $0x80, v3, vm0, $0xb8;
	[tilespmem:$0x4880] =	vst v63  }
0x58: {  	v3 =	vld [tilespmem:$0x10];
	_ =	sdelay $0x4  }
0x59: {  	v60 =	vshll.u32 v3, $0x1  }
0x5a: {  	v3 =	vand.u32 $0x7, v3;
	v4 =	vand.u32 $0xFFFFFFF0, v60  }
0x5b: {  	v3 =	vor.u32 v3, v4  }
0x5c: {  	v4 =	vperm.xlane v3, v0;
	_ =	sdelay $0x1  }
0x5d: {  	v3 =	vperm.xlane v3, v2;
	v4 =	vadd.s32 v1, v4;
	_ =	sdelay $0x1  }
0x5e: {  	v3 =	vadd.s32 v1, v3;
	_ =	sdelay $0x2  }
0x5f: {  	[tilespmem:s12], [sflag:$0x1] =	stream.indirect_vreg.gather [hbm4b:s3+s2], $0x80, v4, vm0, $0xb8;
	[tilespmem:$0x4880] =	vst v63  }
0x60: {  	_ = 	snop  }
0x61: {  	[tilespmem:s13], [sflag:$0x1] =	stream.indirect_vreg.gather [hbm4b:s3+s2], $0x80, v3, vm0, $0xb8;
	[tilespmem:$0x4880] =	vst v63  }
0x62: {  	v3 =	vld [tilespmem:$0x20];
	_ =	sdelay $0x4  }
0x63: {  	v61 =	vshll.u32 v3, $0x1  }
0x64: {  	v3 =	vand.u32 $0x7, v3;
	v4 =	vand.u32 $0xFFFFFFF0, v61  }
0x65: {  	v3 =	vor.u32 v3, v4  }
0x66: {  	v4 =	vperm.xlane v3, v0;
	_ =	sdelay $0x1  }
0x67: {  	v3 =	vperm.xlane v3, v2;
	v4 =	vadd.s32 v1, v4;
	_ =	sdelay $0x1  }
0x68: {  	v3 =	vadd.s32 v1, v3;
	_ =	sdelay $0x2  }
0x69: {  	[tilespmem:s14], [sflag:$0x1] =	stream.indirect_vreg.gather [hbm4b:s3+s2], $0x80, v4, vm0, $0xb8;
	[tilespmem:$0x4880] =	vst v63  }
0x6a: {  	_ = 	snop  }
0x6b: {  	[tilespmem:s15], [sflag:$0x1] =	stream.indirect_vreg.gather [hbm4b:s3+s2], $0x80, v3, vm0, $0xb8;
	[tilespmem:$0x4880] =	vst v63  }
0x6c: {  	v3 =	vld [tilespmem:$0x30];
	_ =	sdelay $0x4  }
0x6d: {  	v62 =	vshll.u32 v3, $0x1  }
0x6e: {  	v3 =	vand.u32 $0x7, v3;
	v4 =	vand.u32 $0xFFFFFFF0, v62  }
0x6f: {  	v3 =	vor.u32 v3, v4  }
0x70: {  	v4 =	vperm.xlane v3, v0;
	_ =	sdelay $0x1  }
0x71: {  	v3 =	vperm.xlane v3, v2;
	v4 =	vadd.s32 v1, v4;
	_ =	sdelay $0x1  }
0x72: {  	v3 =	vadd.s32 v1, v3;
	_ =	sdelay $0x2  }
0x73: {  	[tilespmem:s16], [sflag:$0x1] =	stream.indirect_vreg.gather [hbm4b:s3+s2], $0x80, v4, vm0, $0xb8;
	[tilespmem:$0x4880] =	vst v63  }
0x74: {  	_ = 	snop  }
0x75: {  	[tilespmem:s17], [sflag:$0x1] =	stream.indirect_vreg.gather [hbm4b:s3+s2], $0x80, v3, vm0, $0xb8;
	[tilespmem:$0x4880] =	vst v63  }
0x76: {  	v3 =	vld.msk [tilespmem:$0x40], $0xff;
	_ =	sdelay $0x4  }
0x77: {  	v63 =	vshll.u32 v3, $0x1  }
0x78: {  	v3 =	vand.u32 $0x7, v3;
	v4 =	vand.u32 $0xFFFFFFF0, v63  }
0x79: {  	v3 =	vor.u32 v3, v4  }
0x7a: {  	v3 =	vperm.xlane v3, v0;
	_ =	sdelay $0x1  }
0x7b: {  	v3 =	vadd.s32 v1, v3;
	_ =	sdelay $0x4  }
0x7c: {  	[tilespmem:s18], [sflag:$0x1] =	stream.indirect_vreg.gather [hbm4b:s3+s2], $0x80, v3, vm0, $0xb8;
	[tilespmem:$0x4880] =	vst v63  }
0x7d: {  	_ =	swait.ge [sflag:s19], $0x4800  }
0x7e: {  	p0 =	sne.s32 s8, $0x1;
	[sflag:s19] =	ssyncset.done $0x0  }
.Ltmp0:
0x7f: {  	[sflag:s19] =	ssyncadd.s32 $0xFFFFB800;
	(pc) =	sbr.rel @p0 .LBB2_1-.Ltmp0, $4  }
0x80: {  	[hbm4b:s7+s2] =	stream.linear.scatter [tilespmem:s10], [sflag:$0x2], $0x4800, $0x38;
	[tilespmem:$0x4880] =	vst v63  }
0x81: {  	_ =	swait.ge [sflag:s9], $0x4800  }
0x82: {  	[sflag:s9] =	ssyncset.done $0x0  }
0x83: {  	s8 =	sadd.s32 $0xFFFFFFFF, s8;
	[sflag:s9] =	ssyncadd.s32 $0xFFFFB800  }
0x84: {  	_ =	sfence.sel $0x180000  }
0x85: {  	[bflag:$0x0] =	sbarrier.arrive $0xFFFF  }
0x86: {  	p0 =	sne.s32 s1, $0x0;
	_ =	strace $0x90000047  }
0x87: {  	s0 =	sadd.s32 @!p0 $0x100000, s0;
	[bflag:$0x2] =	sbarrier.arrive $0xFFFF  }
0x88: {  	[sflag:s0] =	ssyncadd.tile.s32 @!p0 $0x1;
	_ =	shalt  }
.Lfunc_end2:
_tile_overlayer_lowered:
.L_overlay_start_2:
0x89: {  	(tag) =	ssettag $0x2  }
0x8a: {  	s0 =	rddreg [dreg:$0x0];
	s2 =	stileid.u32  }
0x8b: {  	s1 =	rddreg [dreg:$0x1];
	p0 =	sne.s32 s2, $0x0  }
0x8c: {  	s3 =	rddreg [dreg:$0x2];
	[bflag:$0x3] =	sbarrier.arrive $0xFFFF;
	s2 =	simm.s32 @!p0 $0x1C02  }
0x8d: {  	[timem:s3], [sflag:s2] =	dma.local @!p0 [hbm:s0], s1  }
0x8e: {  	s0 =	simm.s32 @!p0 $0x2  }
0x8f: {  	_ =	swait.ge @!p0 [sflag:s0], s1  }
0x90: {  	s1 =	ssub.s32 @!p0 $0x0, s1;
	[sflag:s0] =	ssyncset.done @!p0 $0x0  }
0x91: {  	[sflag:s0] =	ssyncadd.s32 @!p0 s1  }
0x92: {  	[bflag:$0x3] =	sbarrier.arrive $0xFFFF  }
0x93: {  	_ =	shalt  }

</sc_bundles>
